<compile_context>
chip_gen: v7x
topology: tpu7x:2x2x1
jax: 0.10.2.dev20260603
libtpu: 0.0.44.dev20260713+nightly
codegen_flags: <defaults>
</compile_context>

<pallas_src>
import functools

import jax
import jax.numpy as jnp
from jax import lax
from jax.experimental import pallas as pl
from jax.experimental.pallas import tpu as pltpu
from jax.experimental.pallas import tpu_sc as plsc

N = 1024
E = 32768
D_IN = 128
F1, F2, F3 = 128, 64, 32
K = 16
T = 16

_NS = 16
_ROWS = N // _NS
_CHUNK = 16384
_LANES = 16

_f32 = jnp.float32

def _sc_body(edges, adj, acc, srcb, dstb):
    c = lax.axis_index("c")
    s = lax.axis_index("s")
    base = s * _ROWS
    zeros16 = jnp.zeros((_LANES,), _f32)
    ones = jnp.ones((_LANES,), _f32)

    def zbody(j, carry):
        acc[j >> 6, pl.ds((j & 63) * _LANES, _LANES)] = zeros16
        return carry

    lax.fori_loop(0, _ROWS * N // _LANES, zbody, 0, unroll=16)

    for t in range(E // _CHUNK):
        off = t * _CHUNK
        pltpu.sync_copy(edges.at[c, 0, pl.ds(off, _CHUNK)], srcb)
        pltpu.sync_copy(edges.at[c, 1, pl.ds(off, _CHUNK)], dstb)

        def step(i, carry2):
            src16 = srcb[pl.ds(i * _LANES, _LANES)]
            dst16 = dstb[pl.ds(i * _LANES, _LANES)]
            rel = dst16 - base
            mask = plsc.bitcast(rel, jnp.uint32) < jnp.uint32(_ROWS)
            col = jnp.where(mask, src16, 0)
            plsc.addupdate_scatter(acc, [rel, col], ones, mask=mask)
            return carry2

        lax.fori_loop(0, _CHUNK // _LANES, step, 0, unroll=8)

    pltpu.sync_copy(acc, adj.at[c, pl.ds(base, _ROWS)])


@functools.cache
def _sc_build_adj():
    mesh = plsc.VectorSubcoreMesh(core_axis_name="c", subcore_axis_name="s")
    return pl.kernel(
        _sc_body,
        mesh=mesh,
        compiler_params=pltpu.CompilerParams(needs_layout_passes=False),
        out_type=jax.ShapeDtypeStruct((2, N, N), _f32),
        scratch_types=[
            pltpu.VMEM((_ROWS, N), _f32),
            pltpu.VMEM((_CHUNK,), jnp.int32),
            pltpu.VMEM((_CHUNK,), jnp.int32),
        ],
    )


def _mm(a, b, prec=None):
    return jnp.dot(a, b, preferred_element_type=_f32, precision=prec)


def _mm_nt(a, b, prec=None):
    return lax.dot_general(a, b, (((1,), (1,)), ((), ())),
                           preferred_element_type=_f32, precision=prec)


def _mm_tn(a, b, prec=None):
    return lax.dot_general(a, b, (((0,), (0,)), ((), ())),
                           preferred_element_type=_f32, precision=prec)


_HI = lax.Precision.HIGHEST


def _sigmoid(x):
    return 1.0 / (1.0 + jnp.exp(-x))


def _rsqrt(x):
    y = lax.rsqrt(x)
    return y * (1.5 - 0.5 * x * y * y)


def _gcn_body(adj_ref, x_ref, W1r, b1r, W2r, b2r, W3r, b3r, af_ref):
    rows = lax.broadcasted_iota(jnp.int32, (N, N), 0)
    cols = lax.broadcasted_iota(jnp.int32, (N, N), 1)
    eye = jnp.where(rows == cols, 1.0, 0.0)
    ones_row = jnp.ones((1, N), _f32)

    A = adj_ref[0]
    deg_col = jnp.sum(A, axis=1, keepdims=True) + 1.0
    deg_row = _mm_nt(ones_row, A, _HI) + 1.0
    dinv_col = _rsqrt(deg_col)
    dinv_row = _rsqrt(deg_row)
    S = (A + eye) * (dinv_col * dinv_row)
    h = jnp.maximum(_mm(S, _mm(x_ref[0], W1r[...]), _HI) + b1r[...], 0.0)
    h = jnp.maximum(_mm(S, _mm(h, W2r[...]), _HI) + b2r[...], 0.0)
    af_ref[0] = _mm(S, _mm(h, W3r[...]), _HI) + b3r[...]


def _gcn_call(adj, feats, W1, b1r, W2, b2r, W3, b3r):
    full = lambda s: pl.BlockSpec(s, lambda g: (0,) * len(s))
    return pl.pallas_call(
        _gcn_body,
        grid=(2,),
        out_shape=jax.ShapeDtypeStruct((2, N, F3), _f32),
        in_specs=[
            pl.BlockSpec((1, N, N), lambda g: (g, 0, 0)),
            pl.BlockSpec((1, N, D_IN), lambda g: (g, 0, 0)),
            full((D_IN, F1)), full((1, F1)),
            full((F1, F2)), full((1, F2)),
            full((F2, F3)), full((1, F3)),
        ],
        out_specs=pl.BlockSpec((1, N, F3), lambda g: (g, 0, 0)),
    )(adj, feats, W1, b1r, W2, b2r, W3, b3r)


_TILE = 256
_NT = N // _TILE


def _score_body(vc_s, vm_s, bs_s, af_ref,
                Wcr, Wmr, War, Wttr, btr, WtbAr, WtbBr,
                Wf1r, bf1r, Wf2r, bf2r, Wf3r, bf3r, Wsr,
                mapm_ref, score_ref, acc_ref):
    i = pl.program_id(0)
    row0 = i * _TILE
    af1t = af_ref[0, pl.ds(row0, _TILE), :]
    af2 = af_ref[1]

    cost = jnp.zeros((_TILE, N), _f32)
    mapm = jnp.zeros((_TILE, N), _f32)
    bf = jnp.bfloat16
    for k in range(K):
        mc = _mm_nt(_mm(af1t, Wcr[k]), af2)
        cost = cost + vc_s[0, k] * jnp.maximum(mc, 0.0)
        mk = _mm_nt(_mm(af1t, Wmr[k]), af2)
        rk = jnp.maximum(mk, 0.0).astype(bf).astype(_f32)
        vk = vm_s[0, k].astype(bf).astype(_f32)
        mapm = mapm + vk * rk
    mapm_ref[...] = mapm

    rowmax = jnp.max(mapm, axis=1, keepdims=True)
    ex = jnp.exp(mapm - rowmax)
    soft = ex / jnp.sum(ex, axis=1, keepdims=True)
    tot_col = jnp.sum(soft * cost, axis=1, keepdims=True)
    partial = jnp.sum(tot_col)
    prev = jnp.where(i == 0, 0.0, acc_ref[0, 0])
    total = prev + partial
    acc_ref[0, 0] = total

    @pl.when(i == _NT - 1)
    def _tail():
        af1 = af_ref[0]

        def attention(af):
            g = jnp.tanh(jnp.mean(_mm(af, War[...]), axis=0, keepdims=True))
            sgate = _sigmoid(_mm_nt(af, g))
            return _mm_tn(sgate, af)

        p1 = attention(af1)
        p2 = attention(af2)

        G = _mm_tn(p1, p2)
        colid = lax.broadcasted_iota(jnp.int32, (1, T), 1)
        sc_row = jnp.zeros((1, T), _f32)
        for t in range(T):
            st = jnp.sum(G * Wttr[t])
            sc_row = sc_row + jnp.where(colid == t, st, 0.0)
        blk_row = _mm(p1, WtbAr[...]) + _mm(p2, WtbBr[...])
        sv = jnp.maximum(sc_row + blk_row + btr[...], 0.0)
        sv = jnp.maximum(_mm(sv, Wf1r[...]) + bf1r[...], 0.0)
        sv = jnp.maximum(_mm(sv, Wf2r[...]) + bf2r[...], 0.0)
        sv = jnp.maximum(_mm(sv, Wf3r[...]) + bf3r[...], 0.0)
        bias11 = _mm(sv, Wsr[...]) + bs_s[0, 0]
        score_ref[...] = _sigmoid(total + bias11)


def _score_call(vc2, vm2, bs2, af, *dense_ops):
    smem = pl.BlockSpec(memory_space=pltpu.SMEM)
    full = pl.BlockSpec(memory_space=pltpu.VMEM)
    return pl.pallas_call(
        _score_body,
        grid=(_NT,),
        out_shape=(jax.ShapeDtypeStruct((N, N), _f32),
                   jax.ShapeDtypeStruct((1, 1), _f32)),
        in_specs=[smem, smem, smem, full] + [full] * len(dense_ops),
        out_specs=(pl.BlockSpec((_TILE, N), lambda i: (i, 0)),
                   pl.BlockSpec((1, 1), lambda i: (0, 0))),
        scratch_shapes=[pltpu.SMEM((1, 1), _f32)],
    )(vc2, vm2, bs2, af, *dense_ops)


def kernel(features_1, features_2, edge_index_1, edge_index_2, A_1, A_2,
           mapping, W1, b1, W2, b2, W3, b3, Wc, vc, Wm, vm, Wa, Wt, Wtb, bt,
           Wf1, bf1, Wf2, bf2, Wf3, bf3, Ws, bs):
    edges = jnp.stack([edge_index_1.astype(jnp.int32),
                       edge_index_2.astype(jnp.int32)])
    adj = _sc_build_adj()(edges)
    feats = jnp.stack([features_1, features_2])

    af = _gcn_call(adj, feats,
                   W1, b1.reshape(1, F1), W2, b2.reshape(1, F2),
                   W3, b3.reshape(1, F3))

    mapm, score11 = _score_call(
        vc.reshape(1, K), vm.reshape(1, K), bs.reshape(1, 1),
        af,
        Wc, Wm, Wa,
        jnp.transpose(Wt, (2, 0, 1)),
        bt.reshape(1, T),
        jnp.transpose(Wtb[:, :F3]),
        jnp.transpose(Wtb[:, F3:]),
        Wf1, bf1.reshape(1, -1), Wf2, bf2.reshape(1, -1),
        Wf3, bf3.reshape(1, -1), Ws)
    return (mapm, score11.reshape(-1))

# --- scband reference (transcript-rebuilt; emitter-appended) ---
"""Pipeline reference for scband-sim-gnn-50861002719840 (READ-ONLY COPY).

The authoritative reference and input builder live on the scoring server;
editing this copy changes nothing except your own understanding.
"""

import jax, jax.numpy as jnp
import numpy as np

N1 = 1024
N2 = 1024
E = 32768
D_IN = 128
F1, F2, F3 = 128, 64, 32
K = 16
T = 16
B1, B2, B3 = 16, 8, 4

def _glorot(key, shape):
    fan_in, fan_out = shape[-2], shape[-1]
    lim = (6.0 / (fan_in + fan_out)) ** 0.5
    return jax.random.uniform(key, shape, minval=-lim, maxval=lim, dtype=jnp.float32)

def _params(key):
    ks = jax.random.split(key, 24)
    p = {}
    p['W1'] = _glorot(ks[0], (D_IN, F1)); p['b1'] = jnp.zeros((F1,), jnp.float32)
    p['W2'] = _glorot(ks[1], (F1, F2)); p['b2'] = jnp.zeros((F2,), jnp.float32)
    p['W3'] = _glorot(ks[2], (F2, F3)); p['b3'] = jnp.zeros((F3,), jnp.float32)
    p['Wc'] = _glorot(ks[3], (K, F3, F3)); p['vc'] = _glorot(ks[4], (1, K)).reshape(K)
    p['Wm'] = _glorot(ks[5], (K, F3, F3)); p['vm'] = _glorot(ks[6], (1, K)).reshape(K)
    p['Wa'] = _glorot(ks[7], (F3, F3))
    p['Wt'] = _glorot(ks[8], (F3, F3 * T)).reshape(F3, F3, T)
    p['Wtb'] = _glorot(ks[9], (T, 2 * F3))
    p['bt'] = jnp.zeros((T, 1), jnp.float32)
    p['Wf1'] = _glorot(ks[10], (T, B1)); p['bf1'] = jnp.zeros((B1,), jnp.float32)
    p['Wf2'] = _glorot(ks[11], (B1, B2)); p['bf2'] = jnp.zeros((B2,), jnp.float32)
    p['Wf3'] = _glorot(ks[12], (B2, B3)); p['bf3'] = jnp.zeros((B3,), jnp.float32)
    p['Ws'] = _glorot(ks[13], (B3, 1)); p['bs'] = jnp.zeros((1,), jnp.float32)
    return p

def setup_inputs(seed: int = 0):
    key = jax.random.key(seed)
    ks = jax.random.split(key, 8)
    inp = {}
    inp['features_1'] = jax.random.normal(ks[0], (N1, D_IN), dtype=jnp.float32)
    inp['features_2'] = jax.random.normal(ks[1], (N2, D_IN), dtype=jnp.float32)
    inp['edge_index_1'] = jax.random.randint(ks[2], (2, E), 0, N1, dtype=jnp.int32)
    inp['edge_index_2'] = jax.random.randint(ks[3], (2, E), 0, N2, dtype=jnp.int32)
    inp['A_1'] = jax.random.uniform(ks[4], (N1, N1), dtype=jnp.float32)
    inp['A_2'] = jax.random.uniform(ks[5], (N2, N2), dtype=jnp.float32)
    inp['mapping'] = jax.random.uniform(ks[6], (N1, N2), dtype=jnp.float32)
    inp.update(_params(ks[7]))
    return inp

def _gcn(x, edge_index, W, b):
    n = x.shape[0]
    src = edge_index[0]; dst = edge_index[1]
    si = jnp.arange(n, dtype=src.dtype)
    src = jnp.concatenate([src, si]); dst = jnp.concatenate([dst, si])
    deg = jnp.zeros((n,), jnp.float32).at[dst].add(1.0)
    dinv = jax.lax.rsqrt(jnp.maximum(deg, 1.0))
    norm = dinv[src] * dinv[dst]
    h = x @ W
    msg = h[src] * norm[:, None]
    out = jnp.zeros((n, W.shape[1]), jnp.float32).at[dst].add(msg)
    return out + b

def _conv_pass(x, ei, W1, b1, W2, b2, W3, b3):
    h = jax.nn.relu(_gcn(x, ei, W1, b1))
    h = jax.nn.relu(_gcn(h, ei, W2, b2))
    return _gcn(h, ei, W3, b3)

def _ged_matrix(e1, e2, W, v):
    m = jnp.einsum('kde,id->kie', W, e1)
    m = jnp.einsum('kie,je->kij', m, e2)
    m = jax.nn.relu(m)
    return jnp.einsum('kij,k->ij', m, v)

def _attention(e, Wa):
    g = jnp.tanh(jnp.mean(e @ Wa, axis=0))
    s = jax.nn.sigmoid(e @ g[:, None])
    return e.T @ s

def _ntn(p1, p2, Wt, Wtb, bt):
    sc = (p1.T @ Wt.reshape(F3, F3 * T)).reshape(F3, T)
    sc = sc.T @ p2
    comb = jnp.concatenate([p1, p2], axis=0)
    blk = Wtb @ comb
    return jax.nn.relu(sc + blk + bt)

def _forward(features_1, features_2, edge_index_1, edge_index_2, W1, b1, W2, b2, W3, b3, Wc, vc, Wm, vm, Wa, Wt, Wtb, bt, Wf1, bf1, Wf2, bf2, Wf3, bf3, Ws, bs):
    af1 = _conv_pass(features_1, edge_index_1, W1, b1, W2, b2, W3, b3)
    af2 = _conv_pass(features_2, edge_index_2, W1, b1, W2, b2, W3, b3)
    cost = _ged_matrix(af1, af2, Wc, vc)
    mapm = _ged_matrix(af1, af2, Wm, vm)
    soft = jax.nn.softmax(mapm, axis=1) * cost
    p1 = _attention(af1, Wa)
    p2 = _attention(af2, Wa)
    s = _ntn(p1, p2, Wt, Wtb, bt).T
    s = jax.nn.relu(s @ Wf1 + bf1)
    s = jax.nn.relu(s @ Wf2 + bf2)
    s = jax.nn.relu(s @ Wf3 + bf3)
    bias = (s @ Ws + bs).reshape(-1)
    score = jax.nn.sigmoid(jnp.sum(soft) + bias)
    return (mapm, score)

def reference(features_1, features_2, edge_index_1, edge_index_2, A_1, A_2, mapping, W1, b1, W2, b2, W3, b3, Wc, vc, Wm, vm, Wa, Wt, Wtb, bt, Wf1, bf1, Wf2, bf2, Wf3, bf3, Ws, bs):
    # A_1, A_2, mapping are carried in the data dict but unused in the non-testing forward path
    return _forward(features_1, features_2, edge_index_1, edge_index_2, W1, b1, W2, b2, W3, b3, Wc, vc, Wm, vm, Wa, Wt, Wtb, bt, Wf1, bf1, Wf2, bf2, Wf3, bf3, Ws, bs)

if __name__ == "__main__":
    import jax
    _d = setup_inputs()
    print(jax.jit(kernel)(*tuple(_d.values())))

</pallas_src>

<mosaic_0001>
#map = affine_map<(d0, d1) -> (0, 0, 0)>
module attributes {stable_mosaic.version = 14 : i64} {
  func.func @_sc_body(%arg0: i32, %arg1: i32, %arg2: memref<2x2x32768xi32, #tpu.memory_space<hbm>>, %arg3: memref<2x1024x1024xf32, #tpu.memory_space<hbm>>, %arg4: memref<64x1024xf32, #tpu.memory_space<vmem>>, %arg5: memref<16384xi32, #tpu.memory_space<vmem>>, %arg6: memref<16384xi32, #tpu.memory_space<vmem>>) attributes {dimension_semantics = [#tpu.dimension_semantics<core_parallel>, #tpu.dimension_semantics<subcore_parallel>], iteration_bounds = array<i64: 2, 16>, scalar_prefetch = 0 : i64, scratch_operands = 3 : i64, tpu.core_type = #tpu.core_type<sc_vector_subcore>, window_params = [{transform_indices = #map}, {transform_indices = #map}]} {
    %mul3A = arith.constant 64 : i32
    %mul3A_0 = arith.muli %arg1, %mul3A : i32
    %broadcast_in_dim3A = arith.constant 0.000000e+00 : f32
    %broadcast_in_dim3A_1 = vector.broadcast %broadcast_in_dim3A : f32 to vector<16xf32>
    %broadcast_in_dim3A_2 = arith.constant 1.000000e+00 : f32
    %broadcast_in_dim3A_3 = vector.broadcast %broadcast_in_dim3A_2 : f32 to vector<16xf32>
    %scan3A = arith.constant 0 : i32
    %scan3A_4 = arith.constant 0 : i32
    %scan3A_5 = arith.constant 4096 : i32
    %scan3A_6 = arith.addi %scan3A_4, %scan3A_5 : i32
    %scan3A_7 = arith.constant 16 : i32
    scf.for %scan3A_24 = %scan3A_4 to %scan3A_6 step %scan3A_7  : i32 {
      %shift_right_arithmetic3A = arith.constant 6 : i32
      %shift_right_arithmetic3A_25 = arith.shrsi %scan3A_24, %shift_right_arithmetic3A : i32
      %and3A = arith.constant 63 : i32
      %and3A_26 = arith.andi %scan3A_24, %and3A : i32
      %mul3A_27 = arith.constant 16 : i32
      %mul3A_28 = arith.muli %and3A_26, %mul3A_27 : i32
      %swap3A = arith.index_cast %shift_right_arithmetic3A_25 : i32 to index
      %swap3A_29 = arith.index_cast %mul3A_28 : i32 to index
      %swap3A_30 = tpu.vector_load %arg4[%swap3A, %swap3A_29] {strides = array<i32>} : memref<64x1024xf32, #tpu.memory_space<vmem>>, vector<16xf32>,
      tpu.vector_store %arg4[%swap3A, %swap3A_29], %broadcast_in_dim3A_1 {strides = array<i32>} : memref<64x1024xf32, #tpu.memory_space<vmem>>, vector<16xf32>,
      %scan3A_31 = arith.constant 1 : i32
      %scan3A_32 = arith.addi %scan3A_24, %scan3A_31 : i32
      %shift_right_arithmetic3A_33 = arith.constant 6 : i32
      %shift_right_arithmetic3A_34 = arith.shrsi %scan3A_32, %shift_right_arithmetic3A_33 : i32
      %and3A_35 = arith.constant 63 : i32
      %and3A_36 = arith.andi %scan3A_32, %and3A_35 : i32
      %mul3A_37 = arith.constant 16 : i32
      %mul3A_38 = arith.muli %and3A_36, %mul3A_37 : i32
      %swap3A_39 = arith.index_cast %shift_right_arithmetic3A_34 : i32 to index
      %swap3A_40 = arith.index_cast %mul3A_38 : i32 to index
      %swap3A_41 = tpu.vector_load %arg4[%swap3A_39, %swap3A_40] {strides = array<i32>} : memref<64x1024xf32, #tpu.memory_space<vmem>>, vector<16xf32>,
      tpu.vector_store %arg4[%swap3A_39, %swap3A_40], %broadcast_in_dim3A_1 {strides = array<i32>} : memref<64x1024xf32, #tpu.memory_space<vmem>>, vector<16xf32>,
      %scan3A_42 = arith.constant 2 : i32
      %scan3A_43 = arith.addi %scan3A_24, %scan3A_42 : i32
      %shift_right_arithmetic3A_44 = arith.constant 6 : i32
      %shift_right_arithmetic3A_45 = arith.shrsi %scan3A_43, %shift_right_arithmetic3A_44 : i32
      %and3A_46 = arith.constant 63 : i32
      %and3A_47 = arith.andi %scan3A_43, %and3A_46 : i32
      %mul3A_48 = arith.constant 16 : i32
      %mul3A_49 = arith.muli %and3A_47, %mul3A_48 : i32
      %swap3A_50 = arith.index_cast %shift_right_arithmetic3A_45 : i32 to index
      %swap3A_51 = arith.index_cast %mul3A_49 : i32 to index
      %swap3A_52 = tpu.vector_load %arg4[%swap3A_50, %swap3A_51] {strides = array<i32>} : memref<64x1024xf32, #tpu.memory_space<vmem>>, vector<16xf32>,
      tpu.vector_store %arg4[%swap3A_50, %swap3A_51], %broadcast_in_dim3A_1 {strides = array<i32>} : memref<64x1024xf32, #tpu.memory_space<vmem>>, vector<16xf32>,
      %scan3A_53 = arith.constant 3 : i32
      %scan3A_54 = arith.addi %scan3A_24, %scan3A_53 : i32
      %shift_right_arithmetic3A_55 = arith.constant 6 : i32
      %shift_right_arithmetic3A_56 = arith.shrsi %scan3A_54, %shift_right_arithmetic3A_55 : i32
      %and3A_57 = arith.constant 63 : i32
      %and3A_58 = arith.andi %scan3A_54, %and3A_57 : i32
      %mul3A_59 = arith.constant 16 : i32
      %mul3A_60 = arith.muli %and3A_58, %mul3A_59 : i32
      %swap3A_61 = arith.index_cast %shift_right_arithmetic3A_56 : i32 to index
      %swap3A_62 = arith.index_cast %mul3A_60 : i32 to index
      %swap3A_63 = tpu.vector_load %arg4[%swap3A_61, %swap3A_62] {strides = array<i32>} : memref<64x1024xf32, #tpu.memory_space<vmem>>, vector<16xf32>,
      tpu.vector_store %arg4[%swap3A_61, %swap3A_62], %broadcast_in_dim3A_1 {strides = array<i32>} : memref<64x1024xf32, #tpu.memory_space<vmem>>, vector<16xf32>,
      %scan3A_64 = arith.constant 4 : i32
      %scan3A_65 = arith.addi %scan3A_24, %scan3A_64 : i32
      %shift_right_arithmetic3A_66 = arith.constant 6 : i32
      %shift_right_arithmetic3A_67 = arith.shrsi %scan3A_65, %shift_right_arithmetic3A_66 : i32
      %and3A_68 = arith.constant 63 : i32
      %and3A_69 = arith.andi %scan3A_65, %and3A_68 : i32
      %mul3A_70 = arith.constant 16 : i32
      %mul3A_71 = arith.muli %and3A_69, %mul3A_70 : i32
      %swap3A_72 = arith.index_cast %shift_right_arithmetic3A_67 : i32 to index
      %swap3A_73 = arith.index_cast %mul3A_71 : i32 to index
      %swap3A_74 = tpu.vector_load %arg4[%swap3A_72, %swap3A_73] {strides = array<i32>} : memref<64x1024xf32, #tpu.memory_space<vmem>>, vector<16xf32>,
      tpu.vector_store %arg4[%swap3A_72, %swap3A_73], %broadcast_in_dim3A_1 {strides = array<i32>} : memref<64x1024xf32, #tpu.memory_space<vmem>>, vector<16xf32>,
      %scan3A_75 = arith.constant 5 : i32
      %scan3A_76 = arith.addi %scan3A_24, %scan3A_75 : i32
      %shift_right_arithmetic3A_77 = arith.constant 6 : i32
      %shift_right_arithmetic3A_78 = arith.shrsi %scan3A_76, %shift_right_arithmetic3A_77 : i32
      %and3A_79 = arith.constant 63 : i32
      %and3A_80 = arith.andi %scan3A_76, %and3A_79 : i32
      %mul3A_81 = arith.constant 16 : i32
      %mul3A_82 = arith.muli %and3A_80, %mul3A_81 : i32
      %swap3A_83 = arith.index_cast %shift_right_arithmetic3A_78 : i32 to index
      %swap3A_84 = arith.index_cast %mul3A_82 : i32 to index
      %swap3A_85 = tpu.vector_load %arg4[%swap3A_83, %swap3A_84] {strides = array<i32>} : memref<64x1024xf32, #tpu.memory_space<vmem>>, vector<16xf32>,
      tpu.vector_store %arg4[%swap3A_83, %swap3A_84], %broadcast_in_dim3A_1 {strides = array<i32>} : memref<64x1024xf32, #tpu.memory_space<vmem>>, vector<16xf32>,
      %scan3A_86 = arith.constant 6 : i32
      %scan3A_87 = arith.addi %scan3A_24, %scan3A_86 : i32
      %shift_right_arithmetic3A_88 = arith.constant 6 : i32
      %shift_right_arithmetic3A_89 = arith.shrsi %scan3A_87, %shift_right_arithmetic3A_88 : i32
      %and3A_90 = arith.constant 63 : i32
      %and3A_91 = arith.andi %scan3A_87, %and3A_90 : i32
      %mul3A_92 = arith.constant 16 : i32
      %mul3A_93 = arith.muli %and3A_91, %mul3A_92 : i32
      %swap3A_94 = arith.index_cast %shift_right_arithmetic3A_89 : i32 to index
      %swap3A_95 = arith.index_cast %mul3A_93 : i32 to index
      %swap3A_96 = tpu.vector_load %arg4[%swap3A_94, %swap3A_95] {strides = array<i32>} : memref<64x1024xf32, #tpu.memory_space<vmem>>, vector<16xf32>,
      tpu.vector_store %arg4[%swap3A_94, %swap3A_95], %broadcast_in_dim3A_1 {strides = array<i32>} : memref<64x1024xf32, #tpu.memory_space<vmem>>, vector<16xf32>,
      %scan3A_97 = arith.constant 7 : i32
      %scan3A_98 = arith.addi %scan3A_24, %scan3A_97 : i32
      %shift_right_arithmetic3A_99 = arith.constant 6 : i32
      %shift_right_arithmetic3A_100 = arith.shrsi %scan3A_98, %shift_right_arithmetic3A_99 : i32
      %and3A_101 = arith.constant 63 : i32
      %and3A_102 = arith.andi %scan3A_98, %and3A_101 : i32
      %mul3A_103 = arith.constant 16 : i32
      %mul3A_104 = arith.muli %and3A_102, %mul3A_103 : i32
      %swap3A_105 = arith.index_cast %shift_right_arithmetic3A_100 : i32 to index
      %swap3A_106 = arith.index_cast %mul3A_104 : i32 to index
      %swap3A_107 = tpu.vector_load %arg4[%swap3A_105, %swap3A_106] {strides = array<i32>} : memref<64x1024xf32, #tpu.memory_space<vmem>>, vector<16xf32>,
      tpu.vector_store %arg4[%swap3A_105, %swap3A_106], %broadcast_in_dim3A_1 {strides = array<i32>} : memref<64x1024xf32, #tpu.memory_space<vmem>>, vector<16xf32>,
      %scan3A_108 = arith.constant 8 : i32
      %scan3A_109 = arith.addi %scan3A_24, %scan3A_108 : i32
      %shift_right_arithmetic3A_110 = arith.constant 6 : i32
      %shift_right_arithmetic3A_111 = arith.shrsi %scan3A_109, %shift_right_arithmetic3A_110 : i32
      %and3A_112 = arith.constant 63 : i32
      %and3A_113 = arith.andi %scan3A_109, %and3A_112 : i32
      %mul3A_114 = arith.constant 16 : i32
      %mul3A_115 = arith.muli %and3A_113, %mul3A_114 : i32
      %swap3A_116 = arith.index_cast %shift_right_arithmetic3A_111 : i32 to index
      %swap3A_117 = arith.index_cast %mul3A_115 : i32 to index
      %swap3A_118 = tpu.vector_load %arg4[%swap3A_116, %swap3A_117] {strides = array<i32>} : memref<64x1024xf32, #tpu.memory_space<vmem>>, vector<16xf32>,
      tpu.vector_store %arg4[%swap3A_116, %swap3A_117], %broadcast_in_dim3A_1 {strides = array<i32>} : memref<64x1024xf32, #tpu.memory_space<vmem>>, vector<16xf32>,
      %scan3A_119 = arith.constant 9 : i32
      %scan3A_120 = arith.addi %scan3A_24, %scan3A_119 : i32
      %shift_right_arithmetic3A_121 = arith.constant 6 : i32
      %shift_right_arithmetic3A_122 = arith.shrsi %scan3A_120, %shift_right_arithmetic3A_121 : i32
      %and3A_123 = arith.constant 63 : i32
      %and3A_124 = arith.andi %scan3A_120, %and3A_123 : i32
      %mul3A_125 = arith.constant 16 : i32
      %mul3A_126 = arith.muli %and3A_124, %mul3A_125 : i32
      %swap3A_127 = arith.index_cast %shift_right_arithmetic3A_122 : i32 to index
      %swap3A_128 = arith.index_cast %mul3A_126 : i32 to index
      %swap3A_129 = tpu.vector_load %arg4[%swap3A_127, %swap3A_128] {strides = array<i32>} : memref<64x1024xf32, #tpu.memory_space<vmem>>, vector<16xf32>,
      tpu.vector_store %arg4[%swap3A_127, %swap3A_128], %broadcast_in_dim3A_1 {strides = array<i32>} : memref<64x1024xf32, #tpu.memory_space<vmem>>, vector<16xf32>,
      %scan3A_130 = arith.constant 10 : i32
      %scan3A_131 = arith.addi %scan3A_24, %scan3A_130 : i32
      %shift_right_arithmetic3A_132 = arith.constant 6 : i32
      %shift_right_arithmetic3A_133 = arith.shrsi %scan3A_131, %shift_right_arithmetic3A_132 : i32
      %and3A_134 = arith.constant 63 : i32
      %and3A_135 = arith.andi %scan3A_131, %and3A_134 : i32
      %mul3A_136 = arith.constant 16 : i32
      %mul3A_137 = arith.muli %and3A_135, %mul3A_136 : i32
      %swap3A_138 = arith.index_cast %shift_right_arithmetic3A_133 : i32 to index
      %swap3A_139 = arith.index_cast %mul3A_137 : i32 to index
      %swap3A_140 = tpu.vector_load %arg4[%swap3A_138, %swap3A_139] {strides = array<i32>} : memref<64x1024xf32, #tpu.memory_space<vmem>>, vector<16xf32>,
      tpu.vector_store %arg4[%swap3A_138, %swap3A_139], %broadcast_in_dim3A_1 {strides = array<i32>} : memref<64x1024xf32, #tpu.memory_space<vmem>>, vector<16xf32>,
      %scan3A_141 = arith.constant 11 : i32
      %scan3A_142 = arith.addi %scan3A_24, %scan3A_141 : i32
      %shift_right_arithmetic3A_143 = arith.constant 6 : i32
      %shift_right_arithmetic3A_144 = arith.shrsi %scan3A_142, %shift_right_arithmetic3A_143 : i32
      %and3A_145 = arith.constant 63 : i32
      %and3A_146 = arith.andi %scan3A_142, %and3A_145 : i32
      %mul3A_147 = arith.constant 16 : i32
      %mul3A_148 = arith.muli %and3A_146, %mul3A_147 : i32
      %swap3A_149 = arith.index_cast %shift_right_arithmetic3A_144 : i32 to index
      %swap3A_150 = arith.index_cast %mul3A_148 : i32 to index
      %swap3A_151 = tpu.vector_load %arg4[%swap3A_149, %swap3A_150] {strides = array<i32>} : memref<64x1024xf32, #tpu.memory_space<vmem>>, vector<16xf32>,
      tpu.vector_store %arg4[%swap3A_149, %swap3A_150], %broadcast_in_dim3A_1 {strides = array<i32>} : memref<64x1024xf32, #tpu.memory_space<vmem>>, vector<16xf32>,
      %scan3A_152 = arith.constant 12 : i32
      %scan3A_153 = arith.addi %scan3A_24, %scan3A_152 : i32
      %shift_right_arithmetic3A_154 = arith.constant 6 : i32
      %shift_right_arithmetic3A_155 = arith.shrsi %scan3A_153, %shift_right_arithmetic3A_154 : i32
      %and3A_156 = arith.constant 63 : i32
      %and3A_157 = arith.andi %scan3A_153, %and3A_156 : i32
      %mul3A_158 = arith.constant 16 : i32
      %mul3A_159 = arith.muli %and3A_157, %mul3A_158 : i32
      %swap3A_160 = arith.index_cast %shift_right_arithmetic3A_155 : i32 to index
      %swap3A_161 = arith.index_cast %mul3A_159 : i32 to index
      %swap3A_162 = tpu.vector_load %arg4[%swap3A_160, %swap3A_161] {strides = array<i32>} : memref<64x1024xf32, #tpu.memory_space<vmem>>, vector<16xf32>,
      tpu.vector_store %arg4[%swap3A_160, %swap3A_161], %broadcast_in_dim3A_1 {strides = array<i32>} : memref<64x1024xf32, #tpu.memory_space<vmem>>, vector<16xf32>,
      %scan3A_163 = arith.constant 13 : i32
      %scan3A_164 = arith.addi %scan3A_24, %scan3A_163 : i32
      %shift_right_arithmetic3A_165 = arith.constant 6 : i32
      %shift_right_arithmetic3A_166 = arith.shrsi %scan3A_164, %shift_right_arithmetic3A_165 : i32
      %and3A_167 = arith.constant 63 : i32
      %and3A_168 = arith.andi %scan3A_164, %and3A_167 : i32
      %mul3A_169 = arith.constant 16 : i32
      %mul3A_170 = arith.muli %and3A_168, %mul3A_169 : i32
      %swap3A_171 = arith.index_cast %shift_right_arithmetic3A_166 : i32 to index
      %swap3A_172 = arith.index_cast %mul3A_170 : i32 to index
      %swap3A_173 = tpu.vector_load %arg4[%swap3A_171, %swap3A_172] {strides = array<i32>} : memref<64x1024xf32, #tpu.memory_space<vmem>>, vector<16xf32>,
      tpu.vector_store %arg4[%swap3A_171, %swap3A_172], %broadcast_in_dim3A_1 {strides = array<i32>} : memref<64x1024xf32, #tpu.memory_space<vmem>>, vector<16xf32>,
      %scan3A_174 = arith.constant 14 : i32
      %scan3A_175 = arith.addi %scan3A_24, %scan3A_174 : i32
      %shift_right_arithmetic3A_176 = arith.constant 6 : i32
      %shift_right_arithmetic3A_177 = arith.shrsi %scan3A_175, %shift_right_arithmetic3A_176 : i32
      %and3A_178 = arith.constant 63 : i32
      %and3A_179 = arith.andi %scan3A_175, %and3A_178 : i32
      %mul3A_180 = arith.constant 16 : i32
      %mul3A_181 = arith.muli %and3A_179, %mul3A_180 : i32
      %swap3A_182 = arith.index_cast %shift_right_arithmetic3A_177 : i32 to index
      %swap3A_183 = arith.index_cast %mul3A_181 : i32 to index
      %swap3A_184 = tpu.vector_load %arg4[%swap3A_182, %swap3A_183] {strides = array<i32>} : memref<64x1024xf32, #tpu.memory_space<vmem>>, vector<16xf32>,
      tpu.vector_store %arg4[%swap3A_182, %swap3A_183], %broadcast_in_dim3A_1 {strides = array<i32>} : memref<64x1024xf32, #tpu.memory_space<vmem>>, vector<16xf32>,
      %scan3A_185 = arith.constant 15 : i32
      %scan3A_186 = arith.addi %scan3A_24, %scan3A_185 : i32
      %shift_right_arithmetic3A_187 = arith.constant 6 : i32
      %shift_right_arithmetic3A_188 = arith.shrsi %scan3A_186, %shift_right_arithmetic3A_187 : i32
      %and3A_189 = arith.constant 63 : i32
      %and3A_190 = arith.andi %scan3A_186, %and3A_189 : i32
      %mul3A_191 = arith.constant 16 : i32
      %mul3A_192 = arith.muli %and3A_190, %mul3A_191 : i32
      %swap3A_193 = arith.index_cast %shift_right_arithmetic3A_188 : i32 to index
      %swap3A_194 = arith.index_cast %mul3A_192 : i32 to index
      %swap3A_195 = tpu.vector_load %arg4[%swap3A_193, %swap3A_194] {strides = array<i32>} : memref<64x1024xf32, #tpu.memory_space<vmem>>, vector<16xf32>,
      tpu.vector_store %arg4[%swap3A_193, %swap3A_194], %broadcast_in_dim3A_1 {strides = array<i32>} : memref<64x1024xf32, #tpu.memory_space<vmem>>, vector<16xf32>,
    }
    %scan3A_8 = arith.constant 4096 : i32
    %run_scoped3A = arith.constant 0 : i32
    "tpu.region"() ({
      %run_scoped3A_24 = tpu.sem_alloc : memref<!tpu.dma_semaphore, #tpu.memory_space<semaphore_mem>>
      %dma_start3A = arith.constant 0 : i32
      %dma_start3A_25 = tpu.memref_slice %arg2[%arg0, %run_scoped3A, %dma_start3A] : memref<2x2x32768xi32, #tpu.memory_space<hbm>> -> memref<1x1x16384xi32, #tpu.memory_space<hbm>>
      %dma_start3A_26 = tpu.memref_squeeze %dma_start3A_25 : memref<1x1x16384xi32, #tpu.memory_space<hbm>> -> memref<16384xi32, #tpu.memory_space<hbm>>
      %dma_start3A_27 = arith.constant 0 : i32
      %dma_start3A_28 = tpu.memref_slice %arg2[%arg0, %run_scoped3A, %dma_start3A_27] : memref<2x2x32768xi32, #tpu.memory_space<hbm>> -> memref<1x1x16384xi32, #tpu.memory_space<hbm>>
      %dma_start3A_29 = tpu.memref_squeeze %dma_start3A_28 : memref<1x1x16384xi32, #tpu.memory_space<hbm>> -> memref<16384xi32, #tpu.memory_space<hbm>>
      tpu.enqueue_dma source(%dma_start3A_29 : memref<16384xi32, #tpu.memory_space<hbm>>) target(%arg5 : memref<16384xi32, #tpu.memory_space<vmem>>) target_semaphore(%run_scoped3A_24 : memref<!tpu.dma_semaphore, #tpu.memory_space<semaphore_mem>>)
      %dma_wait3A = arith.constant 0 : i32
      %dma_wait3A_30 = tpu.memref_slice %arg2[%arg0, %run_scoped3A, %dma_wait3A] : memref<2x2x32768xi32, #tpu.memory_space<hbm>> -> memref<1x1x16384xi32, #tpu.memory_space<hbm>>
      %dma_wait3A_31 = tpu.memref_squeeze %dma_wait3A_30 : memref<1x1x16384xi32, #tpu.memory_space<hbm>> -> memref<16384xi32, #tpu.memory_space<hbm>>
      %dma_wait3A_32 = arith.constant 0 : i32
      %dma_wait3A_33 = tpu.memref_slice %arg2[%arg0, %run_scoped3A, %dma_wait3A_32] : memref<2x2x32768xi32, #tpu.memory_space<hbm>> -> memref<1x1x16384xi32, #tpu.memory_space<hbm>>
      %dma_wait3A_34 = tpu.memref_squeeze %dma_wait3A_33 : memref<1x1x16384xi32, #tpu.memory_space<hbm>> -> memref<16384xi32, #tpu.memory_space<hbm>>
      tpu.wait_dma2 semaphore(%run_scoped3A_24 : memref<!tpu.dma_semaphore, #tpu.memory_space<semaphore_mem>>) src(%dma_wait3A_34 : memref<16384xi32, #tpu.memory_space<hbm>>) dst(%arg5 : memref<16384xi32, #tpu.memory_space<vmem>>)
      tpu.yield
    }) : () -> ()
    %run_scoped3A_9 = arith.constant 1 : i32
    "tpu.region"() ({
      %run_scoped3A_24 = tpu.sem_alloc : memref<!tpu.dma_semaphore, #tpu.memory_space<semaphore_mem>>
      %dma_start3A = arith.constant 0 : i32
      %dma_start3A_25 = tpu.memref_slice %arg2[%arg0, %run_scoped3A_9, %dma_start3A] : memref<2x2x32768xi32, #tpu.memory_space<hbm>> -> memref<1x1x16384xi32, #tpu.memory_space<hbm>>
      %dma_start3A_26 = tpu.memref_squeeze %dma_start3A_25 : memref<1x1x16384xi32, #tpu.memory_space<hbm>> -> memref<16384xi32, #tpu.memory_space<hbm>>
      %dma_start3A_27 = arith.constant 0 : i32
      %dma_start3A_28 = tpu.memref_slice %arg2[%arg0, %run_scoped3A_9, %dma_start3A_27] : memref<2x2x32768xi32, #tpu.memory_space<hbm>> -> memref<1x1x16384xi32, #tpu.memory_space<hbm>>
      %dma_start3A_29 = tpu.memref_squeeze %dma_start3A_28 : memref<1x1x16384xi32, #tpu.memory_space<hbm>> -> memref<16384xi32, #tpu.memory_space<hbm>>
      tpu.enqueue_dma source(%dma_start3A_29 : memref<16384xi32, #tpu.memory_space<hbm>>) target(%arg6 : memref<16384xi32, #tpu.memory_space<vmem>>) target_semaphore(%run_scoped3A_24 : memref<!tpu.dma_semaphore, #tpu.memory_space<semaphore_mem>>)
      %dma_wait3A = arith.constant 0 : i32
      %dma_wait3A_30 = tpu.memref_slice %arg2[%arg0, %run_scoped3A_9, %dma_wait3A] : memref<2x2x32768xi32, #tpu.memory_space<hbm>> -> memref<1x1x16384xi32, #tpu.memory_space<hbm>>
      %dma_wait3A_31 = tpu.memref_squeeze %dma_wait3A_30 : memref<1x1x16384xi32, #tpu.memory_space<hbm>> -> memref<16384xi32, #tpu.memory_space<hbm>>
      %dma_wait3A_32 = arith.constant 0 : i32
      %dma_wait3A_33 = tpu.memref_slice %arg2[%arg0, %run_scoped3A_9, %dma_wait3A_32] : memref<2x2x32768xi32, #tpu.memory_space<hbm>> -> memref<1x1x16384xi32, #tpu.memory_space<hbm>>
      %dma_wait3A_34 = tpu.memref_squeeze %dma_wait3A_33 : memref<1x1x16384xi32, #tpu.memory_space<hbm>> -> memref<16384xi32, #tpu.memory_space<hbm>>
      tpu.wait_dma2 semaphore(%run_scoped3A_24 : memref<!tpu.dma_semaphore, #tpu.memory_space<semaphore_mem>>) src(%dma_wait3A_34 : memref<16384xi32, #tpu.memory_space<hbm>>) dst(%arg6 : memref<16384xi32, #tpu.memory_space<vmem>>)
      tpu.yield
    }) : () -> ()
    %scan3A_10 = arith.constant 0 : i32
    %scan3A_11 = arith.constant 0 : i32
    %scan3A_12 = arith.constant 1024 : i32
    %scan3A_13 = arith.addi %scan3A_11, %scan3A_12 : i32
    %scan3A_14 = arith.constant 8 : i32
    scf.for %scan3A_24 = %scan3A_11 to %scan3A_13 step %scan3A_14  : i32 {
      %mul3A_25 = arith.constant 16 : i32
      %mul3A_26 = arith.muli %scan3A_24, %mul3A_25 : i32
      %get3A = arith.index_cast %mul3A_26 : i32 to index
      %get3A_27 = tpu.vector_load %arg5[%get3A] {strides = array<i32>} : memref<16384xi32, #tpu.memory_space<vmem>>, vector<16xi32>,
      %mul3A_28 = arith.constant 16 : i32
      %mul3A_29 = arith.muli %scan3A_24, %mul3A_28 : i32
      %get3A_30 = arith.index_cast %mul3A_29 : i32 to index
      %get3A_31 = tpu.vector_load %arg6[%get3A_30] {strides = array<i32>} : memref<16384xi32, #tpu.memory_space<vmem>>, vector<16xi32>,
      %sub3A = vector.broadcast %mul3A_0 : i32 to vector<16xi32>
      %sub3A_32 = arith.subi %get3A_31, %sub3A : vector<16xi32>
      %bitcast3A = vector.bitcast %sub3A_32 : vector<16xi32> to vector<16xi32>
      %lt3A = arith.constant 64 : i32
      %lt3A_33 = vector.broadcast %lt3A : i32 to vector<16xi32>
      %lt3A_34 = arith.cmpi ult, %bitcast3A, %lt3A_33 : vector<16xi32>
      %jit3A = arith.constant 0 : i32
      %broadcast_in_dim3A_35 = vector.broadcast %jit3A : i32 to vector<16xi32>
      %select_n3A = arith.select %lt3A_34, %get3A_27, %broadcast_in_dim3A_35 : vector<16xi1>, vector<16xi32>
      tpu.vector_store_idx %arg4[%sub3A_32, %select_n3A], %broadcast_in_dim3A_3 masked %lt3A_34 {add = true} : memref<64x1024xf32, #tpu.memory_space<vmem>>[vector<16xi32>, vector<16xi32>], vector<16xf32>, vector<16xi1>
      %scan3A_36 = arith.constant 1 : i32
      %scan3A_37 = arith.addi %scan3A_24, %scan3A_36 : i32
      %mul3A_38 = arith.constant 16 : i32
      %mul3A_39 = arith.muli %scan3A_37, %mul3A_38 : i32
      %get3A_40 = arith.index_cast %mul3A_39 : i32 to index
      %get3A_41 = tpu.vector_load %arg5[%get3A_40] {strides = array<i32>} : memref<16384xi32, #tpu.memory_space<vmem>>, vector<16xi32>,
      %mul3A_42 = arith.constant 16 : i32
      %mul3A_43 = arith.muli %scan3A_37, %mul3A_42 : i32
      %get3A_44 = arith.index_cast %mul3A_43 : i32 to index
      %get3A_45 = tpu.vector_load %arg6[%get3A_44] {strides = array<i32>} : memref<16384xi32, #tpu.memory_space<vmem>>, vector<16xi32>,
      %sub3A_46 = vector.broadcast %mul3A_0 : i32 to vector<16xi32>
      %sub3A_47 = arith.subi %get3A_45, %sub3A_46 : vector<16xi32>
      %bitcast3A_48 = vector.bitcast %sub3A_47 : vector<16xi32> to vector<16xi32>
      %lt3A_49 = arith.constant 64 : i32
      %lt3A_50 = vector.broadcast %lt3A_49 : i32 to vector<16xi32>
      %lt3A_51 = arith.cmpi ult, %bitcast3A_48, %lt3A_50 : vector<16xi32>
      %jit3A_52 = arith.constant 0 : i32
      %broadcast_in_dim3A_53 = vector.broadcast %jit3A_52 : i32 to vector<16xi32>
      %select_n3A_54 = arith.select %lt3A_51, %get3A_41, %broadcast_in_dim3A_53 : vector<16xi1>, vector<16xi32>
      tpu.vector_store_idx %arg4[%sub3A_47, %select_n3A_54], %broadcast_in_dim3A_3 masked %lt3A_51 {add = true} : memref<64x1024xf32, #tpu.memory_space<vmem>>[vector<16xi32>, vector<16xi32>], vector<16xf32>, vector<16xi1>
      %scan3A_55 = arith.constant 2 : i32
      %scan3A_56 = arith.addi %scan3A_24, %scan3A_55 : i32
      %mul3A_57 = arith.constant 16 : i32
      %mul3A_58 = arith.muli %scan3A_56, %mul3A_57 : i32
      %get3A_59 = arith.index_cast %mul3A_58 : i32 to index
      %get3A_60 = tpu.vector_load %arg5[%get3A_59] {strides = array<i32>} : memref<16384xi32, #tpu.memory_space<vmem>>, vector<16xi32>,
      %mul3A_61 = arith.constant 16 : i32
      %mul3A_62 = arith.muli %scan3A_56, %mul3A_61 : i32
      %get3A_63 = arith.index_cast %mul3A_62 : i32 to index
      %get3A_64 = tpu.vector_load %arg6[%get3A_63] {strides = array<i32>} : memref<16384xi32, #tpu.memory_space<vmem>>, vector<16xi32>,
      %sub3A_65 = vector.broadcast %mul3A_0 : i32 to vector<16xi32>
      %sub3A_66 = arith.subi %get3A_64, %sub3A_65 : vector<16xi32>
      %bitcast3A_67 = vector.bitcast %sub3A_66 : vector<16xi32> to vector<16xi32>
      %lt3A_68 = arith.constant 64 : i32
      %lt3A_69 = vector.broadcast %lt3A_68 : i32 to vector<16xi32>
      %lt3A_70 = arith.cmpi ult, %bitcast3A_67, %lt3A_69 : vector<16xi32>
      %jit3A_71 = arith.constant 0 : i32
      %broadcast_in_dim3A_72 = vector.broadcast %jit3A_71 : i32 to vector<16xi32>
      %select_n3A_73 = arith.select %lt3A_70, %get3A_60, %broadcast_in_dim3A_72 : vector<16xi1>, vector<16xi32>
      tpu.vector_store_idx %arg4[%sub3A_66, %select_n3A_73], %broadcast_in_dim3A_3 masked %lt3A_70 {add = true} : memref<64x1024xf32, #tpu.memory_space<vmem>>[vector<16xi32>, vector<16xi32>], vector<16xf32>, vector<16xi1>
      %scan3A_74 = arith.constant 3 : i32
      %scan3A_75 = arith.addi %scan3A_24, %scan3A_74 : i32
      %mul3A_76 = arith.constant 16 : i32
      %mul3A_77 = arith.muli %scan3A_75, %mul3A_76 : i32
      %get3A_78 = arith.index_cast %mul3A_77 : i32 to index
      %get3A_79 = tpu.vector_load %arg5[%get3A_78] {strides = array<i32>} : memref<16384xi32, #tpu.memory_space<vmem>>, vector<16xi32>,
      %mul3A_80 = arith.constant 16 : i32
      %mul3A_81 = arith.muli %scan3A_75, %mul3A_80 : i32
      %get3A_82 = arith.index_cast %mul3A_81 : i32 to index
      %get3A_83 = tpu.vector_load %arg6[%get3A_82] {strides = array<i32>} : memref<16384xi32, #tpu.memory_space<vmem>>, vector<16xi32>,
      %sub3A_84 = vector.broadcast %mul3A_0 : i32 to vector<16xi32>
      %sub3A_85 = arith.subi %get3A_83, %sub3A_84 : vector<16xi32>
      %bitcast3A_86 = vector.bitcast %sub3A_85 : vector<16xi32> to vector<16xi32>
      %lt3A_87 = arith.constant 64 : i32
      %lt3A_88 = vector.broadcast %lt3A_87 : i32 to vector<16xi32>
      %lt3A_89 = arith.cmpi ult, %bitcast3A_86, %lt3A_88 : vector<16xi32>
      %jit3A_90 = arith.constant 0 : i32
      %broadcast_in_dim3A_91 = vector.broadcast %jit3A_90 : i32 to vector<16xi32>
      %select_n3A_92 = arith.select %lt3A_89, %get3A_79, %broadcast_in_dim3A_91 : vector<16xi1>, vector<16xi32>
      tpu.vector_store_idx %arg4[%sub3A_85, %select_n3A_92], %broadcast_in_dim3A_3 masked %lt3A_89 {add = true} : memref<64x1024xf32, #tpu.memory_space<vmem>>[vector<16xi32>, vector<16xi32>], vector<16xf32>, vector<16xi1>
      %scan3A_93 = arith.constant 4 : i32
      %scan3A_94 = arith.addi %scan3A_24, %scan3A_93 : i32
      %mul3A_95 = arith.constant 16 : i32
      %mul3A_96 = arith.muli %scan3A_94, %mul3A_95 : i32
      %get3A_97 = arith.index_cast %mul3A_96 : i32 to index
      %get3A_98 = tpu.vector_load %arg5[%get3A_97] {strides = array<i32>} : memref<16384xi32, #tpu.memory_space<vmem>>, vector<16xi32>,
      %mul3A_99 = arith.constant 16 : i32
      %mul3A_100 = arith.muli %scan3A_94, %mul3A_99 : i32
      %get3A_101 = arith.index_cast %mul3A_100 : i32 to index
      %get3A_102 = tpu.vector_load %arg6[%get3A_101] {strides = array<i32>} : memref<16384xi32, #tpu.memory_space<vmem>>, vector<16xi32>,
      %sub3A_103 = vector.broadcast %mul3A_0 : i32 to vector<16xi32>
      %sub3A_104 = arith.subi %get3A_102, %sub3A_103 : vector<16xi32>
      %bitcast3A_105 = vector.bitcast %sub3A_104 : vector<16xi32> to vector<16xi32>
      %lt3A_106 = arith.constant 64 : i32
      %lt3A_107 = vector.broadcast %lt3A_106 : i32 to vector<16xi32>
      %lt3A_108 = arith.cmpi ult, %bitcast3A_105, %lt3A_107 : vector<16xi32>
      %jit3A_109 = arith.constant 0 : i32
      %broadcast_in_dim3A_110 = vector.broadcast %jit3A_109 : i32 to vector<16xi32>
      %select_n3A_111 = arith.select %lt3A_108, %get3A_98, %broadcast_in_dim3A_110 : vector<16xi1>, vector<16xi32>
      tpu.vector_store_idx %arg4[%sub3A_104, %select_n3A_111], %broadcast_in_dim3A_3 masked %lt3A_108 {add = true} : memref<64x1024xf32, #tpu.memory_space<vmem>>[vector<16xi32>, vector<16xi32>], vector<16xf32>, vector<16xi1>
      %scan3A_112 = arith.constant 5 : i32
      %scan3A_113 = arith.addi %scan3A_24, %scan3A_112 : i32
      %mul3A_114 = arith.constant 16 : i32
      %mul3A_115 = arith.muli %scan3A_113, %mul3A_114 : i32
      %get3A_116 = arith.index_cast %mul3A_115 : i32 to index
      %get3A_117 = tpu.vector_load %arg5[%get3A_116] {strides = array<i32>} : memref<16384xi32, #tpu.memory_space<vmem>>, vector<16xi32>,
      %mul3A_118 = arith.constant 16 : i32
      %mul3A_119 = arith.muli %scan3A_113, %mul3A_118 : i32
      %get3A_120 = arith.index_cast %mul3A_119 : i32 to index
      %get3A_121 = tpu.vector_load %arg6[%get3A_120] {strides = array<i32>} : memref<16384xi32, #tpu.memory_space<vmem>>, vector<16xi32>,
      %sub3A_122 = vector.broadcast %mul3A_0 : i32 to vector<16xi32>
      %sub3A_123 = arith.subi %get3A_121, %sub3A_122 : vector<16xi32>
      %bitcast3A_124 = vector.bitcast %sub3A_123 : vector<16xi32> to vector<16xi32>
      %lt3A_125 = arith.constant 64 : i32
      %lt3A_126 = vector.broadcast %lt3A_125 : i32 to vector<16xi32>
      %lt3A_127 = arith.cmpi ult, %bitcast3A_124, %lt3A_126 : vector<16xi32>
      %jit3A_128 = arith.constant 0 : i32
      %broadcast_in_dim3A_129 = vector.broadcast %jit3A_128 : i32 to vector<16xi32>
      %select_n3A_130 = arith.select %lt3A_127, %get3A_117, %broadcast_in_dim3A_129 : vector<16xi1>, vector<16xi32>
      tpu.vector_store_idx %arg4[%sub3A_123, %select_n3A_130], %broadcast_in_dim3A_3 masked %lt3A_127 {add = true} : memref<64x1024xf32, #tpu.memory_space<vmem>>[vector<16xi32>, vector<16xi32>], vector<16xf32>, vector<16xi1>
      %scan3A_131 = arith.constant 6 : i32
      %scan3A_132 = arith.addi %scan3A_24, %scan3A_131 : i32
      %mul3A_133 = arith.constant 16 : i32
      %mul3A_134 = arith.muli %scan3A_132, %mul3A_133 : i32
      %get3A_135 = arith.index_cast %mul3A_134 : i32 to index
      %get3A_136 = tpu.vector_load %arg5[%get3A_135] {strides = array<i32>} : memref<16384xi32, #tpu.memory_space<vmem>>, vector<16xi32>,
      %mul3A_137 = arith.constant 16 : i32
      %mul3A_138 = arith.muli %scan3A_132, %mul3A_137 : i32
      %get3A_139 = arith.index_cast %mul3A_138 : i32 to index
      %get3A_140 = tpu.vector_load %arg6[%get3A_139] {strides = array<i32>} : memref<16384xi32, #tpu.memory_space<vmem>>, vector<16xi32>,
      %sub3A_141 = vector.broadcast %mul3A_0 : i32 to vector<16xi32>
      %sub3A_142 = arith.subi %get3A_140, %sub3A_141 : vector<16xi32>
      %bitcast3A_143 = vector.bitcast %sub3A_142 : vector<16xi32> to vector<16xi32>
      %lt3A_144 = arith.constant 64 : i32
      %lt3A_145 = vector.broadcast %lt3A_144 : i32 to vector<16xi32>
      %lt3A_146 = arith.cmpi ult, %bitcast3A_143, %lt3A_145 : vector<16xi32>
      %jit3A_147 = arith.constant 0 : i32
      %broadcast_in_dim3A_148 = vector.broadcast %jit3A_147 : i32 to vector<16xi32>
      %select_n3A_149 = arith.select %lt3A_146, %get3A_136, %broadcast_in_dim3A_148 : vector<16xi1>, vector<16xi32>
      tpu.vector_store_idx %arg4[%sub3A_142, %select_n3A_149], %broadcast_in_dim3A_3 masked %lt3A_146 {add = true} : memref<64x1024xf32, #tpu.memory_space<vmem>>[vector<16xi32>, vector<16xi32>], vector<16xf32>, vector<16xi1>
      %scan3A_150 = arith.constant 7 : i32
      %scan3A_151 = arith.addi %scan3A_24, %scan3A_150 : i32
      %mul3A_152 = arith.constant 16 : i32
      %mul3A_153 = arith.muli %scan3A_151, %mul3A_152 : i32
      %get3A_154 = arith.index_cast %mul3A_153 : i32 to index
      %get3A_155 = tpu.vector_load %arg5[%get3A_154] {strides = array<i32>} : memref<16384xi32, #tpu.memory_space<vmem>>, vector<16xi32>,
      %mul3A_156 = arith.constant 16 : i32
      %mul3A_157 = arith.muli %scan3A_151, %mul3A_156 : i32
      %get3A_158 = arith.index_cast %mul3A_157 : i32 to index
      %get3A_159 = tpu.vector_load %arg6[%get3A_158] {strides = array<i32>} : memref<16384xi32, #tpu.memory_space<vmem>>, vector<16xi32>,
      %sub3A_160 = vector.broadcast %mul3A_0 : i32 to vector<16xi32>
      %sub3A_161 = arith.subi %get3A_159, %sub3A_160 : vector<16xi32>
      %bitcast3A_162 = vector.bitcast %sub3A_161 : vector<16xi32> to vector<16xi32>
      %lt3A_163 = arith.constant 64 : i32
      %lt3A_164 = vector.broadcast %lt3A_163 : i32 to vector<16xi32>
      %lt3A_165 = arith.cmpi ult, %bitcast3A_162, %lt3A_164 : vector<16xi32>
      %jit3A_166 = arith.constant 0 : i32
      %broadcast_in_dim3A_167 = vector.broadcast %jit3A_166 : i32 to vector<16xi32>
      %select_n3A_168 = arith.select %lt3A_165, %get3A_155, %broadcast_in_dim3A_167 : vector<16xi1>, vector<16xi32>
      tpu.vector_store_idx %arg4[%sub3A_161, %select_n3A_168], %broadcast_in_dim3A_3 masked %lt3A_165 {add = true} : memref<64x1024xf32, #tpu.memory_space<vmem>>[vector<16xi32>, vector<16xi32>], vector<16xf32>, vector<16xi1>
    }
    %scan3A_15 = arith.constant 1024 : i32
    %run_scoped3A_16 = arith.constant 0 : i32
    "tpu.region"() ({
      %run_scoped3A_24 = tpu.sem_alloc : memref<!tpu.dma_semaphore, #tpu.memory_space<semaphore_mem>>
      %dma_start3A = arith.constant 16384 : i32
      %dma_start3A_25 = tpu.memref_slice %arg2[%arg0, %run_scoped3A_16, %dma_start3A] : memref<2x2x32768xi32, #tpu.memory_space<hbm>> -> memref<1x1x16384xi32, #tpu.memory_space<hbm>>
      %dma_start3A_26 = tpu.memref_squeeze %dma_start3A_25 : memref<1x1x16384xi32, #tpu.memory_space<hbm>> -> memref<16384xi32, #tpu.memory_space<hbm>>
      %dma_start3A_27 = arith.constant 16384 : i32
      %dma_start3A_28 = tpu.memref_slice %arg2[%arg0, %run_scoped3A_16, %dma_start3A_27] : memref<2x2x32768xi32, #tpu.memory_space<hbm>> -> memref<1x1x16384xi32, #tpu.memory_space<hbm>>
      %dma_start3A_29 = tpu.memref_squeeze %dma_start3A_28 : memref<1x1x16384xi32, #tpu.memory_space<hbm>> -> memref<16384xi32, #tpu.memory_space<hbm>>
      tpu.enqueue_dma source(%dma_start3A_29 : memref<16384xi32, #tpu.memory_space<hbm>>) target(%arg5 : memref<16384xi32, #tpu.memory_space<vmem>>) target_semaphore(%run_scoped3A_24 : memref<!tpu.dma_semaphore, #tpu.memory_space<semaphore_mem>>)
      %dma_wait3A = arith.constant 16384 : i32
      %dma_wait3A_30 = tpu.memref_slice %arg2[%arg0, %run_scoped3A_16, %dma_wait3A] : memref<2x2x32768xi32, #tpu.memory_space<hbm>> -> memref<1x1x16384xi32, #tpu.memory_space<hbm>>
      %dma_wait3A_31 = tpu.memref_squeeze %dma_wait3A_30 : memref<1x1x16384xi32, #tpu.memory_space<hbm>> -> memref<16384xi32, #tpu.memory_space<hbm>>
      %dma_wait3A_32 = arith.constant 16384 : i32
      %dma_wait3A_33 = tpu.memref_slice %arg2[%arg0, %run_scoped3A_16, %dma_wait3A_32] : memref<2x2x32768xi32, #tpu.memory_space<hbm>> -> memref<1x1x16384xi32, #tpu.memory_space<hbm>>
      %dma_wait3A_34 = tpu.memref_squeeze %dma_wait3A_33 : memref<1x1x16384xi32, #tpu.memory_space<hbm>> -> memref<16384xi32, #tpu.memory_space<hbm>>
      tpu.wait_dma2 semaphore(%run_scoped3A_24 : memref<!tpu.dma_semaphore, #tpu.memory_space<semaphore_mem>>) src(%dma_wait3A_34 : memref<16384xi32, #tpu.memory_space<hbm>>) dst(%arg5 : memref<16384xi32, #tpu.memory_space<vmem>>)
      tpu.yield
    }) : () -> ()
    %run_scoped3A_17 = arith.constant 1 : i32
    "tpu.region"() ({
      %run_scoped3A_24 = tpu.sem_alloc : memref<!tpu.dma_semaphore, #tpu.memory_space<semaphore_mem>>
      %dma_start3A = arith.constant 16384 : i32
      %dma_start3A_25 = tpu.memref_slice %arg2[%arg0, %run_scoped3A_17, %dma_start3A] : memref<2x2x32768xi32, #tpu.memory_space<hbm>> -> memref<1x1x16384xi32, #tpu.memory_space<hbm>>
      %dma_start3A_26 = tpu.memref_squeeze %dma_start3A_25 : memref<1x1x16384xi32, #tpu.memory_space<hbm>> -> memref<16384xi32, #tpu.memory_space<hbm>>
      %dma_start3A_27 = arith.constant 16384 : i32
      %dma_start3A_28 = tpu.memref_slice %arg2[%arg0, %run_scoped3A_17, %dma_start3A_27] : memref<2x2x32768xi32, #tpu.memory_space<hbm>> -> memref<1x1x16384xi32, #tpu.memory_space<hbm>>
      %dma_start3A_29 = tpu.memref_squeeze %dma_start3A_28 : memref<1x1x16384xi32, #tpu.memory_space<hbm>> -> memref<16384xi32, #tpu.memory_space<hbm>>
      tpu.enqueue_dma source(%dma_start3A_29 : memref<16384xi32, #tpu.memory_space<hbm>>) target(%arg6 : memref<16384xi32, #tpu.memory_space<vmem>>) target_semaphore(%run_scoped3A_24 : memref<!tpu.dma_semaphore, #tpu.memory_space<semaphore_mem>>)
      %dma_wait3A = arith.constant 16384 : i32
      %dma_wait3A_30 = tpu.memref_slice %arg2[%arg0, %run_scoped3A_17, %dma_wait3A] : memref<2x2x32768xi32, #tpu.memory_space<hbm>> -> memref<1x1x16384xi32, #tpu.memory_space<hbm>>
      %dma_wait3A_31 = tpu.memref_squeeze %dma_wait3A_30 : memref<1x1x16384xi32, #tpu.memory_space<hbm>> -> memref<16384xi32, #tpu.memory_space<hbm>>
      %dma_wait3A_32 = arith.constant 16384 : i32
      %dma_wait3A_33 = tpu.memref_slice %arg2[%arg0, %run_scoped3A_17, %dma_wait3A_32] : memref<2x2x32768xi32, #tpu.memory_space<hbm>> -> memref<1x1x16384xi32, #tpu.memory_space<hbm>>
      %dma_wait3A_34 = tpu.memref_squeeze %dma_wait3A_33 : memref<1x1x16384xi32, #tpu.memory_space<hbm>> -> memref<16384xi32, #tpu.memory_space<hbm>>
      tpu.wait_dma2 semaphore(%run_scoped3A_24 : memref<!tpu.dma_semaphore, #tpu.memory_space<semaphore_mem>>) src(%dma_wait3A_34 : memref<16384xi32, #tpu.memory_space<hbm>>) dst(%arg6 : memref<16384xi32, #tpu.memory_space<vmem>>)
      tpu.yield
    }) : () -> ()
    %scan3A_18 = arith.constant 0 : i32
    %scan3A_19 = arith.constant 0 : i32
    %scan3A_20 = arith.constant 1024 : i32
    %scan3A_21 = arith.addi %scan3A_19, %scan3A_20 : i32
    %scan3A_22 = arith.constant 8 : i32
    scf.for %scan3A_24 = %scan3A_19 to %scan3A_21 step %scan3A_22  : i32 {
      %mul3A_25 = arith.constant 16 : i32
      %mul3A_26 = arith.muli %scan3A_24, %mul3A_25 : i32
      %get3A = arith.index_cast %mul3A_26 : i32 to index
      %get3A_27 = tpu.vector_load %arg5[%get3A] {strides = array<i32>} : memref<16384xi32, #tpu.memory_space<vmem>>, vector<16xi32>,
      %mul3A_28 = arith.constant 16 : i32
      %mul3A_29 = arith.muli %scan3A_24, %mul3A_28 : i32
      %get3A_30 = arith.index_cast %mul3A_29 : i32 to index
      %get3A_31 = tpu.vector_load %arg6[%get3A_30] {strides = array<i32>} : memref<16384xi32, #tpu.memory_space<vmem>>, vector<16xi32>,
      %sub3A = vector.broadcast %mul3A_0 : i32 to vector<16xi32>
      %sub3A_32 = arith.subi %get3A_31, %sub3A : vector<16xi32>
      %bitcast3A = vector.bitcast %sub3A_32 : vector<16xi32> to vector<16xi32>
      %lt3A = arith.constant 64 : i32
      %lt3A_33 = vector.broadcast %lt3A : i32 to vector<16xi32>
      %lt3A_34 = arith.cmpi ult, %bitcast3A, %lt3A_33 : vector<16xi32>
      %jit3A = arith.constant 0 : i32
      %broadcast_in_dim3A_35 = vector.broadcast %jit3A : i32 to vector<16xi32>
      %select_n3A = arith.select %lt3A_34, %get3A_27, %broadcast_in_dim3A_35 : vector<16xi1>, vector<16xi32>
      tpu.vector_store_idx %arg4[%sub3A_32, %select_n3A], %broadcast_in_dim3A_3 masked %lt3A_34 {add = true} : memref<64x1024xf32, #tpu.memory_space<vmem>>[vector<16xi32>, vector<16xi32>], vector<16xf32>, vector<16xi1>
      %scan3A_36 = arith.constant 1 : i32
      %scan3A_37 = arith.addi %scan3A_24, %scan3A_36 : i32
      %mul3A_38 = arith.constant 16 : i32
      %mul3A_39 = arith.muli %scan3A_37, %mul3A_38 : i32
      %get3A_40 = arith.index_cast %mul3A_39 : i32 to index
      %get3A_41 = tpu.vector_load %arg5[%get3A_40] {strides = array<i32>} : memref<16384xi32, #tpu.memory_space<vmem>>, vector<16xi32>,
      %mul3A_42 = arith.constant 16 : i32
      %mul3A_43 = arith.muli %scan3A_37, %mul3A_42 : i32
      %get3A_44 = arith.index_cast %mul3A_43 : i32 to index
      %get3A_45 = tpu.vector_load %arg6[%get3A_44] {strides = array<i32>} : memref<16384xi32, #tpu.memory_space<vmem>>, vector<16xi32>,
      %sub3A_46 = vector.broadcast %mul3A_0 : i32 to vector<16xi32>
      %sub3A_47 = arith.subi %get3A_45, %sub3A_46 : vector<16xi32>
      %bitcast3A_48 = vector.bitcast %sub3A_47 : vector<16xi32> to vector<16xi32>
      %lt3A_49 = arith.constant 64 : i32
      %lt3A_50 = vector.broadcast %lt3A_49 : i32 to vector<16xi32>
      %lt3A_51 = arith.cmpi ult, %bitcast3A_48, %lt3A_50 : vector<16xi32>
      %jit3A_52 = arith.constant 0 : i32
      %broadcast_in_dim3A_53 = vector.broadcast %jit3A_52 : i32 to vector<16xi32>
      %select_n3A_54 = arith.select %lt3A_51, %get3A_41, %broadcast_in_dim3A_53 : vector<16xi1>, vector<16xi32>
      tpu.vector_store_idx %arg4[%sub3A_47, %select_n3A_54], %broadcast_in_dim3A_3 masked %lt3A_51 {add = true} : memref<64x1024xf32, #tpu.memory_space<vmem>>[vector<16xi32>, vector<16xi32>], vector<16xf32>, vector<16xi1>
      %scan3A_55 = arith.constant 2 : i32
      %scan3A_56 = arith.addi %scan3A_24, %scan3A_55 : i32
      %mul3A_57 = arith.constant 16 : i32
      %mul3A_58 = arith.muli %scan3A_56, %mul3A_57 : i32
      %get3A_59 = arith.index_cast %mul3A_58 : i32 to index
      %get3A_60 = tpu.vector_load %arg5[%get3A_59] {strides = array<i32>} : memref<16384xi32, #tpu.memory_space<vmem>>, vector<16xi32>,
      %mul3A_61 = arith.constant 16 : i32
      %mul3A_62 = arith.muli %scan3A_56, %mul3A_61 : i32
      %get3A_63 = arith.index_cast %mul3A_62 : i32 to index
      %get3A_64 = tpu.vector_load %arg6[%get3A_63] {strides = array<i32>} : memref<16384xi32, #tpu.memory_space<vmem>>, vector<16xi32>,
      %sub3A_65 = vector.broadcast %mul3A_0 : i32 to vector<16xi32>
      %sub3A_66 = arith.subi %get3A_64, %sub3A_65 : vector<16xi32>
      %bitcast3A_67 = vector.bitcast %sub3A_66 : vector<16xi32> to vector<16xi32>
      %lt3A_68 = arith.constant 64 : i32
      %lt3A_69 = vector.broadcast %lt3A_68 : i32 to vector<16xi32>
      %lt3A_70 = arith.cmpi ult, %bitcast3A_67, %lt3A_69 : vector<16xi32>
      %jit3A_71 = arith.constant 0 : i32
      %broadcast_in_dim3A_72 = vector.broadcast %jit3A_71 : i32 to vector<16xi32>
      %select_n3A_73 = arith.select %lt3A_70, %get3A_60, %broadcast_in_dim3A_72 : vector<16xi1>, vector<16xi32>
      tpu.vector_store_idx %arg4[%sub3A_66, %select_n3A_73], %broadcast_in_dim3A_3 masked %lt3A_70 {add = true} : memref<64x1024xf32, #tpu.memory_space<vmem>>[vector<16xi32>, vector<16xi32>], vector<16xf32>, vector<16xi1>
      %scan3A_74 = arith.constant 3 : i32
      %scan3A_75 = arith.addi %scan3A_24, %scan3A_74 : i32
      %mul3A_76 = arith.constant 16 : i32
      %mul3A_77 = arith.muli %scan3A_75, %mul3A_76 : i32
      %get3A_78 = arith.index_cast %mul3A_77 : i32 to index
      %get3A_79 = tpu.vector_load %arg5[%get3A_78] {strides = array<i32>} : memref<16384xi32, #tpu.memory_space<vmem>>, vector<16xi32>,
      %mul3A_80 = arith.constant 16 : i32
      %mul3A_81 = arith.muli %scan3A_75, %mul3A_80 : i32
      %get3A_82 = arith.index_cast %mul3A_81 : i32 to index
      %get3A_83 = tpu.vector_load %arg6[%get3A_82] {strides = array<i32>} : memref<16384xi32, #tpu.memory_space<vmem>>, vector<16xi32>,
      %sub3A_84 = vector.broadcast %mul3A_0 : i32 to vector<16xi32>
      %sub3A_85 = arith.subi %get3A_83, %sub3A_84 : vector<16xi32>
      %bitcast3A_86 = vector.bitcast %sub3A_85 : vector<16xi32> to vector<16xi32>
      %lt3A_87 = arith.constant 64 : i32
      %lt3A_88 = vector.broadcast %lt3A_87 : i32 to vector<16xi32>
      %lt3A_89 = arith.cmpi ult, %bitcast3A_86, %lt3A_88 : vector<16xi32>
      %jit3A_90 = arith.constant 0 : i32
      %broadcast_in_dim3A_91 = vector.broadcast %jit3A_90 : i32 to vector<16xi32>
      %select_n3A_92 = arith.select %lt3A_89, %get3A_79, %broadcast_in_dim3A_91 : vector<16xi1>, vector<16xi32>
      tpu.vector_store_idx %arg4[%sub3A_85, %select_n3A_92], %broadcast_in_dim3A_3 masked %lt3A_89 {add = true} : memref<64x1024xf32, #tpu.memory_space<vmem>>[vector<16xi32>, vector<16xi32>], vector<16xf32>, vector<16xi1>
      %scan3A_93 = arith.constant 4 : i32
      %scan3A_94 = arith.addi %scan3A_24, %scan3A_93 : i32
      %mul3A_95 = arith.constant 16 : i32
      %mul3A_96 = arith.muli %scan3A_94, %mul3A_95 : i32
      %get3A_97 = arith.index_cast %mul3A_96 : i32 to index
      %get3A_98 = tpu.vector_load %arg5[%get3A_97] {strides = array<i32>} : memref<16384xi32, #tpu.memory_space<vmem>>, vector<16xi32>,
      %mul3A_99 = arith.constant 16 : i32
      %mul3A_100 = arith.muli %scan3A_94, %mul3A_99 : i32
      %get3A_101 = arith.index_cast %mul3A_100 : i32 to index
      %get3A_102 = tpu.vector_load %arg6[%get3A_101] {strides = array<i32>} : memref<16384xi32, #tpu.memory_space<vmem>>, vector<16xi32>,
      %sub3A_103 = vector.broadcast %mul3A_0 : i32 to vector<16xi32>
      %sub3A_104 = arith.subi %get3A_102, %sub3A_103 : vector<16xi32>
      %bitcast3A_105 = vector.bitcast %sub3A_104 : vector<16xi32> to vector<16xi32>
      %lt3A_106 = arith.constant 64 : i32
      %lt3A_107 = vector.broadcast %lt3A_106 : i32 to vector<16xi32>
      %lt3A_108 = arith.cmpi ult, %bitcast3A_105, %lt3A_107 : vector<16xi32>
      %jit3A_109 = arith.constant 0 : i32
      %broadcast_in_dim3A_110 = vector.broadcast %jit3A_109 : i32 to vector<16xi32>
      %select_n3A_111 = arith.select %lt3A_108, %get3A_98, %broadcast_in_dim3A_110 : vector<16xi1>, vector<16xi32>
      tpu.vector_store_idx %arg4[%sub3A_104, %select_n3A_111], %broadcast_in_dim3A_3 masked %lt3A_108 {add = true} : memref<64x1024xf32, #tpu.memory_space<vmem>>[vector<16xi32>, vector<16xi32>], vector<16xf32>, vector<16xi1>
      %scan3A_112 = arith.constant 5 : i32
      %scan3A_113 = arith.addi %scan3A_24, %scan3A_112 : i32
      %mul3A_114 = arith.constant 16 : i32
      %mul3A_115 = arith.muli %scan3A_113, %mul3A_114 : i32
      %get3A_116 = arith.index_cast %mul3A_115 : i32 to index
      %get3A_117 = tpu.vector_load %arg5[%get3A_116] {strides = array<i32>} : memref<16384xi32, #tpu.memory_space<vmem>>, vector<16xi32>,
      %mul3A_118 = arith.constant 16 : i32
      %mul3A_119 = arith.muli %scan3A_113, %mul3A_118 : i32
      %get3A_120 = arith.index_cast %mul3A_119 : i32 to index
      %get3A_121 = tpu.vector_load %arg6[%get3A_120] {strides = array<i32>} : memref<16384xi32, #tpu.memory_space<vmem>>, vector<16xi32>,
      %sub3A_122 = vector.broadcast %mul3A_0 : i32 to vector<16xi32>
      %sub3A_123 = arith.subi %get3A_121, %sub3A_122 : vector<16xi32>
      %bitcast3A_124 = vector.bitcast %sub3A_123 : vector<16xi32> to vector<16xi32>
      %lt3A_125 = arith.constant 64 : i32
      %lt3A_126 = vector.broadcast %lt3A_125 : i32 to vector<16xi32>
      %lt3A_127 = arith.cmpi ult, %bitcast3A_124, %lt3A_126 : vector<16xi32>
      %jit3A_128 = arith.constant 0 : i32
      %broadcast_in_dim3A_129 = vector.broadcast %jit3A_128 : i32 to vector<16xi32>
      %select_n3A_130 = arith.select %lt3A_127, %get3A_117, %broadcast_in_dim3A_129 : vector<16xi1>, vector<16xi32>
      tpu.vector_store_idx %arg4[%sub3A_123, %select_n3A_130], %broadcast_in_dim3A_3 masked %lt3A_127 {add = true} : memref<64x1024xf32, #tpu.memory_space<vmem>>[vector<16xi32>, vector<16xi32>], vector<16xf32>, vector<16xi1>
      %scan3A_131 = arith.constant 6 : i32
      %scan3A_132 = arith.addi %scan3A_24, %scan3A_131 : i32
      %mul3A_133 = arith.constant 16 : i32
      %mul3A_134 = arith.muli %scan3A_132, %mul3A_133 : i32
      %get3A_135 = arith.index_cast %mul3A_134 : i32 to index
      %get3A_136 = tpu.vector_load %arg5[%get3A_135] {strides = array<i32>} : memref<16384xi32, #tpu.memory_space<vmem>>, vector<16xi32>,
      %mul3A_137 = arith.constant 16 : i32
      %mul3A_138 = arith.muli %scan3A_132, %mul3A_137 : i32
      %get3A_139 = arith.index_cast %mul3A_138 : i32 to index
      %get3A_140 = tpu.vector_load %arg6[%get3A_139] {strides = array<i32>} : memref<16384xi32, #tpu.memory_space<vmem>>, vector<16xi32>,
      %sub3A_141 = vector.broadcast %mul3A_0 : i32 to vector<16xi32>
      %sub3A_142 = arith.subi %get3A_140, %sub3A_141 : vector<16xi32>
      %bitcast3A_143 = vector.bitcast %sub3A_142 : vector<16xi32> to vector<16xi32>
      %lt3A_144 = arith.constant 64 : i32
      %lt3A_145 = vector.broadcast %lt3A_144 : i32 to vector<16xi32>
      %lt3A_146 = arith.cmpi ult, %bitcast3A_143, %lt3A_145 : vector<16xi32>
      %jit3A_147 = arith.constant 0 : i32
      %broadcast_in_dim3A_148 = vector.broadcast %jit3A_147 : i32 to vector<16xi32>
      %select_n3A_149 = arith.select %lt3A_146, %get3A_136, %broadcast_in_dim3A_148 : vector<16xi1>, vector<16xi32>
      tpu.vector_store_idx %arg4[%sub3A_142, %select_n3A_149], %broadcast_in_dim3A_3 masked %lt3A_146 {add = true} : memref<64x1024xf32, #tpu.memory_space<vmem>>[vector<16xi32>, vector<16xi32>], vector<16xf32>, vector<16xi1>
      %scan3A_150 = arith.constant 7 : i32
      %scan3A_151 = arith.addi %scan3A_24, %scan3A_150 : i32
      %mul3A_152 = arith.constant 16 : i32
      %mul3A_153 = arith.muli %scan3A_151, %mul3A_152 : i32
      %get3A_154 = arith.index_cast %mul3A_153 : i32 to index
      %get3A_155 = tpu.vector_load %arg5[%get3A_154] {strides = array<i32>} : memref<16384xi32, #tpu.memory_space<vmem>>, vector<16xi32>,
      %mul3A_156 = arith.constant 16 : i32
      %mul3A_157 = arith.muli %scan3A_151, %mul3A_156 : i32
      %get3A_158 = arith.index_cast %mul3A_157 : i32 to index
      %get3A_159 = tpu.vector_load %arg6[%get3A_158] {strides = array<i32>} : memref<16384xi32, #tpu.memory_space<vmem>>, vector<16xi32>,
      %sub3A_160 = vector.broadcast %mul3A_0 : i32 to vector<16xi32>
      %sub3A_161 = arith.subi %get3A_159, %sub3A_160 : vector<16xi32>
      %bitcast3A_162 = vector.bitcast %sub3A_161 : vector<16xi32> to vector<16xi32>
      %lt3A_163 = arith.constant 64 : i32
      %lt3A_164 = vector.broadcast %lt3A_163 : i32 to vector<16xi32>
      %lt3A_165 = arith.cmpi ult, %bitcast3A_162, %lt3A_164 : vector<16xi32>
      %jit3A_166 = arith.constant 0 : i32
      %broadcast_in_dim3A_167 = vector.broadcast %jit3A_166 : i32 to vector<16xi32>
      %select_n3A_168 = arith.select %lt3A_165, %get3A_155, %broadcast_in_dim3A_167 : vector<16xi1>, vector<16xi32>
      tpu.vector_store_idx %arg4[%sub3A_161, %select_n3A_168], %broadcast_in_dim3A_3 masked %lt3A_165 {add = true} : memref<64x1024xf32, #tpu.memory_space<vmem>>[vector<16xi32>, vector<16xi32>], vector<16xf32>, vector<16xi1>
    }
    %scan3A_23 = arith.constant 1024 : i32
    "tpu.region"() ({
      %run_scoped3A_24 = tpu.sem_alloc : memref<!tpu.dma_semaphore, #tpu.memory_space<semaphore_mem>>
      %dma_start3A = arith.constant 0 : i32
      %dma_start3A_25 = tpu.memref_slice %arg3[%arg0, %mul3A_0, %dma_start3A] : memref<2x1024x1024xf32, #tpu.memory_space<hbm>> -> memref<1x64x1024xf32, #tpu.memory_space<hbm>>
      %dma_start3A_26 = tpu.memref_squeeze %dma_start3A_25 : memref<1x64x1024xf32, #tpu.memory_space<hbm>> -> memref<64x1024xf32, #tpu.memory_space<hbm>>
      %dma_start3A_27 = arith.constant 0 : i32
      %dma_start3A_28 = tpu.memref_slice %arg3[%arg0, %mul3A_0, %dma_start3A_27] : memref<2x1024x1024xf32, #tpu.memory_space<hbm>> -> memref<1x64x1024xf32, #tpu.memory_space<hbm>>
      %dma_start3A_29 = tpu.memref_squeeze %dma_start3A_28 : memref<1x64x1024xf32, #tpu.memory_space<hbm>> -> memref<64x1024xf32, #tpu.memory_space<hbm>>
      tpu.enqueue_dma source(%arg4 : memref<64x1024xf32, #tpu.memory_space<vmem>>) target(%dma_start3A_29 : memref<64x1024xf32, #tpu.memory_space<hbm>>) target_semaphore(%run_scoped3A_24 : memref<!tpu.dma_semaphore, #tpu.memory_space<semaphore_mem>>)
      %dma_wait3A = arith.constant 0 : i32
      %dma_wait3A_30 = tpu.memref_slice %arg3[%arg0, %mul3A_0, %dma_wait3A] : memref<2x1024x1024xf32, #tpu.memory_space<hbm>> -> memref<1x64x1024xf32, #tpu.memory_space<hbm>>
      %dma_wait3A_31 = tpu.memref_squeeze %dma_wait3A_30 : memref<1x64x1024xf32, #tpu.memory_space<hbm>> -> memref<64x1024xf32, #tpu.memory_space<hbm>>
      %dma_wait3A_32 = arith.constant 0 : i32
      %dma_wait3A_33 = tpu.memref_slice %arg3[%arg0, %mul3A_0, %dma_wait3A_32] : memref<2x1024x1024xf32, #tpu.memory_space<hbm>> -> memref<1x64x1024xf32, #tpu.memory_space<hbm>>
      %dma_wait3A_34 = tpu.memref_squeeze %dma_wait3A_33 : memref<1x64x1024xf32, #tpu.memory_space<hbm>> -> memref<64x1024xf32, #tpu.memory_space<hbm>>
      tpu.wait_dma2 semaphore(%run_scoped3A_24 : memref<!tpu.dma_semaphore, #tpu.memory_space<semaphore_mem>>) src(%arg4 : memref<64x1024xf32, #tpu.memory_space<vmem>>) dst(%dma_wait3A_34 : memref<64x1024xf32, #tpu.memory_space<hbm>>)
      tpu.yield
    }) : () -> ()
    return
  }
}

module attributes {stable_mosaic.version = 14 : i64} {
  func.func @_score_body(%arg0: i32, %arg1: memref<1x16xf32, #tpu.memory_space<smem>>, %arg2: memref<1x16xf32, #tpu.memory_space<smem>>, %arg3: memref<1x1xf32, #tpu.memory_space<smem>>, %arg4: memref<2x1024x32xf32, #tpu.memory_space<vmem>>, %arg5: memref<16x32x32xf32, #tpu.memory_space<vmem>>, %arg6: memref<16x32x32xf32, #tpu.memory_space<vmem>>, %arg7: memref<32x32xf32, #tpu.memory_space<vmem>>, %arg8: memref<16x32x32xf32, #tpu.memory_space<vmem>>, %arg9: memref<1x16xf32, #tpu.memory_space<vmem>>, %arg10: memref<32x16xf32, #tpu.memory_space<vmem>>, %arg11: memref<32x16xf32, #tpu.memory_space<vmem>>, %arg12: memref<16x16xf32, #tpu.memory_space<vmem>>, %arg13: memref<1x16xf32, #tpu.memory_space<vmem>>, %arg14: memref<16x8xf32, #tpu.memory_space<vmem>>, %arg15: memref<1x8xf32, #tpu.memory_space<vmem>>, %arg16: memref<8x4xf32, #tpu.memory_space<vmem>>, %arg17: memref<1x4xf32, #tpu.memory_space<vmem>>, %arg18: memref<4x1xf32, #tpu.memory_space<vmem>>, %arg19: memref<256x1024xf32, #tpu.memory_space<vmem>>, %arg20: memref<1x1xf32, #tpu.memory_space<vmem>>, %arg21: memref<1x1xf32, #tpu.memory_space<smem>>) attributes {dimension_semantics = [#tpu.dimension_semantics<arbitrary>], iteration_bounds = array<i64: 4>, scalar_prefetch = 0 : i64, scratch_operands = 1 : i64, tpu.core_type = #tpu.core_type<tc>, window_params = [{transform_indices = @transform_0, window_bounds = array<i64: 1, 16>}, {transform_indices = @transform_1, window_bounds = array<i64: 1, 16>}, {transform_indices = @transform_2, window_bounds = array<i64: 1, 1>}, {pipeline_mode = #tpu.pipeline_mode<synchronous>, transform_indices = @transform_3, window_bounds = array<i64: 2, 1024, 32>}, {pipeline_mode = #tpu.pipeline_mode<synchronous>, transform_indices = @transform_4, window_bounds = array<i64: 16, 32, 32>}, {pipeline_mode = #tpu.pipeline_mode<synchronous>, transform_indices = @transform_5, window_bounds = array<i64: 16, 32, 32>}, {pipeline_mode = #tpu.pipeline_mode<synchronous>, transform_indices = @transform_6, window_bounds = array<i64: 32, 32>}, {pipeline_mode = #tpu.pipeline_mode<synchronous>, transform_indices = @transform_7, window_bounds = array<i64: 16, 32, 32>}, {pipeline_mode = #tpu.pipeline_mode<synchronous>, transform_indices = @transform_8, window_bounds = array<i64: 1, 16>}, {pipeline_mode = #tpu.pipeline_mode<synchronous>, transform_indices = @transform_9, window_bounds = array<i64: 32, 16>}, {pipeline_mode = #tpu.pipeline_mode<synchronous>, transform_indices = @transform_10, window_bounds = array<i64: 32, 16>}, {pipeline_mode = #tpu.pipeline_mode<synchronous>, transform_indices = @transform_11, window_bounds = array<i64: 16, 16>}, {pipeline_mode = #tpu.pipeline_mode<synchronous>, transform_indices = @transform_12, window_bounds = array<i64: 1, 16>}, {pipeline_mode = #tpu.pipeline_mode<synchronous>, transform_indices = @transform_13, window_bounds = array<i64: 16, 8>}, {pipeline_mode = #tpu.pipeline_mode<synchronous>, transform_indices = @transform_14, window_bounds = array<i64: 1, 8>}, {pipeline_mode = #tpu.pipeline_mode<synchronous>, transform_indices = @transform_15, window_bounds = array<i64: 8, 4>}, {pipeline_mode = #tpu.pipeline_mode<synchronous>, transform_indices = @transform_16, window_bounds = array<i64: 1, 4>}, {pipeline_mode = #tpu.pipeline_mode<synchronous>, transform_indices = @transform_17, window_bounds = array<i64: 4, 1>}, {transform_indices = @transform_18, window_bounds = array<i64: 256, 1024>}, {pipeline_mode = #tpu.pipeline_mode<synchronous>, transform_indices = @transform_19, window_bounds = array<i64: 1, 1>}]} {
    %mul3A = arith.constant 256 : i32
    %mul3A_0 = arith.muli %arg0, %mul3A : i32
    %get3A = arith.constant 0 : index
    %get3A_1 = arith.index_cast %mul3A_0 : i32 to index
    %get3A_2 = arith.constant 0 : index
    %get3A_3 = vector.load %arg4[%get3A, %get3A_1, %get3A_2] : memref<2x1024x32xf32, #tpu.memory_space<vmem>>, vector<1x256x32xf32>
    %get3A_4 = vector.shape_cast %get3A_3 : vector<1x256x32xf32> to vector<256x32xf32>
    %get3A_5 = arith.constant 1 : index
    %get3A_6 = arith.constant 0 : index
    %get3A_7 = arith.constant 0 : index
    %get3A_8 = vector.load %arg4[%get3A_5, %get3A_6, %get3A_7] : memref<2x1024x32xf32, #tpu.memory_space<vmem>>, vector<1x1024x32xf32>
    %get3A_9 = vector.shape_cast %get3A_8 : vector<1x1024x32xf32> to vector<1024x32xf32>
    %broadcast_in_dim3A = arith.constant 0.000000e+00 : f32
    %broadcast_in_dim3A_10 = vector.broadcast %broadcast_in_dim3A : f32 to vector<256x1024xf32>
    %broadcast_in_dim3A_11 = arith.constant 0.000000e+00 : f32
    %broadcast_in_dim3A_12 = vector.broadcast %broadcast_in_dim3A_11 : f32 to vector<256x1024xf32>
    %get3A_13 = arith.constant 0 : index
    %get3A_14 = arith.constant 0 : index
    %get3A_15 = arith.constant 0 : index
    %get3A_16 = vector.load %arg5[%get3A_13, %get3A_14, %get3A_15] : memref<16x32x32xf32, #tpu.memory_space<vmem>>, vector<1x32x32xf32>
    %get3A_17 = vector.shape_cast %get3A_16 : vector<1x32x32xf32> to vector<32x32xf32>
    %dot_general3A = arith.constant dense<0.000000e+00> : vector<256x32xf32>
    %dot_general3A_18 = tpu.matmul %get3A_4, %get3A_17, %dot_general3A {dimension_numbers = #tpu.dot_dimension_numbers<[1], [0], [0], [1], [0, 0, 1, 1], [], []>, transpose_lhs_hint = false} : vector<256x32xf32>, vector<32x32xf32>, vector<256x32xf32> -> vector<256x32xf32>
    %dot_general3A_19 = arith.constant dense<0.000000e+00> : vector<256x1024xf32>
    %dot_general3A_20 = tpu.matmul %dot_general3A_18, %get3A_9, %dot_general3A_19 {dimension_numbers = #tpu.dot_dimension_numbers<[1], [1], [0], [0], [0, 0, 1, 0], [], []>, transpose_lhs_hint = false} : vector<256x32xf32>, vector<1024x32xf32>, vector<256x1024xf32> -> vector<256x1024xf32>
    %get3A_21 = arith.constant 0 : index
    %get3A_22 = arith.constant 0 : index
    %get3A_23 = memref.load %arg1[%get3A_21, %get3A_22] : memref<1x16xf32, #tpu.memory_space<smem>>
    %max3A = arith.constant 0.000000e+00 : f32
    %max3A_24 = vector.broadcast %max3A : f32 to vector<256x1024xf32>
    %max3A_25 = arith.maximumf %dot_general3A_20, %max3A_24 : vector<256x1024xf32>
    %mul3A_26 = vector.broadcast %get3A_23 : f32 to vector<256x1024xf32>
    %mul3A_27 = arith.mulf %mul3A_26, %max3A_25 : vector<256x1024xf32>
    %add3A = arith.addf %broadcast_in_dim3A_10, %mul3A_27 : vector<256x1024xf32>
    %get3A_28 = arith.constant 0 : index
    %get3A_29 = arith.constant 0 : index
    %get3A_30 = arith.constant 0 : index
    %get3A_31 = vector.load %arg6[%get3A_28, %get3A_29, %get3A_30] : memref<16x32x32xf32, #tpu.memory_space<vmem>>, vector<1x32x32xf32>
    %get3A_32 = vector.shape_cast %get3A_31 : vector<1x32x32xf32> to vector<32x32xf32>
    %dot_general3A_33 = arith.constant dense<0.000000e+00> : vector<256x32xf32>
    %dot_general3A_34 = tpu.matmul %get3A_4, %get3A_32, %dot_general3A_33 {dimension_numbers = #tpu.dot_dimension_numbers<[1], [0], [0], [1], [0, 0, 1, 1], [], []>, transpose_lhs_hint = false} : vector<256x32xf32>, vector<32x32xf32>, vector<256x32xf32> -> vector<256x32xf32>
    %dot_general3A_35 = arith.constant dense<0.000000e+00> : vector<256x1024xf32>
    %dot_general3A_36 = tpu.matmul %dot_general3A_34, %get3A_9, %dot_general3A_35 {dimension_numbers = #tpu.dot_dimension_numbers<[1], [1], [0], [0], [0, 0, 1, 0], [], []>, transpose_lhs_hint = false} : vector<256x32xf32>, vector<1024x32xf32>, vector<256x1024xf32> -> vector<256x1024xf32>
    %max3A_37 = arith.constant 0.000000e+00 : f32
    %max3A_38 = vector.broadcast %max3A_37 : f32 to vector<256x1024xf32>
    %max3A_39 = arith.maximumf %dot_general3A_36, %max3A_38 : vector<256x1024xf32>
    %convert_element_type3A = arith.truncf %max3A_39 : vector<256x1024xf32> to vector<256x1024xbf16>
    %convert_element_type3A_40 = arith.extf %convert_element_type3A : vector<256x1024xbf16> to vector<256x1024xf32>
    %get3A_41 = arith.constant 0 : index
    %get3A_42 = arith.constant 0 : index
    %get3A_43 = memref.load %arg2[%get3A_41, %get3A_42] : memref<1x16xf32, #tpu.memory_space<smem>>
    %convert_element_type3A_44 = arith.truncf %get3A_43 : f32 to bf16
    %convert_element_type3A_45 = arith.extf %convert_element_type3A_44 : bf16 to f32
    %mul3A_46 = vector.broadcast %convert_element_type3A_45 : f32 to vector<256x1024xf32>
    %mul3A_47 = arith.mulf %mul3A_46, %convert_element_type3A_40 : vector<256x1024xf32>
    %add3A_48 = arith.addf %broadcast_in_dim3A_12, %mul3A_47 : vector<256x1024xf32>
    %get3A_49 = arith.constant 1 : index
    %get3A_50 = arith.constant 0 : index
    %get3A_51 = arith.constant 0 : index
    %get3A_52 = vector.load %arg5[%get3A_49, %get3A_50, %get3A_51] : memref<16x32x32xf32, #tpu.memory_space<vmem>>, vector<1x32x32xf32>
    %get3A_53 = vector.shape_cast %get3A_52 : vector<1x32x32xf32> to vector<32x32xf32>
    %dot_general3A_54 = arith.constant dense<0.000000e+00> : vector<256x32xf32>
    %dot_general3A_55 = tpu.matmul %get3A_4, %get3A_53, %dot_general3A_54 {dimension_numbers = #tpu.dot_dimension_numbers<[1], [0], [0], [1], [0, 0, 1, 1], [], []>, transpose_lhs_hint = false} : vector<256x32xf32>, vector<32x32xf32>, vector<256x32xf32> -> vector<256x32xf32>
    %dot_general3A_56 = arith.constant dense<0.000000e+00> : vector<256x1024xf32>
    %dot_general3A_57 = tpu.matmul %dot_general3A_55, %get3A_9, %dot_general3A_56 {dimension_numbers = #tpu.dot_dimension_numbers<[1], [1], [0], [0], [0, 0, 1, 0], [], []>, transpose_lhs_hint = false} : vector<256x32xf32>, vector<1024x32xf32>, vector<256x1024xf32> -> vector<256x1024xf32>
    %get3A_58 = arith.constant 0 : index
    %get3A_59 = arith.constant 1 : index
    %get3A_60 = memref.load %arg1[%get3A_58, %get3A_59] : memref<1x16xf32, #tpu.memory_space<smem>>
    %max3A_61 = arith.constant 0.000000e+00 : f32
    %max3A_62 = vector.broadcast %max3A_61 : f32 to vector<256x1024xf32>
    %max3A_63 = arith.maximumf %dot_general3A_57, %max3A_62 : vector<256x1024xf32>
    %mul3A_64 = vector.broadcast %get3A_60 : f32 to vector<256x1024xf32>
    %mul3A_65 = arith.mulf %mul3A_64, %max3A_63 : vector<256x1024xf32>
    %add3A_66 = arith.addf %add3A, %mul3A_65 : vector<256x1024xf32>
    %get3A_67 = arith.constant 1 : index
    %get3A_68 = arith.constant 0 : index
    %get3A_69 = arith.constant 0 : index
    %get3A_70 = vector.load %arg6[%get3A_67, %get3A_68, %get3A_69] : memref<16x32x32xf32, #tpu.memory_space<vmem>>, vector<1x32x32xf32>
    %get3A_71 = vector.shape_cast %get3A_70 : vector<1x32x32xf32> to vector<32x32xf32>
    %dot_general3A_72 = arith.constant dense<0.000000e+00> : vector<256x32xf32>
    %dot_general3A_73 = tpu.matmul %get3A_4, %get3A_71, %dot_general3A_72 {dimension_numbers = #tpu.dot_dimension_numbers<[1], [0], [0], [1], [0, 0, 1, 1], [], []>, transpose_lhs_hint = false} : vector<256x32xf32>, vector<32x32xf32>, vector<256x32xf32> -> vector<256x32xf32>
    %dot_general3A_74 = arith.constant dense<0.000000e+00> : vector<256x1024xf32>
    %dot_general3A_75 = tpu.matmul %dot_general3A_73, %get3A_9, %dot_general3A_74 {dimension_numbers = #tpu.dot_dimension_numbers<[1], [1], [0], [0], [0, 0, 1, 0], [], []>, transpose_lhs_hint = false} : vector<256x32xf32>, vector<1024x32xf32>, vector<256x1024xf32> -> vector<256x1024xf32>
    %max3A_76 = arith.constant 0.000000e+00 : f32
    %max3A_77 = vector.broadcast %max3A_76 : f32 to vector<256x1024xf32>
    %max3A_78 = arith.maximumf %dot_general3A_75, %max3A_77 : vector<256x1024xf32>
    %convert_element_type3A_79 = arith.truncf %max3A_78 : vector<256x1024xf32> to vector<256x1024xbf16>
    %convert_element_type3A_80 = arith.extf %convert_element_type3A_79 : vector<256x1024xbf16> to vector<256x1024xf32>
    %get3A_81 = arith.constant 0 : index
    %get3A_82 = arith.constant 1 : index
    %get3A_83 = memref.load %arg2[%get3A_81, %get3A_82] : memref<1x16xf32, #tpu.memory_space<smem>>
    %convert_element_type3A_84 = arith.truncf %get3A_83 : f32 to bf16
    %convert_element_type3A_85 = arith.extf %convert_element_type3A_84 : bf16 to f32
    %mul3A_86 = vector.broadcast %convert_element_type3A_85 : f32 to vector<256x1024xf32>
    %mul3A_87 = arith.mulf %mul3A_86, %convert_element_type3A_80 : vector<256x1024xf32>
    %add3A_88 = arith.addf %add3A_48, %mul3A_87 : vector<256x1024xf32>
    %get3A_89 = arith.constant 2 : index
    %get3A_90 = arith.constant 0 : index
    %get3A_91 = arith.constant 0 : index
    %get3A_92 = vector.load %arg5[%get3A_89, %get3A_90, %get3A_91] : memref<16x32x32xf32, #tpu.memory_space<vmem>>, vector<1x32x32xf32>
    %get3A_93 = vector.shape_cast %get3A_92 : vector<1x32x32xf32> to vector<32x32xf32>
    %dot_general3A_94 = arith.constant dense<0.000000e+00> : vector<256x32xf32>
    %dot_general3A_95 = tpu.matmul %get3A_4, %get3A_93, %dot_general3A_94 {dimension_numbers = #tpu.dot_dimension_numbers<[1], [0], [0], [1], [0, 0, 1, 1], [], []>, transpose_lhs_hint = false} : vector<256x32xf32>, vector<32x32xf32>, vector<256x32xf32> -> vector<256x32xf32>
    %dot_general3A_96 = arith.constant dense<0.000000e+00> : vector<256x1024xf32>
    %dot_general3A_97 = tpu.matmul %dot_general3A_95, %get3A_9, %dot_general3A_96 {dimension_numbers = #tpu.dot_dimension_numbers<[1], [1], [0], [0], [0, 0, 1, 0], [], []>, transpose_lhs_hint = false} : vector<256x32xf32>, vector<1024x32xf32>, vector<256x1024xf32> -> vector<256x1024xf32>
    %get3A_98 = arith.constant 0 : index
    %get3A_99 = arith.constant 2 : index
    %get3A_100 = memref.load %arg1[%get3A_98, %get3A_99] : memref<1x16xf32, #tpu.memory_space<smem>>
    %max3A_101 = arith.constant 0.000000e+00 : f32
    %max3A_102 = vector.broadcast %max3A_101 : f32 to vector<256x1024xf32>
    %max3A_103 = arith.maximumf %dot_general3A_97, %max3A_102 : vector<256x1024xf32>
    %mul3A_104 = vector.broadcast %get3A_100 : f32 to vector<256x1024xf32>
    %mul3A_105 = arith.mulf %mul3A_104, %max3A_103 : vector<256x1024xf32>
    %add3A_106 = arith.addf %add3A_66, %mul3A_105 : vector<256x1024xf32>
    %get3A_107 = arith.constant 2 : index
    %get3A_108 = arith.constant 0 : index
    %get3A_109 = arith.constant 0 : index
    %get3A_110 = vector.load %arg6[%get3A_107, %get3A_108, %get3A_109] : memref<16x32x32xf32, #tpu.memory_space<vmem>>, vector<1x32x32xf32>
    %get3A_111 = vector.shape_cast %get3A_110 : vector<1x32x32xf32> to vector<32x32xf32>
    %dot_general3A_112 = arith.constant dense<0.000000e+00> : vector<256x32xf32>
    %dot_general3A_113 = tpu.matmul %get3A_4, %get3A_111, %dot_general3A_112 {dimension_numbers = #tpu.dot_dimension_numbers<[1], [0], [0], [1], [0, 0, 1, 1], [], []>, transpose_lhs_hint = false} : vector<256x32xf32>, vector<32x32xf32>, vector<256x32xf32> -> vector<256x32xf32>
    %dot_general3A_114 = arith.constant dense<0.000000e+00> : vector<256x1024xf32>
    %dot_general3A_115 = tpu.matmul %dot_general3A_113, %get3A_9, %dot_general3A_114 {dimension_numbers = #tpu.dot_dimension_numbers<[1], [1], [0], [0], [0, 0, 1, 0], [], []>, transpose_lhs_hint = false} : vector<256x32xf32>, vector<1024x32xf32>, vector<256x1024xf32> -> vector<256x1024xf32>
    %max3A_116 = arith.constant 0.000000e+00 : f32
    %max3A_117 = vector.broadcast %max3A_116 : f32 to vector<256x1024xf32>
    %max3A_118 = arith.maximumf %dot_general3A_115, %max3A_117 : vector<256x1024xf32>
    %convert_element_type3A_119 = arith.truncf %max3A_118 : vector<256x1024xf32> to vector<256x1024xbf16>
    %convert_element_type3A_120 = arith.extf %convert_element_type3A_119 : vector<256x1024xbf16> to vector<256x1024xf32>
    %get3A_121 = arith.constant 0 : index
    %get3A_122 = arith.constant 2 : index
    %get3A_123 = memref.load %arg2[%get3A_121, %get3A_122] : memref<1x16xf32, #tpu.memory_space<smem>>
    %convert_element_type3A_124 = arith.truncf %get3A_123 : f32 to bf16
    %convert_element_type3A_125 = arith.extf %convert_element_type3A_124 : bf16 to f32
    %mul3A_126 = vector.broadcast %convert_element_type3A_125 : f32 to vector<256x1024xf32>
    %mul3A_127 = arith.mulf %mul3A_126, %convert_element_type3A_120 : vector<256x1024xf32>
    %add3A_128 = arith.addf %add3A_88, %mul3A_127 : vector<256x1024xf32>
    %get3A_129 = arith.constant 3 : index
    %get3A_130 = arith.constant 0 : index
    %get3A_131 = arith.constant 0 : index
    %get3A_132 = vector.load %arg5[%get3A_129, %get3A_130, %get3A_131] : memref<16x32x32xf32, #tpu.memory_space<vmem>>, vector<1x32x32xf32>
    %get3A_133 = vector.shape_cast %get3A_132 : vector<1x32x32xf32> to vector<32x32xf32>
    %dot_general3A_134 = arith.constant dense<0.000000e+00> : vector<256x32xf32>
    %dot_general3A_135 = tpu.matmul %get3A_4, %get3A_133, %dot_general3A_134 {dimension_numbers = #tpu.dot_dimension_numbers<[1], [0], [0], [1], [0, 0, 1, 1], [], []>, transpose_lhs_hint = false} : vector<256x32xf32>, vector<32x32xf32>, vector<256x32xf32> -> vector<256x32xf32>
    %dot_general3A_136 = arith.constant dense<0.000000e+00> : vector<256x1024xf32>
    %dot_general3A_137 = tpu.matmul %dot_general3A_135, %get3A_9, %dot_general3A_136 {dimension_numbers = #tpu.dot_dimension_numbers<[1], [1], [0], [0], [0, 0, 1, 0], [], []>, transpose_lhs_hint = false} : vector<256x32xf32>, vector<1024x32xf32>, vector<256x1024xf32> -> vector<256x1024xf32>
    %get3A_138 = arith.constant 0 : index
    %get3A_139 = arith.constant 3 : index
    %get3A_140 = memref.load %arg1[%get3A_138, %get3A_139] : memref<1x16xf32, #tpu.memory_space<smem>>
    %max3A_141 = arith.constant 0.000000e+00 : f32
    %max3A_142 = vector.broadcast %max3A_141 : f32 to vector<256x1024xf32>
    %max3A_143 = arith.maximumf %dot_general3A_137, %max3A_142 : vector<256x1024xf32>
    %mul3A_144 = vector.broadcast %get3A_140 : f32 to vector<256x1024xf32>
    %mul3A_145 = arith.mulf %mul3A_144, %max3A_143 : vector<256x1024xf32>
    %add3A_146 = arith.addf %add3A_106, %mul3A_145 : vector<256x1024xf32>
    %get3A_147 = arith.constant 3 : index
    %get3A_148 = arith.constant 0 : index
    %get3A_149 = arith.constant 0 : index
    %get3A_150 = vector.load %arg6[%get3A_147, %get3A_148, %get3A_149] : memref<16x32x32xf32, #tpu.memory_space<vmem>>, vector<1x32x32xf32>
    %get3A_151 = vector.shape_cast %get3A_150 : vector<1x32x32xf32> to vector<32x32xf32>
    %dot_general3A_152 = arith.constant dense<0.000000e+00> : vector<256x32xf32>
    %dot_general3A_153 = tpu.matmul %get3A_4, %get3A_151, %dot_general3A_152 {dimension_numbers = #tpu.dot_dimension_numbers<[1], [0], [0], [1], [0, 0, 1, 1], [], []>, transpose_lhs_hint = false} : vector<256x32xf32>, vector<32x32xf32>, vector<256x32xf32> -> vector<256x32xf32>
    %dot_general3A_154 = arith.constant dense<0.000000e+00> : vector<256x1024xf32>
    %dot_general3A_155 = tpu.matmul %dot_general3A_153, %get3A_9, %dot_general3A_154 {dimension_numbers = #tpu.dot_dimension_numbers<[1], [1], [0], [0], [0, 0, 1, 0], [], []>, transpose_lhs_hint = false} : vector<256x32xf32>, vector<1024x32xf32>, vector<256x1024xf32> -> vector<256x1024xf32>
    %max3A_156 = arith.constant 0.000000e+00 : f32
    %max3A_157 = vector.broadcast %max3A_156 : f32 to vector<256x1024xf32>
    %max3A_158 = arith.maximumf %dot_general3A_155, %max3A_157 : vector<256x1024xf32>
    %convert_element_type3A_159 = arith.truncf %max3A_158 : vector<256x1024xf32> to vector<256x1024xbf16>
    %convert_element_type3A_160 = arith.extf %convert_element_type3A_159 : vector<256x1024xbf16> to vector<256x1024xf32>
    %get3A_161 = arith.constant 0 : index
    %get3A_162 = arith.constant 3 : index
    %get3A_163 = memref.load %arg2[%get3A_161, %get3A_162] : memref<1x16xf32, #tpu.memory_space<smem>>
    %convert_element_type3A_164 = arith.truncf %get3A_163 : f32 to bf16
    %convert_element_type3A_165 = arith.extf %convert_element_type3A_164 : bf16 to f32
    %mul3A_166 = vector.broadcast %convert_element_type3A_165 : f32 to vector<256x1024xf32>
    %mul3A_167 = arith.mulf %mul3A_166, %convert_element_type3A_160 : vector<256x1024xf32>
    %add3A_168 = arith.addf %add3A_128, %mul3A_167 : vector<256x1024xf32>
    %get3A_169 = arith.constant 4 : index
    %get3A_170 = arith.constant 0 : index
    %get3A_171 = arith.constant 0 : index
    %get3A_172 = vector.load %arg5[%get3A_169, %get3A_170, %get3A_171] : memref<16x32x32xf32, #tpu.memory_space<vmem>>, vector<1x32x32xf32>
    %get3A_173 = vector.shape_cast %get3A_172 : vector<1x32x32xf32> to vector<32x32xf32>
    %dot_general3A_174 = arith.constant dense<0.000000e+00> : vector<256x32xf32>
    %dot_general3A_175 = tpu.matmul %get3A_4, %get3A_173, %dot_general3A_174 {dimension_numbers = #tpu.dot_dimension_numbers<[1], [0], [0], [1], [0, 0, 1, 1], [], []>, transpose_lhs_hint = false} : vector<256x32xf32>, vector<32x32xf32>, vector<256x32xf32> -> vector<256x32xf32>
    %dot_general3A_176 = arith.constant dense<0.000000e+00> : vector<256x1024xf32>
    %dot_general3A_177 = tpu.matmul %dot_general3A_175, %get3A_9, %dot_general3A_176 {dimension_numbers = #tpu.dot_dimension_numbers<[1], [1], [0], [0], [0, 0, 1, 0], [], []>, transpose_lhs_hint = false} : vector<256x32xf32>, vector<1024x32xf32>, vector<256x1024xf32> -> vector<256x1024xf32>
    %get3A_178 = arith.constant 0 : index
    %get3A_179 = arith.constant 4 : index
    %get3A_180 = memref.load %arg1[%get3A_178, %get3A_179] : memref<1x16xf32, #tpu.memory_space<smem>>
    %max3A_181 = arith.constant 0.000000e+00 : f32
    %max3A_182 = vector.broadcast %max3A_181 : f32 to vector<256x1024xf32>
    %max3A_183 = arith.maximumf %dot_general3A_177, %max3A_182 : vector<256x1024xf32>
    %mul3A_184 = vector.broadcast %get3A_180 : f32 to vector<256x1024xf32>
    %mul3A_185 = arith.mulf %mul3A_184, %max3A_183 : vector<256x1024xf32>
    %add3A_186 = arith.addf %add3A_146, %mul3A_185 : vector<256x1024xf32>
    %get3A_187 = arith.constant 4 : index
    %get3A_188 = arith.constant 0 : index
    %get3A_189 = arith.constant 0 : index
    %get3A_190 = vector.load %arg6[%get3A_187, %get3A_188, %get3A_189] : memref<16x32x32xf32, #tpu.memory_space<vmem>>, vector<1x32x32xf32>
    %get3A_191 = vector.shape_cast %get3A_190 : vector<1x32x32xf32> to vector<32x32xf32>
    %dot_general3A_192 = arith.constant dense<0.000000e+00> : vector<256x32xf32>
    %dot_general3A_193 = tpu.matmul %get3A_4, %get3A_191, %dot_general3A_192 {dimension_numbers = #tpu.dot_dimension_numbers<[1], [0], [0], [1], [0, 0, 1, 1], [], []>, transpose_lhs_hint = false} : vector<256x32xf32>, vector<32x32xf32>, vector<256x32xf32> -> vector<256x32xf32>
    %dot_general3A_194 = arith.constant dense<0.000000e+00> : vector<256x1024xf32>
    %dot_general3A_195 = tpu.matmul %dot_general3A_193, %get3A_9, %dot_general3A_194 {dimension_numbers = #tpu.dot_dimension_numbers<[1], [1], [0], [0], [0, 0, 1, 0], [], []>, transpose_lhs_hint = false} : vector<256x32xf32>, vector<1024x32xf32>, vector<256x1024xf32> -> vector<256x1024xf32>
    %max3A_196 = arith.constant 0.000000e+00 : f32
    %max3A_197 = vector.broadcast %max3A_196 : f32 to vector<256x1024xf32>
    %max3A_198 = arith.maximumf %dot_general3A_195, %max3A_197 : vector<256x1024xf32>
    %convert_element_type3A_199 = arith.truncf %max3A_198 : vector<256x1024xf32> to vector<256x1024xbf16>
    %convert_element_type3A_200 = arith.extf %convert_element_type3A_199 : vector<256x1024xbf16> to vector<256x1024xf32>
    %get3A_201 = arith.constant 0 : index
    %get3A_202 = arith.constant 4 : index
    %get3A_203 = memref.load %arg2[%get3A_201, %get3A_202] : memref<1x16xf32, #tpu.memory_space<smem>>
    %convert_element_type3A_204 = arith.truncf %get3A_203 : f32 to bf16
    %convert_element_type3A_205 = arith.extf %convert_element_type3A_204 : bf16 to f32
    %mul3A_206 = vector.broadcast %convert_element_type3A_205 : f32 to vector<256x1024xf32>
    %mul3A_207 = arith.mulf %mul3A_206, %convert_element_type3A_200 : vector<256x1024xf32>
    %add3A_208 = arith.addf %add3A_168, %mul3A_207 : vector<256x1024xf32>
    %get3A_209 = arith.constant 5 : index
    %get3A_210 = arith.constant 0 : index
    %get3A_211 = arith.constant 0 : index
    %get3A_212 = vector.load %arg5[%get3A_209, %get3A_210, %get3A_211] : memref<16x32x32xf32, #tpu.memory_space<vmem>>, vector<1x32x32xf32>
    %get3A_213 = vector.shape_cast %get3A_212 : vector<1x32x32xf32> to vector<32x32xf32>
    %dot_general3A_214 = arith.constant dense<0.000000e+00> : vector<256x32xf32>
    %dot_general3A_215 = tpu.matmul %get3A_4, %get3A_213, %dot_general3A_214 {dimension_numbers = #tpu.dot_dimension_numbers<[1], [0], [0], [1], [0, 0, 1, 1], [], []>, transpose_lhs_hint = false} : vector<256x32xf32>, vector<32x32xf32>, vector<256x32xf32> -> vector<256x32xf32>
    %dot_general3A_216 = arith.constant dense<0.000000e+00> : vector<256x1024xf32>
    %dot_general3A_217 = tpu.matmul %dot_general3A_215, %get3A_9, %dot_general3A_216 {dimension_numbers = #tpu.dot_dimension_numbers<[1], [1], [0], [0], [0, 0, 1, 0], [], []>, transpose_lhs_hint = false} : vector<256x32xf32>, vector<1024x32xf32>, vector<256x1024xf32> -> vector<256x1024xf32>
    %get3A_218 = arith.constant 0 : index
    %get3A_219 = arith.constant 5 : index
    %get3A_220 = memref.load %arg1[%get3A_218, %get3A_219] : memref<1x16xf32, #tpu.memory_space<smem>>
    %max3A_221 = arith.constant 0.000000e+00 : f32
    %max3A_222 = vector.broadcast %max3A_221 : f32 to vector<256x1024xf32>
    %max3A_223 = arith.maximumf %dot_general3A_217, %max3A_222 : vector<256x1024xf32>
    %mul3A_224 = vector.broadcast %get3A_220 : f32 to vector<256x1024xf32>
    %mul3A_225 = arith.mulf %mul3A_224, %max3A_223 : vector<256x1024xf32>
    %add3A_226 = arith.addf %add3A_186, %mul3A_225 : vector<256x1024xf32>
    %get3A_227 = arith.constant 5 : index
    %get3A_228 = arith.constant 0 : index
    %get3A_229 = arith.constant 0 : index
    %get3A_230 = vector.load %arg6[%get3A_227, %get3A_228, %get3A_229] : memref<16x32x32xf32, #tpu.memory_space<vmem>>, vector<1x32x32xf32>
    %get3A_231 = vector.shape_cast %get3A_230 : vector<1x32x32xf32> to vector<32x32xf32>
    %dot_general3A_232 = arith.constant dense<0.000000e+00> : vector<256x32xf32>
    %dot_general3A_233 = tpu.matmul %get3A_4, %get3A_231, %dot_general3A_232 {dimension_numbers = #tpu.dot_dimension_numbers<[1], [0], [0], [1], [0, 0, 1, 1], [], []>, transpose_lhs_hint = false} : vector<256x32xf32>, vector<32x32xf32>, vector<256x32xf32> -> vector<256x32xf32>
    %dot_general3A_234 = arith.constant dense<0.000000e+00> : vector<256x1024xf32>
    %dot_general3A_235 = tpu.matmul %dot_general3A_233, %get3A_9, %dot_general3A_234 {dimension_numbers = #tpu.dot_dimension_numbers<[1], [1], [0], [0], [0, 0, 1, 0], [], []>, transpose_lhs_hint = false} : vector<256x32xf32>, vector<1024x32xf32>, vector<256x1024xf32> -> vector<256x1024xf32>
    %max3A_236 = arith.constant 0.000000e+00 : f32
    %max3A_237 = vector.broadcast %max3A_236 : f32 to vector<256x1024xf32>
    %max3A_238 = arith.maximumf %dot_general3A_235, %max3A_237 : vector<256x1024xf32>
    %convert_element_type3A_239 = arith.truncf %max3A_238 : vector<256x1024xf32> to vector<256x1024xbf16>
    %convert_element_type3A_240 = arith.extf %convert_element_type3A_239 : vector<256x1024xbf16> to vector<256x1024xf32>
    %get3A_241 = arith.constant 0 : index
    %get3A_242 = arith.constant 5 : index
    %get3A_243 = memref.load %arg2[%get3A_241, %get3A_242] : memref<1x16xf32, #tpu.memory_space<smem>>
    %convert_element_type3A_244 = arith.truncf %get3A_243 : f32 to bf16
    %convert_element_type3A_245 = arith.extf %convert_element_type3A_244 : bf16 to f32
    %mul3A_246 = vector.broadcast %convert_element_type3A_245 : f32 to vector<256x1024xf32>
    %mul3A_247 = arith.mulf %mul3A_246, %convert_element_type3A_240 : vector<256x1024xf32>
    %add3A_248 = arith.addf %add3A_208, %mul3A_247 : vector<256x1024xf32>
    %get3A_249 = arith.constant 6 : index
    %get3A_250 = arith.constant 0 : index
    %get3A_251 = arith.constant 0 : index
    %get3A_252 = vector.load %arg5[%get3A_249, %get3A_250, %get3A_251] : memref<16x32x32xf32, #tpu.memory_space<vmem>>, vector<1x32x32xf32>
    %get3A_253 = vector.shape_cast %get3A_252 : vector<1x32x32xf32> to vector<32x32xf32>
    %dot_general3A_254 = arith.constant dense<0.000000e+00> : vector<256x32xf32>
    %dot_general3A_255 = tpu.matmul %get3A_4, %get3A_253, %dot_general3A_254 {dimension_numbers = #tpu.dot_dimension_numbers<[1], [0], [0], [1], [0, 0, 1, 1], [], []>, transpose_lhs_hint = false} : vector<256x32xf32>, vector<32x32xf32>, vector<256x32xf32> -> vector<256x32xf32>
    %dot_general3A_256 = arith.constant dense<0.000000e+00> : vector<256x1024xf32>
    %dot_general3A_257 = tpu.matmul %dot_general3A_255, %get3A_9, %dot_general3A_256 {dimension_numbers = #tpu.dot_dimension_numbers<[1], [1], [0], [0], [0, 0, 1, 0], [], []>, transpose_lhs_hint = false} : vector<256x32xf32>, vector<1024x32xf32>, vector<256x1024xf32> -> vector<256x1024xf32>
    %get3A_258 = arith.constant 0 : index
    %get3A_259 = arith.constant 6 : index
    %get3A_260 = memref.load %arg1[%get3A_258, %get3A_259] : memref<1x16xf32, #tpu.memory_space<smem>>
    %max3A_261 = arith.constant 0.000000e+00 : f32
    %max3A_262 = vector.broadcast %max3A_261 : f32 to vector<256x1024xf32>
    %max3A_263 = arith.maximumf %dot_general3A_257, %max3A_262 : vector<256x1024xf32>
    %mul3A_264 = vector.broadcast %get3A_260 : f32 to vector<256x1024xf32>
    %mul3A_265 = arith.mulf %mul3A_264, %max3A_263 : vector<256x1024xf32>
    %add3A_266 = arith.addf %add3A_226, %mul3A_265 : vector<256x1024xf32>
    %get3A_267 = arith.constant 6 : index
    %get3A_268 = arith.constant 0 : index
    %get3A_269 = arith.constant 0 : index
    %get3A_270 = vector.load %arg6[%get3A_267, %get3A_268, %get3A_269] : memref<16x32x32xf32, #tpu.memory_space<vmem>>, vector<1x32x32xf32>
    %get3A_271 = vector.shape_cast %get3A_270 : vector<1x32x32xf32> to vector<32x32xf32>
    %dot_general3A_272 = arith.constant dense<0.000000e+00> : vector<256x32xf32>
    %dot_general3A_273 = tpu.matmul %get3A_4, %get3A_271, %dot_general3A_272 {dimension_numbers = #tpu.dot_dimension_numbers<[1], [0], [0], [1], [0, 0, 1, 1], [], []>, transpose_lhs_hint = false} : vector<256x32xf32>, vector<32x32xf32>, vector<256x32xf32> -> vector<256x32xf32>
    %dot_general3A_274 = arith.constant dense<0.000000e+00> : vector<256x1024xf32>
    %dot_general3A_275 = tpu.matmul %dot_general3A_273, %get3A_9, %dot_general3A_274 {dimension_numbers = #tpu.dot_dimension_numbers<[1], [1], [0], [0], [0, 0, 1, 0], [], []>, transpose_lhs_hint = false} : vector<256x32xf32>, vector<1024x32xf32>, vector<256x1024xf32> -> vector<256x1024xf32>
    %max3A_276 = arith.constant 0.000000e+00 : f32
    %max3A_277 = vector.broadcast %max3A_276 : f32 to vector<256x1024xf32>
    %max3A_278 = arith.maximumf %dot_general3A_275, %max3A_277 : vector<256x1024xf32>
    %convert_element_type3A_279 = arith.truncf %max3A_278 : vector<256x1024xf32> to vector<256x1024xbf16>
    %convert_element_type3A_280 = arith.extf %convert_element_type3A_279 : vector<256x1024xbf16> to vector<256x1024xf32>
    %get3A_281 = arith.constant 0 : index
    %get3A_282 = arith.constant 6 : index
    %get3A_283 = memref.load %arg2[%get3A_281, %get3A_282] : memref<1x16xf32, #tpu.memory_space<smem>>
    %convert_element_type3A_284 = arith.truncf %get3A_283 : f32 to bf16
    %convert_element_type3A_285 = arith.extf %convert_element_type3A_284 : bf16 to f32
    %mul3A_286 = vector.broadcast %convert_element_type3A_285 : f32 to vector<256x1024xf32>
    %mul3A_287 = arith.mulf %mul3A_286, %convert_element_type3A_280 : vector<256x1024xf32>
    %add3A_288 = arith.addf %add3A_248, %mul3A_287 : vector<256x1024xf32>
    %get3A_289 = arith.constant 7 : index
    %get3A_290 = arith.constant 0 : index
    %get3A_291 = arith.constant 0 : index
    %get3A_292 = vector.load %arg5[%get3A_289, %get3A_290, %get3A_291] : memref<16x32x32xf32, #tpu.memory_space<vmem>>, vector<1x32x32xf32>
    %get3A_293 = vector.shape_cast %get3A_292 : vector<1x32x32xf32> to vector<32x32xf32>
    %dot_general3A_294 = arith.constant dense<0.000000e+00> : vector<256x32xf32>
    %dot_general3A_295 = tpu.matmul %get3A_4, %get3A_293, %dot_general3A_294 {dimension_numbers = #tpu.dot_dimension_numbers<[1], [0], [0], [1], [0, 0, 1, 1], [], []>, transpose_lhs_hint = false} : vector<256x32xf32>, vector<32x32xf32>, vector<256x32xf32> -> vector<256x32xf32>
    %dot_general3A_296 = arith.constant dense<0.000000e+00> : vector<256x1024xf32>
    %dot_general3A_297 = tpu.matmul %dot_general3A_295, %get3A_9, %dot_general3A_296 {dimension_numbers = #tpu.dot_dimension_numbers<[1], [1], [0], [0], [0, 0, 1, 0], [], []>, transpose_lhs_hint = false} : vector<256x32xf32>, vector<1024x32xf32>, vector<256x1024xf32> -> vector<256x1024xf32>
    %get3A_298 = arith.constant 0 : index
    %get3A_299 = arith.constant 7 : index
    %get3A_300 = memref.load %arg1[%get3A_298, %get3A_299] : memref<1x16xf32, #tpu.memory_space<smem>>
    %max3A_301 = arith.constant 0.000000e+00 : f32
    %max3A_302 = vector.broadcast %max3A_301 : f32 to vector<256x1024xf32>
    %max3A_303 = arith.maximumf %dot_general3A_297, %max3A_302 : vector<256x1024xf32>
    %mul3A_304 = vector.broadcast %get3A_300 : f32 to vector<256x1024xf32>
    %mul3A_305 = arith.mulf %mul3A_304, %max3A_303 : vector<256x1024xf32>
    %add3A_306 = arith.addf %add3A_266, %mul3A_305 : vector<256x1024xf32>
    %get3A_307 = arith.constant 7 : index
    %get3A_308 = arith.constant 0 : index
    %get3A_309 = arith.constant 0 : index
    %get3A_310 = vector.load %arg6[%get3A_307, %get3A_308, %get3A_309] : memref<16x32x32xf32, #tpu.memory_space<vmem>>, vector<1x32x32xf32>
    %get3A_311 = vector.shape_cast %get3A_310 : vector<1x32x32xf32> to vector<32x32xf32>
    %dot_general3A_312 = arith.constant dense<0.000000e+00> : vector<256x32xf32>
    %dot_general3A_313 = tpu.matmul %get3A_4, %get3A_311, %dot_general3A_312 {dimension_numbers = #tpu.dot_dimension_numbers<[1], [0], [0], [1], [0, 0, 1, 1], [], []>, transpose_lhs_hint = false} : vector<256x32xf32>, vector<32x32xf32>, vector<256x32xf32> -> vector<256x32xf32>
    %dot_general3A_314 = arith.constant dense<0.000000e+00> : vector<256x1024xf32>
    %dot_general3A_315 = tpu.matmul %dot_general3A_313, %get3A_9, %dot_general3A_314 {dimension_numbers = #tpu.dot_dimension_numbers<[1], [1], [0], [0], [0, 0, 1, 0], [], []>, transpose_lhs_hint = false} : vector<256x32xf32>, vector<1024x32xf32>, vector<256x1024xf32> -> vector<256x1024xf32>
    %max3A_316 = arith.constant 0.000000e+00 : f32
    %max3A_317 = vector.broadcast %max3A_316 : f32 to vector<256x1024xf32>
    %max3A_318 = arith.maximumf %dot_general3A_315, %max3A_317 : vector<256x1024xf32>
    %convert_element_type3A_319 = arith.truncf %max3A_318 : vector<256x1024xf32> to vector<256x1024xbf16>
    %convert_element_type3A_320 = arith.extf %convert_element_type3A_319 : vector<256x1024xbf16> to vector<256x1024xf32>
    %get3A_321 = arith.constant 0 : index
    %get3A_322 = arith.constant 7 : index
    %get3A_323 = memref.load %arg2[%get3A_321, %get3A_322] : memref<1x16xf32, #tpu.memory_space<smem>>
    %convert_element_type3A_324 = arith.truncf %get3A_323 : f32 to bf16
    %convert_element_type3A_325 = arith.extf %convert_element_type3A_324 : bf16 to f32
    %mul3A_326 = vector.broadcast %convert_element_type3A_325 : f32 to vector<256x1024xf32>
    %mul3A_327 = arith.mulf %mul3A_326, %convert_element_type3A_320 : vector<256x1024xf32>
    %add3A_328 = arith.addf %add3A_288, %mul3A_327 : vector<256x1024xf32>
    %get3A_329 = arith.constant 8 : index
    %get3A_330 = arith.constant 0 : index
    %get3A_331 = arith.constant 0 : index
    %get3A_332 = vector.load %arg5[%get3A_329, %get3A_330, %get3A_331] : memref<16x32x32xf32, #tpu.memory_space<vmem>>, vector<1x32x32xf32>
    %get3A_333 = vector.shape_cast %get3A_332 : vector<1x32x32xf32> to vector<32x32xf32>
    %dot_general3A_334 = arith.constant dense<0.000000e+00> : vector<256x32xf32>
    %dot_general3A_335 = tpu.matmul %get3A_4, %get3A_333, %dot_general3A_334 {dimension_numbers = #tpu.dot_dimension_numbers<[1], [0], [0], [1], [0, 0, 1, 1], [], []>, transpose_lhs_hint = false} : vector<256x32xf32>, vector<32x32xf32>, vector<256x32xf32> -> vector<256x32xf32>
    %dot_general3A_336 = arith.constant dense<0.000000e+00> : vector<256x1024xf32>
    %dot_general3A_337 = tpu.matmul %dot_general3A_335, %get3A_9, %dot_general3A_336 {dimension_numbers = #tpu.dot_dimension_numbers<[1], [1], [0], [0], [0, 0, 1, 0], [], []>, transpose_lhs_hint = false} : vector<256x32xf32>, vector<1024x32xf32>, vector<256x1024xf32> -> vector<256x1024xf32>
    %get3A_338 = arith.constant 0 : index
    %get3A_339 = arith.constant 8 : index
    %get3A_340 = memref.load %arg1[%get3A_338, %get3A_339] : memref<1x16xf32, #tpu.memory_space<smem>>
    %max3A_341 = arith.constant 0.000000e+00 : f32
    %max3A_342 = vector.broadcast %max3A_341 : f32 to vector<256x1024xf32>
    %max3A_343 = arith.maximumf %dot_general3A_337, %max3A_342 : vector<256x1024xf32>
    %mul3A_344 = vector.broadcast %get3A_340 : f32 to vector<256x1024xf32>
    %mul3A_345 = arith.mulf %mul3A_344, %max3A_343 : vector<256x1024xf32>
    %add3A_346 = arith.addf %add3A_306, %mul3A_345 : vector<256x1024xf32>
    %get3A_347 = arith.constant 8 : index
    %get3A_348 = arith.constant 0 : index
    %get3A_349 = arith.constant 0 : index
    %get3A_350 = vector.load %arg6[%get3A_347, %get3A_348, %get3A_349] : memref<16x32x32xf32, #tpu.memory_space<vmem>>, vector<1x32x32xf32>
    %get3A_351 = vector.shape_cast %get3A_350 : vector<1x32x32xf32> to vector<32x32xf32>
    %dot_general3A_352 = arith.constant dense<0.000000e+00> : vector<256x32xf32>
    %dot_general3A_353 = tpu.matmul %get3A_4, %get3A_351, %dot_general3A_352 {dimension_numbers = #tpu.dot_dimension_numbers<[1], [0], [0], [1], [0, 0, 1, 1], [], []>, transpose_lhs_hint = false} : vector<256x32xf32>, vector<32x32xf32>, vector<256x32xf32> -> vector<256x32xf32>
    %dot_general3A_354 = arith.constant dense<0.000000e+00> : vector<256x1024xf32>
    %dot_general3A_355 = tpu.matmul %dot_general3A_353, %get3A_9, %dot_general3A_354 {dimension_numbers = #tpu.dot_dimension_numbers<[1], [1], [0], [0], [0, 0, 1, 0], [], []>, transpose_lhs_hint = false} : vector<256x32xf32>, vector<1024x32xf32>, vector<256x1024xf32> -> vector<256x1024xf32>
    %max3A_356 = arith.constant 0.000000e+00 : f32
    %max3A_357 = vector.broadcast %max3A_356 : f32 to vector<256x1024xf32>
    %max3A_358 = arith.maximumf %dot_general3A_355, %max3A_357 : vector<256x1024xf32>
    %convert_element_type3A_359 = arith.truncf %max3A_358 : vector<256x1024xf32> to vector<256x1024xbf16>
    %convert_element_type3A_360 = arith.extf %convert_element_type3A_359 : vector<256x1024xbf16> to vector<256x1024xf32>
    %get3A_361 = arith.constant 0 : index
    %get3A_362 = arith.constant 8 : index
    %get3A_363 = memref.load %arg2[%get3A_361, %get3A_362] : memref<1x16xf32, #tpu.memory_space<smem>>
    %convert_element_type3A_364 = arith.truncf %get3A_363 : f32 to bf16
    %convert_element_type3A_365 = arith.extf %convert_element_type3A_364 : bf16 to f32
    %mul3A_366 = vector.broadcast %convert_element_type3A_365 : f32 to vector<256x1024xf32>
    %mul3A_367 = arith.mulf %mul3A_366, %convert_element_type3A_360 : vector<256x1024xf32>
    %add3A_368 = arith.addf %add3A_328, %mul3A_367 : vector<256x1024xf32>
    %get3A_369 = arith.constant 9 : index
    %get3A_370 = arith.constant 0 : index
    %get3A_371 = arith.constant 0 : index
    %get3A_372 = vector.load %arg5[%get3A_369, %get3A_370, %get3A_371] : memref<16x32x32xf32, #tpu.memory_space<vmem>>, vector<1x32x32xf32>
    %get3A_373 = vector.shape_cast %get3A_372 : vector<1x32x32xf32> to vector<32x32xf32>
    %dot_general3A_374 = arith.constant dense<0.000000e+00> : vector<256x32xf32>
    %dot_general3A_375 = tpu.matmul %get3A_4, %get3A_373, %dot_general3A_374 {dimension_numbers = #tpu.dot_dimension_numbers<[1], [0], [0], [1], [0, 0, 1, 1], [], []>, transpose_lhs_hint = false} : vector<256x32xf32>, vector<32x32xf32>, vector<256x32xf32> -> vector<256x32xf32>
    %dot_general3A_376 = arith.constant dense<0.000000e+00> : vector<256x1024xf32>
    %dot_general3A_377 = tpu.matmul %dot_general3A_375, %get3A_9, %dot_general3A_376 {dimension_numbers = #tpu.dot_dimension_numbers<[1], [1], [0], [0], [0, 0, 1, 0], [], []>, transpose_lhs_hint = false} : vector<256x32xf32>, vector<1024x32xf32>, vector<256x1024xf32> -> vector<256x1024xf32>
    %get3A_378 = arith.constant 0 : index
    %get3A_379 = arith.constant 9 : index
    %get3A_380 = memref.load %arg1[%get3A_378, %get3A_379] : memref<1x16xf32, #tpu.memory_space<smem>>
    %max3A_381 = arith.constant 0.000000e+00 : f32
    %max3A_382 = vector.broadcast %max3A_381 : f32 to vector<256x1024xf32>
    %max3A_383 = arith.maximumf %dot_general3A_377, %max3A_382 : vector<256x1024xf32>
    %mul3A_384 = vector.broadcast %get3A_380 : f32 to vector<256x1024xf32>
    %mul3A_385 = arith.mulf %mul3A_384, %max3A_383 : vector<256x1024xf32>
    %add3A_386 = arith.addf %add3A_346, %mul3A_385 : vector<256x1024xf32>
    %get3A_387 = arith.constant 9 : index
    %get3A_388 = arith.constant 0 : index
    %get3A_389 = arith.constant 0 : index
    %get3A_390 = vector.load %arg6[%get3A_387, %get3A_388, %get3A_389] : memref<16x32x32xf32, #tpu.memory_space<vmem>>, vector<1x32x32xf32>
    %get3A_391 = vector.shape_cast %get3A_390 : vector<1x32x32xf32> to vector<32x32xf32>
    %dot_general3A_392 = arith.constant dense<0.000000e+00> : vector<256x32xf32>
    %dot_general3A_393 = tpu.matmul %get3A_4, %get3A_391, %dot_general3A_392 {dimension_numbers = #tpu.dot_dimension_numbers<[1], [0], [0], [1], [0, 0, 1, 1], [], []>, transpose_lhs_hint = false} : vector<256x32xf32>, vector<32x32xf32>, vector<256x32xf32> -> vector<256x32xf32>
    %dot_general3A_394 = arith.constant dense<0.000000e+00> : vector<256x1024xf32>
    %dot_general3A_395 = tpu.matmul %dot_general3A_393, %get3A_9, %dot_general3A_394 {dimension_numbers = #tpu.dot_dimension_numbers<[1], [1], [0], [0], [0, 0, 1, 0], [], []>, transpose_lhs_hint = false} : vector<256x32xf32>, vector<1024x32xf32>, vector<256x1024xf32> -> vector<256x1024xf32>
    %max3A_396 = arith.constant 0.000000e+00 : f32
    %max3A_397 = vector.broadcast %max3A_396 : f32 to vector<256x1024xf32>
    %max3A_398 = arith.maximumf %dot_general3A_395, %max3A_397 : vector<256x1024xf32>
    %convert_element_type3A_399 = arith.truncf %max3A_398 : vector<256x1024xf32> to vector<256x1024xbf16>
    %convert_element_type3A_400 = arith.extf %convert_element_type3A_399 : vector<256x1024xbf16> to vector<256x1024xf32>
    %get3A_401 = arith.constant 0 : index
    %get3A_402 = arith.constant 9 : index
    %get3A_403 = memref.load %arg2[%get3A_401, %get3A_402] : memref<1x16xf32, #tpu.memory_space<smem>>
    %convert_element_type3A_404 = arith.truncf %get3A_403 : f32 to bf16
    %convert_element_type3A_405 = arith.extf %convert_element_type3A_404 : bf16 to f32
    %mul3A_406 = vector.broadcast %convert_element_type3A_405 : f32 to vector<256x1024xf32>
    %mul3A_407 = arith.mulf %mul3A_406, %convert_element_type3A_400 : vector<256x1024xf32>
    %add3A_408 = arith.addf %add3A_368, %mul3A_407 : vector<256x1024xf32>
    %get3A_409 = arith.constant 10 : index
    %get3A_410 = arith.constant 0 : index
    %get3A_411 = arith.constant 0 : index
    %get3A_412 = vector.load %arg5[%get3A_409, %get3A_410, %get3A_411] : memref<16x32x32xf32, #tpu.memory_space<vmem>>, vector<1x32x32xf32>
    %get3A_413 = vector.shape_cast %get3A_412 : vector<1x32x32xf32> to vector<32x32xf32>
    %dot_general3A_414 = arith.constant dense<0.000000e+00> : vector<256x32xf32>
    %dot_general3A_415 = tpu.matmul %get3A_4, %get3A_413, %dot_general3A_414 {dimension_numbers = #tpu.dot_dimension_numbers<[1], [0], [0], [1], [0, 0, 1, 1], [], []>, transpose_lhs_hint = false} : vector<256x32xf32>, vector<32x32xf32>, vector<256x32xf32> -> vector<256x32xf32>
    %dot_general3A_416 = arith.constant dense<0.000000e+00> : vector<256x1024xf32>
    %dot_general3A_417 = tpu.matmul %dot_general3A_415, %get3A_9, %dot_general3A_416 {dimension_numbers = #tpu.dot_dimension_numbers<[1], [1], [0], [0], [0, 0, 1, 0], [], []>, transpose_lhs_hint = false} : vector<256x32xf32>, vector<1024x32xf32>, vector<256x1024xf32> -> vector<256x1024xf32>
    %get3A_418 = arith.constant 0 : index
    %get3A_419 = arith.constant 10 : index
    %get3A_420 = memref.load %arg1[%get3A_418, %get3A_419] : memref<1x16xf32, #tpu.memory_space<smem>>
    %max3A_421 = arith.constant 0.000000e+00 : f32
    %max3A_422 = vector.broadcast %max3A_421 : f32 to vector<256x1024xf32>
    %max3A_423 = arith.maximumf %dot_general3A_417, %max3A_422 : vector<256x1024xf32>
    %mul3A_424 = vector.broadcast %get3A_420 : f32 to vector<256x1024xf32>
    %mul3A_425 = arith.mulf %mul3A_424, %max3A_423 : vector<256x1024xf32>
    %add3A_426 = arith.addf %add3A_386, %mul3A_425 : vector<256x1024xf32>
    %get3A_427 = arith.constant 10 : index
    %get3A_428 = arith.constant 0 : index
    %get3A_429 = arith.constant 0 : index
    %get3A_430 = vector.load %arg6[%get3A_427, %get3A_428, %get3A_429] : memref<16x32x32xf32, #tpu.memory_space<vmem>>, vector<1x32x32xf32>
    %get3A_431 = vector.shape_cast %get3A_430 : vector<1x32x32xf32> to vector<32x32xf32>
    %dot_general3A_432 = arith.constant dense<0.000000e+00> : vector<256x32xf32>
    %dot_general3A_433 = tpu.matmul %get3A_4, %get3A_431, %dot_general3A_432 {dimension_numbers = #tpu.dot_dimension_numbers<[1], [0], [0], [1], [0, 0, 1, 1], [], []>, transpose_lhs_hint = false} : vector<256x32xf32>, vector<32x32xf32>, vector<256x32xf32> -> vector<256x32xf32>
    %dot_general3A_434 = arith.constant dense<0.000000e+00> : vector<256x1024xf32>
    %dot_general3A_435 = tpu.matmul %dot_general3A_433, %get3A_9, %dot_general3A_434 {dimension_numbers = #tpu.dot_dimension_numbers<[1], [1], [0], [0], [0, 0, 1, 0], [], []>, transpose_lhs_hint = false} : vector<256x32xf32>, vector<1024x32xf32>, vector<256x1024xf32> -> vector<256x1024xf32>
    %max3A_436 = arith.constant 0.000000e+00 : f32
    %max3A_437 = vector.broadcast %max3A_436 : f32 to vector<256x1024xf32>
    %max3A_438 = arith.maximumf %dot_general3A_435, %max3A_437 : vector<256x1024xf32>
    %convert_element_type3A_439 = arith.truncf %max3A_438 : vector<256x1024xf32> to vector<256x1024xbf16>
    %convert_element_type3A_440 = arith.extf %convert_element_type3A_439 : vector<256x1024xbf16> to vector<256x1024xf32>
    %get3A_441 = arith.constant 0 : index
    %get3A_442 = arith.constant 10 : index
    %get3A_443 = memref.load %arg2[%get3A_441, %get3A_442] : memref<1x16xf32, #tpu.memory_space<smem>>
    %convert_element_type3A_444 = arith.truncf %get3A_443 : f32 to bf16
    %convert_element_type3A_445 = arith.extf %convert_element_type3A_444 : bf16 to f32
    %mul3A_446 = vector.broadcast %convert_element_type3A_445 : f32 to vector<256x1024xf32>
    %mul3A_447 = arith.mulf %mul3A_446, %convert_element_type3A_440 : vector<256x1024xf32>
    %add3A_448 = arith.addf %add3A_408, %mul3A_447 : vector<256x1024xf32>
    %get3A_449 = arith.constant 11 : index
    %get3A_450 = arith.constant 0 : index
    %get3A_451 = arith.constant 0 : index
    %get3A_452 = vector.load %arg5[%get3A_449, %get3A_450, %get3A_451] : memref<16x32x32xf32, #tpu.memory_space<vmem>>, vector<1x32x32xf32>
    %get3A_453 = vector.shape_cast %get3A_452 : vector<1x32x32xf32> to vector<32x32xf32>
    %dot_general3A_454 = arith.constant dense<0.000000e+00> : vector<256x32xf32>
    %dot_general3A_455 = tpu.matmul %get3A_4, %get3A_453, %dot_general3A_454 {dimension_numbers = #tpu.dot_dimension_numbers<[1], [0], [0], [1], [0, 0, 1, 1], [], []>, transpose_lhs_hint = false} : vector<256x32xf32>, vector<32x32xf32>, vector<256x32xf32> -> vector<256x32xf32>
    %dot_general3A_456 = arith.constant dense<0.000000e+00> : vector<256x1024xf32>
    %dot_general3A_457 = tpu.matmul %dot_general3A_455, %get3A_9, %dot_general3A_456 {dimension_numbers = #tpu.dot_dimension_numbers<[1], [1], [0], [0], [0, 0, 1, 0], [], []>, transpose_lhs_hint = false} : vector<256x32xf32>, vector<1024x32xf32>, vector<256x1024xf32> -> vector<256x1024xf32>
    %get3A_458 = arith.constant 0 : index
    %get3A_459 = arith.constant 11 : index
    %get3A_460 = memref.load %arg1[%get3A_458, %get3A_459] : memref<1x16xf32, #tpu.memory_space<smem>>
    %max3A_461 = arith.constant 0.000000e+00 : f32
    %max3A_462 = vector.broadcast %max3A_461 : f32 to vector<256x1024xf32>
    %max3A_463 = arith.maximumf %dot_general3A_457, %max3A_462 : vector<256x1024xf32>
    %mul3A_464 = vector.broadcast %get3A_460 : f32 to vector<256x1024xf32>
    %mul3A_465 = arith.mulf %mul3A_464, %max3A_463 : vector<256x1024xf32>
    %add3A_466 = arith.addf %add3A_426, %mul3A_465 : vector<256x1024xf32>
    %get3A_467 = arith.constant 11 : index
    %get3A_468 = arith.constant 0 : index
    %get3A_469 = arith.constant 0 : index
    %get3A_470 = vector.load %arg6[%get3A_467, %get3A_468, %get3A_469] : memref<16x32x32xf32, #tpu.memory_space<vmem>>, vector<1x32x32xf32>
    %get3A_471 = vector.shape_cast %get3A_470 : vector<1x32x32xf32> to vector<32x32xf32>
    %dot_general3A_472 = arith.constant dense<0.000000e+00> : vector<256x32xf32>
    %dot_general3A_473 = tpu.matmul %get3A_4, %get3A_471, %dot_general3A_472 {dimension_numbers = #tpu.dot_dimension_numbers<[1], [0], [0], [1], [0, 0, 1, 1], [], []>, transpose_lhs_hint = false} : vector<256x32xf32>, vector<32x32xf32>, vector<256x32xf32> -> vector<256x32xf32>
    %dot_general3A_474 = arith.constant dense<0.000000e+00> : vector<256x1024xf32>
    %dot_general3A_475 = tpu.matmul %dot_general3A_473, %get3A_9, %dot_general3A_474 {dimension_numbers = #tpu.dot_dimension_numbers<[1], [1], [0], [0], [0, 0, 1, 0], [], []>, transpose_lhs_hint = false} : vector<256x32xf32>, vector<1024x32xf32>, vector<256x1024xf32> -> vector<256x1024xf32>
    %max3A_476 = arith.constant 0.000000e+00 : f32
    %max3A_477 = vector.broadcast %max3A_476 : f32 to vector<256x1024xf32>
    %max3A_478 = arith.maximumf %dot_general3A_475, %max3A_477 : vector<256x1024xf32>
    %convert_element_type3A_479 = arith.truncf %max3A_478 : vector<256x1024xf32> to vector<256x1024xbf16>
    %convert_element_type3A_480 = arith.extf %convert_element_type3A_479 : vector<256x1024xbf16> to vector<256x1024xf32>
    %get3A_481 = arith.constant 0 : index
    %get3A_482 = arith.constant 11 : index
    %get3A_483 = memref.load %arg2[%get3A_481, %get3A_482] : memref<1x16xf32, #tpu.memory_space<smem>>
    %convert_element_type3A_484 = arith.truncf %get3A_483 : f32 to bf16
    %convert_element_type3A_485 = arith.extf %convert_element_type3A_484 : bf16 to f32
    %mul3A_486 = vector.broadcast %convert_element_type3A_485 : f32 to vector<256x1024xf32>
    %mul3A_487 = arith.mulf %mul3A_486, %convert_element_type3A_480 : vector<256x1024xf32>
    %add3A_488 = arith.addf %add3A_448, %mul3A_487 : vector<256x1024xf32>
    %get3A_489 = arith.constant 12 : index
    %get3A_490 = arith.constant 0 : index
    %get3A_491 = arith.constant 0 : index
    %get3A_492 = vector.load %arg5[%get3A_489, %get3A_490, %get3A_491] : memref<16x32x32xf32, #tpu.memory_space<vmem>>, vector<1x32x32xf32>
    %get3A_493 = vector.shape_cast %get3A_492 : vector<1x32x32xf32> to vector<32x32xf32>
    %dot_general3A_494 = arith.constant dense<0.000000e+00> : vector<256x32xf32>
    %dot_general3A_495 = tpu.matmul %get3A_4, %get3A_493, %dot_general3A_494 {dimension_numbers = #tpu.dot_dimension_numbers<[1], [0], [0], [1], [0, 0, 1, 1], [], []>, transpose_lhs_hint = false} : vector<256x32xf32>, vector<32x32xf32>, vector<256x32xf32> -> vector<256x32xf32>
    %dot_general3A_496 = arith.constant dense<0.000000e+00> : vector<256x1024xf32>
    %dot_general3A_497 = tpu.matmul %dot_general3A_495, %get3A_9, %dot_general3A_496 {dimension_numbers = #tpu.dot_dimension_numbers<[1], [1], [0], [0], [0, 0, 1, 0], [], []>, transpose_lhs_hint = false} : vector<256x32xf32>, vector<1024x32xf32>, vector<256x1024xf32> -> vector<256x1024xf32>
    %get3A_498 = arith.constant 0 : index
    %get3A_499 = arith.constant 12 : index
    %get3A_500 = memref.load %arg1[%get3A_498, %get3A_499] : memref<1x16xf32, #tpu.memory_space<smem>>
    %max3A_501 = arith.constant 0.000000e+00 : f32
    %max3A_502 = vector.broadcast %max3A_501 : f32 to vector<256x1024xf32>
    %max3A_503 = arith.maximumf %dot_general3A_497, %max3A_502 : vector<256x1024xf32>
    %mul3A_504 = vector.broadcast %get3A_500 : f32 to vector<256x1024xf32>
    %mul3A_505 = arith.mulf %mul3A_504, %max3A_503 : vector<256x1024xf32>
    %add3A_506 = arith.addf %add3A_466, %mul3A_505 : vector<256x1024xf32>
    %get3A_507 = arith.constant 12 : index
    %get3A_508 = arith.constant 0 : index
    %get3A_509 = arith.constant 0 : index
    %get3A_510 = vector.load %arg6[%get3A_507, %get3A_508, %get3A_509] : memref<16x32x32xf32, #tpu.memory_space<vmem>>, vector<1x32x32xf32>
    %get3A_511 = vector.shape_cast %get3A_510 : vector<1x32x32xf32> to vector<32x32xf32>
    %dot_general3A_512 = arith.constant dense<0.000000e+00> : vector<256x32xf32>
    %dot_general3A_513 = tpu.matmul %get3A_4, %get3A_511, %dot_general3A_512 {dimension_numbers = #tpu.dot_dimension_numbers<[1], [0], [0], [1], [0, 0, 1, 1], [], []>, transpose_lhs_hint = false} : vector<256x32xf32>, vector<32x32xf32>, vector<256x32xf32> -> vector<256x32xf32>
    %dot_general3A_514 = arith.constant dense<0.000000e+00> : vector<256x1024xf32>
    %dot_general3A_515 = tpu.matmul %dot_general3A_513, %get3A_9, %dot_general3A_514 {dimension_numbers = #tpu.dot_dimension_numbers<[1], [1], [0], [0], [0, 0, 1, 0], [], []>, transpose_lhs_hint = false} : vector<256x32xf32>, vector<1024x32xf32>, vector<256x1024xf32> -> vector<256x1024xf32>
    %max3A_516 = arith.constant 0.000000e+00 : f32
    %max3A_517 = vector.broadcast %max3A_516 : f32 to vector<256x1024xf32>
    %max3A_518 = arith.maximumf %dot_general3A_515, %max3A_517 : vector<256x1024xf32>
    %convert_element_type3A_519 = arith.truncf %max3A_518 : vector<256x1024xf32> to vector<256x1024xbf16>
    %convert_element_type3A_520 = arith.extf %convert_element_type3A_519 : vector<256x1024xbf16> to vector<256x1024xf32>
    %get3A_521 = arith.constant 0 : index
    %get3A_522 = arith.constant 12 : index
    %get3A_523 = memref.load %arg2[%get3A_521, %get3A_522] : memref<1x16xf32, #tpu.memory_space<smem>>
    %convert_element_type3A_524 = arith.truncf %get3A_523 : f32 to bf16
    %convert_element_type3A_525 = arith.extf %convert_element_type3A_524 : bf16 to f32
    %mul3A_526 = vector.broadcast %convert_element_type3A_525 : f32 to vector<256x1024xf32>
    %mul3A_527 = arith.mulf %mul3A_526, %convert_element_type3A_520 : vector<256x1024xf32>
    %add3A_528 = arith.addf %add3A_488, %mul3A_527 : vector<256x1024xf32>
    %get3A_529 = arith.constant 13 : index
    %get3A_530 = arith.constant 0 : index
    %get3A_531 = arith.constant 0 : index
    %get3A_532 = vector.load %arg5[%get3A_529, %get3A_530, %get3A_531] : memref<16x32x32xf32, #tpu.memory_space<vmem>>, vector<1x32x32xf32>
    %get3A_533 = vector.shape_cast %get3A_532 : vector<1x32x32xf32> to vector<32x32xf32>
    %dot_general3A_534 = arith.constant dense<0.000000e+00> : vector<256x32xf32>
    %dot_general3A_535 = tpu.matmul %get3A_4, %get3A_533, %dot_general3A_534 {dimension_numbers = #tpu.dot_dimension_numbers<[1], [0], [0], [1], [0, 0, 1, 1], [], []>, transpose_lhs_hint = false} : vector<256x32xf32>, vector<32x32xf32>, vector<256x32xf32> -> vector<256x32xf32>
    %dot_general3A_536 = arith.constant dense<0.000000e+00> : vector<256x1024xf32>
    %dot_general3A_537 = tpu.matmul %dot_general3A_535, %get3A_9, %dot_general3A_536 {dimension_numbers = #tpu.dot_dimension_numbers<[1], [1], [0], [0], [0, 0, 1, 0], [], []>, transpose_lhs_hint = false} : vector<256x32xf32>, vector<1024x32xf32>, vector<256x1024xf32> -> vector<256x1024xf32>
    %get3A_538 = arith.constant 0 : index
    %get3A_539 = arith.constant 13 : index
    %get3A_540 = memref.load %arg1[%get3A_538, %get3A_539] : memref<1x16xf32, #tpu.memory_space<smem>>
    %max3A_541 = arith.constant 0.000000e+00 : f32
    %max3A_542 = vector.broadcast %max3A_541 : f32 to vector<256x1024xf32>
    %max3A_543 = arith.maximumf %dot_general3A_537, %max3A_542 : vector<256x1024xf32>
    %mul3A_544 = vector.broadcast %get3A_540 : f32 to vector<256x1024xf32>
    %mul3A_545 = arith.mulf %mul3A_544, %max3A_543 : vector<256x1024xf32>
    %add3A_546 = arith.addf %add3A_506, %mul3A_545 : vector<256x1024xf32>
    %get3A_547 = arith.constant 13 : index
    %get3A_548 = arith.constant 0 : index
    %get3A_549 = arith.constant 0 : index
    %get3A_550 = vector.load %arg6[%get3A_547, %get3A_548, %get3A_549] : memref<16x32x32xf32, #tpu.memory_space<vmem>>, vector<1x32x32xf32>
    %get3A_551 = vector.shape_cast %get3A_550 : vector<1x32x32xf32> to vector<32x32xf32>
    %dot_general3A_552 = arith.constant dense<0.000000e+00> : vector<256x32xf32>
    %dot_general3A_553 = tpu.matmul %get3A_4, %get3A_551, %dot_general3A_552 {dimension_numbers = #tpu.dot_dimension_numbers<[1], [0], [0], [1], [0, 0, 1, 1], [], []>, transpose_lhs_hint = false} : vector<256x32xf32>, vector<32x32xf32>, vector<256x32xf32> -> vector<256x32xf32>
    %dot_general3A_554 = arith.constant dense<0.000000e+00> : vector<256x1024xf32>
    %dot_general3A_555 = tpu.matmul %dot_general3A_553, %get3A_9, %dot_general3A_554 {dimension_numbers = #tpu.dot_dimension_numbers<[1], [1], [0], [0], [0, 0, 1, 0], [], []>, transpose_lhs_hint = false} : vector<256x32xf32>, vector<1024x32xf32>, vector<256x1024xf32> -> vector<256x1024xf32>
    %max3A_556 = arith.constant 0.000000e+00 : f32
    %max3A_557 = vector.broadcast %max3A_556 : f32 to vector<256x1024xf32>
    %max3A_558 = arith.maximumf %dot_general3A_555, %max3A_557 : vector<256x1024xf32>
    %convert_element_type3A_559 = arith.truncf %max3A_558 : vector<256x1024xf32> to vector<256x1024xbf16>
    %convert_element_type3A_560 = arith.extf %convert_element_type3A_559 : vector<256x1024xbf16> to vector<256x1024xf32>
    %get3A_561 = arith.constant 0 : index
    %get3A_562 = arith.constant 13 : index
    %get3A_563 = memref.load %arg2[%get3A_561, %get3A_562] : memref<1x16xf32, #tpu.memory_space<smem>>
    %convert_element_type3A_564 = arith.truncf %get3A_563 : f32 to bf16
    %convert_element_type3A_565 = arith.extf %convert_element_type3A_564 : bf16 to f32
    %mul3A_566 = vector.broadcast %convert_element_type3A_565 : f32 to vector<256x1024xf32>
    %mul3A_567 = arith.mulf %mul3A_566, %convert_element_type3A_560 : vector<256x1024xf32>
    %add3A_568 = arith.addf %add3A_528, %mul3A_567 : vector<256x1024xf32>
    %get3A_569 = arith.constant 14 : index
    %get3A_570 = arith.constant 0 : index
    %get3A_571 = arith.constant 0 : index
    %get3A_572 = vector.load %arg5[%get3A_569, %get3A_570, %get3A_571] : memref<16x32x32xf32, #tpu.memory_space<vmem>>, vector<1x32x32xf32>
    %get3A_573 = vector.shape_cast %get3A_572 : vector<1x32x32xf32> to vector<32x32xf32>
    %dot_general3A_574 = arith.constant dense<0.000000e+00> : vector<256x32xf32>
    %dot_general3A_575 = tpu.matmul %get3A_4, %get3A_573, %dot_general3A_574 {dimension_numbers = #tpu.dot_dimension_numbers<[1], [0], [0], [1], [0, 0, 1, 1], [], []>, transpose_lhs_hint = false} : vector<256x32xf32>, vector<32x32xf32>, vector<256x32xf32> -> vector<256x32xf32>
    %dot_general3A_576 = arith.constant dense<0.000000e+00> : vector<256x1024xf32>
    %dot_general3A_577 = tpu.matmul %dot_general3A_575, %get3A_9, %dot_general3A_576 {dimension_numbers = #tpu.dot_dimension_numbers<[1], [1], [0], [0], [0, 0, 1, 0], [], []>, transpose_lhs_hint = false} : vector<256x32xf32>, vector<1024x32xf32>, vector<256x1024xf32> -> vector<256x1024xf32>
    %get3A_578 = arith.constant 0 : index
    %get3A_579 = arith.constant 14 : index
    %get3A_580 = memref.load %arg1[%get3A_578, %get3A_579] : memref<1x16xf32, #tpu.memory_space<smem>>
    %max3A_581 = arith.constant 0.000000e+00 : f32
    %max3A_582 = vector.broadcast %max3A_581 : f32 to vector<256x1024xf32>
    %max3A_583 = arith.maximumf %dot_general3A_577, %max3A_582 : vector<256x1024xf32>
    %mul3A_584 = vector.broadcast %get3A_580 : f32 to vector<256x1024xf32>
    %mul3A_585 = arith.mulf %mul3A_584, %max3A_583 : vector<256x1024xf32>
    %add3A_586 = arith.addf %add3A_546, %mul3A_585 : vector<256x1024xf32>
    %get3A_587 = arith.constant 14 : index
    %get3A_588 = arith.constant 0 : index
    %get3A_589 = arith.constant 0 : index
    %get3A_590 = vector.load %arg6[%get3A_587, %get3A_588, %get3A_589] : memref<16x32x32xf32, #tpu.memory_space<vmem>>, vector<1x32x32xf32>
    %get3A_591 = vector.shape_cast %get3A_590 : vector<1x32x32xf32> to vector<32x32xf32>
    %dot_general3A_592 = arith.constant dense<0.000000e+00> : vector<256x32xf32>
    %dot_general3A_593 = tpu.matmul %get3A_4, %get3A_591, %dot_general3A_592 {dimension_numbers = #tpu.dot_dimension_numbers<[1], [0], [0], [1], [0, 0, 1, 1], [], []>, transpose_lhs_hint = false} : vector<256x32xf32>, vector<32x32xf32>, vector<256x32xf32> -> vector<256x32xf32>
    %dot_general3A_594 = arith.constant dense<0.000000e+00> : vector<256x1024xf32>
    %dot_general3A_595 = tpu.matmul %dot_general3A_593, %get3A_9, %dot_general3A_594 {dimension_numbers = #tpu.dot_dimension_numbers<[1], [1], [0], [0], [0, 0, 1, 0], [], []>, transpose_lhs_hint = false} : vector<256x32xf32>, vector<1024x32xf32>, vector<256x1024xf32> -> vector<256x1024xf32>
    %max3A_596 = arith.constant 0.000000e+00 : f32
    %max3A_597 = vector.broadcast %max3A_596 : f32 to vector<256x1024xf32>
    %max3A_598 = arith.maximumf %dot_general3A_595, %max3A_597 : vector<256x1024xf32>
    %convert_element_type3A_599 = arith.truncf %max3A_598 : vector<256x1024xf32> to vector<256x1024xbf16>
    %convert_element_type3A_600 = arith.extf %convert_element_type3A_599 : vector<256x1024xbf16> to vector<256x1024xf32>
    %get3A_601 = arith.constant 0 : index
    %get3A_602 = arith.constant 14 : index
    %get3A_603 = memref.load %arg2[%get3A_601, %get3A_602] : memref<1x16xf32, #tpu.memory_space<smem>>
    %convert_element_type3A_604 = arith.truncf %get3A_603 : f32 to bf16
    %convert_element_type3A_605 = arith.extf %convert_element_type3A_604 : bf16 to f32
    %mul3A_606 = vector.broadcast %convert_element_type3A_605 : f32 to vector<256x1024xf32>
    %mul3A_607 = arith.mulf %mul3A_606, %convert_element_type3A_600 : vector<256x1024xf32>
    %add3A_608 = arith.addf %add3A_568, %mul3A_607 : vector<256x1024xf32>
    %get3A_609 = arith.constant 15 : index
    %get3A_610 = arith.constant 0 : index
    %get3A_611 = arith.constant 0 : index
    %get3A_612 = vector.load %arg5[%get3A_609, %get3A_610, %get3A_611] : memref<16x32x32xf32, #tpu.memory_space<vmem>>, vector<1x32x32xf32>
    %get3A_613 = vector.shape_cast %get3A_612 : vector<1x32x32xf32> to vector<32x32xf32>
    %dot_general3A_614 = arith.constant dense<0.000000e+00> : vector<256x32xf32>
    %dot_general3A_615 = tpu.matmul %get3A_4, %get3A_613, %dot_general3A_614 {dimension_numbers = #tpu.dot_dimension_numbers<[1], [0], [0], [1], [0, 0, 1, 1], [], []>, transpose_lhs_hint = false} : vector<256x32xf32>, vector<32x32xf32>, vector<256x32xf32> -> vector<256x32xf32>
    %dot_general3A_616 = arith.constant dense<0.000000e+00> : vector<256x1024xf32>
    %dot_general3A_617 = tpu.matmul %dot_general3A_615, %get3A_9, %dot_general3A_616 {dimension_numbers = #tpu.dot_dimension_numbers<[1], [1], [0], [0], [0, 0, 1, 0], [], []>, transpose_lhs_hint = false} : vector<256x32xf32>, vector<1024x32xf32>, vector<256x1024xf32> -> vector<256x1024xf32>
    %get3A_618 = arith.constant 0 : index
    %get3A_619 = arith.constant 15 : index
    %get3A_620 = memref.load %arg1[%get3A_618, %get3A_619] : memref<1x16xf32, #tpu.memory_space<smem>>
    %max3A_621 = arith.constant 0.000000e+00 : f32
    %max3A_622 = vector.broadcast %max3A_621 : f32 to vector<256x1024xf32>
    %max3A_623 = arith.maximumf %dot_general3A_617, %max3A_622 : vector<256x1024xf32>
    %mul3A_624 = vector.broadcast %get3A_620 : f32 to vector<256x1024xf32>
    %mul3A_625 = arith.mulf %mul3A_624, %max3A_623 : vector<256x1024xf32>
    %add3A_626 = arith.addf %add3A_586, %mul3A_625 : vector<256x1024xf32>
    %get3A_627 = arith.constant 15 : index
    %get3A_628 = arith.constant 0 : index
    %get3A_629 = arith.constant 0 : index
    %get3A_630 = vector.load %arg6[%get3A_627, %get3A_628, %get3A_629] : memref<16x32x32xf32, #tpu.memory_space<vmem>>, vector<1x32x32xf32>
    %get3A_631 = vector.shape_cast %get3A_630 : vector<1x32x32xf32> to vector<32x32xf32>
    %dot_general3A_632 = arith.constant dense<0.000000e+00> : vector<256x32xf32>
    %dot_general3A_633 = tpu.matmul %get3A_4, %get3A_631, %dot_general3A_632 {dimension_numbers = #tpu.dot_dimension_numbers<[1], [0], [0], [1], [0, 0, 1, 1], [], []>, transpose_lhs_hint = false} : vector<256x32xf32>, vector<32x32xf32>, vector<256x32xf32> -> vector<256x32xf32>
    %dot_general3A_634 = arith.constant dense<0.000000e+00> : vector<256x1024xf32>
    %dot_general3A_635 = tpu.matmul %dot_general3A_633, %get3A_9, %dot_general3A_634 {dimension_numbers = #tpu.dot_dimension_numbers<[1], [1], [0], [0], [0, 0, 1, 0], [], []>, transpose_lhs_hint = false} : vector<256x32xf32>, vector<1024x32xf32>, vector<256x1024xf32> -> vector<256x1024xf32>
    %max3A_636 = arith.constant 0.000000e+00 : f32
    %max3A_637 = vector.broadcast %max3A_636 : f32 to vector<256x1024xf32>
    %max3A_638 = arith.maximumf %dot_general3A_635, %max3A_637 : vector<256x1024xf32>
    %convert_element_type3A_639 = arith.truncf %max3A_638 : vector<256x1024xf32> to vector<256x1024xbf16>
    %convert_element_type3A_640 = arith.extf %convert_element_type3A_639 : vector<256x1024xbf16> to vector<256x1024xf32>
    %get3A_641 = arith.constant 0 : index
    %get3A_642 = arith.constant 15 : index
    %get3A_643 = memref.load %arg2[%get3A_641, %get3A_642] : memref<1x16xf32, #tpu.memory_space<smem>>
    %convert_element_type3A_644 = arith.truncf %get3A_643 : f32 to bf16
    %convert_element_type3A_645 = arith.extf %convert_element_type3A_644 : bf16 to f32
    %mul3A_646 = vector.broadcast %convert_element_type3A_645 : f32 to vector<256x1024xf32>
    %mul3A_647 = arith.mulf %mul3A_646, %convert_element_type3A_640 : vector<256x1024xf32>
    %add3A_648 = arith.addf %add3A_608, %mul3A_647 : vector<256x1024xf32>
    %swap3A = arith.constant 0 : index
    %swap3A_649 = arith.constant 0 : index
    %swap3A_650 = vector.load %arg19[%swap3A, %swap3A_649] : memref<256x1024xf32, #tpu.memory_space<vmem>>, vector<256x1024xf32>
    tpu.vector_store %arg19[%swap3A, %swap3A_649], %add3A_648 {strides = array<i32>} : memref<256x1024xf32, #tpu.memory_space<vmem>>, vector<256x1024xf32>,
    %reduce_max3A = arith.constant dense<0xFF800000> : vector<256xf32>
    %reduce_max3A_651 = vector.multi_reduction <maximumf>, %add3A_648, %reduce_max3A [1] : vector<256x1024xf32> to vector<256xf32>
    %broadcast_in_dim3A_652 = vector.shape_cast %reduce_max3A_651 : vector<256xf32> to vector<256x1xf32>
    %sub3A = vector.broadcast %broadcast_in_dim3A_652 : vector<256x1xf32> to vector<256x1024xf32>
    %sub3A_653 = arith.subf %add3A_648, %sub3A : vector<256x1024xf32>
    %exp3A = math.exp %sub3A_653 : vector<256x1024xf32>
    %reduce_sum3A = arith.constant dense<0.000000e+00> : vector<256xf32>
    %reduce_sum3A_654 = vector.multi_reduction <add>, %exp3A, %reduce_sum3A [1] : vector<256x1024xf32> to vector<256xf32>
    %broadcast_in_dim3A_655 = vector.shape_cast %reduce_sum3A_654 : vector<256xf32> to vector<256x1xf32>
    %div3A = vector.broadcast %broadcast_in_dim3A_655 : vector<256x1xf32> to vector<256x1024xf32>
    %div3A_656 = arith.divf %exp3A, %div3A : vector<256x1024xf32>
    %mul3A_657 = arith.mulf %div3A_656, %add3A_626 : vector<256x1024xf32>
    %reduce_sum3A_658 = arith.constant dense<0.000000e+00> : vector<256xf32>
    %reduce_sum3A_659 = vector.multi_reduction <add>, %mul3A_657, %reduce_sum3A_658 [1] : vector<256x1024xf32> to vector<256xf32>
    %broadcast_in_dim3A_660 = vector.shape_cast %reduce_sum3A_659 : vector<256xf32> to vector<256x1xf32>
    %reduce_sum3A_661 = vector.shape_cast %broadcast_in_dim3A_660 : vector<256x1xf32> to vector<1x256x1xf32>
    %reduce_sum3A_662 = arith.constant dense<0.000000e+00> : vector<1xf32>
    %reduce_sum3A_663 = vector.multi_reduction <add>, %reduce_sum3A_661, %reduce_sum3A_662 [1, 2] : vector<1x256x1xf32> to vector<1xf32>
    %reduce_sum3A_664 = vector.shape_cast %reduce_sum3A_663 : vector<1xf32> to vector<1x1x1xf32>
    %reduce_sum3A_665 = vector.extract %reduce_sum3A_664[0, 0, 0] : f32 from vector<1x1x1xf32>
    %eq3A = arith.constant 0 : i32
    %eq3A_666 = arith.cmpi eq, %arg0, %eq3A : i32
    %get3A_667 = arith.constant 0 : index
    %get3A_668 = arith.constant 0 : index
    %get3A_669 = memref.load %arg21[%get3A_667, %get3A_668] : memref<1x1xf32, #tpu.memory_space<smem>>
    %jit3A = arith.constant 0.000000e+00 : f32
    %select_n3A = arith.select %eq3A_666, %jit3A, %get3A_669 : f32
    %add3A_670 = arith.addf %select_n3A, %reduce_sum3A_665 : f32
    %swap3A_671 = arith.constant 0 : index
    %swap3A_672 = arith.constant 0 : index
    %swap3A_673 = memref.load %arg21[%swap3A_671, %swap3A_672] : memref<1x1xf32, #tpu.memory_space<smem>>
    memref.store %add3A_670, %arg21[%swap3A_671, %swap3A_672] : memref<1x1xf32, #tpu.memory_space<smem>>
    %eq3A_674 = arith.constant 3 : i32
    %eq3A_675 = arith.cmpi eq, %arg0, %eq3A_674 : i32
    %convert_element_type3A_676 = arith.extui %eq3A_675 : i1 to i32
    %cond3A = arith.constant 0 : i32
    %cond3A_677 = arith.cmpi ne, %convert_element_type3A_676, %cond3A : i32
    scf.if %cond3A_677 {
      %get3A_678 = arith.constant 0 : index
      %get3A_679 = arith.constant 0 : index
      %get3A_680 = arith.constant 0 : index
      %get3A_681 = vector.load %arg4[%get3A_678, %get3A_679, %get3A_680] : memref<2x1024x32xf32, #tpu.memory_space<vmem>>, vector<1x1024x32xf32>
      %get3A_682 = vector.shape_cast %get3A_681 : vector<1x1024x32xf32> to vector<1024x32xf32>
      %get3A_683 = arith.constant 0 : index
      %get3A_684 = arith.constant 0 : index
      %get3A_685 = vector.load %arg7[%get3A_683, %get3A_684] : memref<32x32xf32, #tpu.memory_space<vmem>>, vector<32x32xf32>
      %dot_general3A_686 = arith.constant dense<0.000000e+00> : vector<1024x32xf32>
      %dot_general3A_687 = tpu.matmul %get3A_682, %get3A_685, %dot_general3A_686 {dimension_numbers = #tpu.dot_dimension_numbers<[1], [0], [0], [1], [0, 0, 1, 1], [], []>, transpose_lhs_hint = false} : vector<1024x32xf32>, vector<32x32xf32>, vector<1024x32xf32> -> vector<1024x32xf32>
      %reduce_sum3A_688 = arith.constant dense<0.000000e+00> : vector<32xf32>
      %reduce_sum3A_689 = vector.multi_reduction <add>, %dot_general3A_687, %reduce_sum3A_688 [0] : vector<1024x32xf32> to vector<32xf32>
      %broadcast_in_dim3A_690 = vector.shape_cast %reduce_sum3A_689 : vector<32xf32> to vector<1x32xf32>
      %div3A_691 = arith.constant 1.024000e+03 : f32
      %div3A_692 = vector.broadcast %div3A_691 : f32 to vector<1x32xf32>
      %div3A_693 = arith.divf %broadcast_in_dim3A_690, %div3A_692 : vector<1x32xf32>
      %tanh3A = math.tanh %div3A_693 : vector<1x32xf32>
      %dot_general3A_694 = arith.constant dense<0.000000e+00> : vector<1024x1xf32>
      %dot_general3A_695 = tpu.matmul %get3A_682, %tanh3A, %dot_general3A_694 {dimension_numbers = #tpu.dot_dimension_numbers<[1], [1], [0], [0], [0, 0, 1, 0], [], []>, transpose_lhs_hint = false} : vector<1024x32xf32>, vector<1x32xf32>, vector<1024x1xf32> -> vector<1024x1xf32>
      %neg3A = arith.constant 0.000000e+00 : f32
      %neg3A_696 = vector.broadcast %neg3A : f32 to vector<1024x1xf32>
      %neg3A_697 = arith.subf %neg3A_696, %dot_general3A_695 : vector<1024x1xf32>
      %exp3A_698 = math.exp %neg3A_697 : vector<1024x1xf32>
      %add3A_699 = arith.constant 1.000000e+00 : f32
      %add3A_700 = vector.broadcast %add3A_699 : f32 to vector<1024x1xf32>
      %add3A_701 = arith.addf %add3A_700, %exp3A_698 : vector<1024x1xf32>
      %div3A_702 = arith.constant 1.000000e+00 : f32
      %div3A_703 = vector.broadcast %div3A_702 : f32 to vector<1024x1xf32>
      %div3A_704 = arith.divf %div3A_703, %add3A_701 : vector<1024x1xf32>
      %dot_general3A_705 = arith.constant dense<0.000000e+00> : vector<1x32xf32>
      %dot_general3A_706 = tpu.matmul %div3A_704, %get3A_682, %dot_general3A_705 {dimension_numbers = #tpu.dot_dimension_numbers<[0], [0], [1], [1], [0, 1, 1, 1], [], []>, transpose_lhs_hint = false} : vector<1024x1xf32>, vector<1024x32xf32>, vector<1x32xf32> -> vector<1x32xf32>
      %get3A_707 = arith.constant 0 : index
      %get3A_708 = arith.constant 0 : index
      %get3A_709 = vector.load %arg7[%get3A_707, %get3A_708] : memref<32x32xf32, #tpu.memory_space<vmem>>, vector<32x32xf32>
      %dot_general3A_710 = arith.constant dense<0.000000e+00> : vector<1024x32xf32>
      %dot_general3A_711 = tpu.matmul %get3A_9, %get3A_709, %dot_general3A_710 {dimension_numbers = #tpu.dot_dimension_numbers<[1], [0], [0], [1], [0, 0, 1, 1], [], []>, transpose_lhs_hint = false} : vector<1024x32xf32>, vector<32x32xf32>, vector<1024x32xf32> -> vector<1024x32xf32>
      %reduce_sum3A_712 = arith.constant dense<0.000000e+00> : vector<32xf32>
      %reduce_sum3A_713 = vector.multi_reduction <add>, %dot_general3A_711, %reduce_sum3A_712 [0] : vector<1024x32xf32> to vector<32xf32>
      %broadcast_in_dim3A_714 = vector.shape_cast %reduce_sum3A_713 : vector<32xf32> to vector<1x32xf32>
      %div3A_715 = arith.constant 1.024000e+03 : f32
      %div3A_716 = vector.broadcast %div3A_715 : f32 to vector<1x32xf32>
      %div3A_717 = arith.divf %broadcast_in_dim3A_714, %div3A_716 : vector<1x32xf32>
      %tanh3A_718 = math.tanh %div3A_717 : vector<1x32xf32>
      %dot_general3A_719 = arith.constant dense<0.000000e+00> : vector<1024x1xf32>
      %dot_general3A_720 = tpu.matmul %get3A_9, %tanh3A_718, %dot_general3A_719 {dimension_numbers = #tpu.dot_dimension_numbers<[1], [1], [0], [0], [0, 0, 1, 0], [], []>, transpose_lhs_hint = false} : vector<1024x32xf32>, vector<1x32xf32>, vector<1024x1xf32> -> vector<1024x1xf32>
      %neg3A_721 = arith.constant 0.000000e+00 : f32
      %neg3A_722 = vector.broadcast %neg3A_721 : f32 to vector<1024x1xf32>
      %neg3A_723 = arith.subf %neg3A_722, %dot_general3A_720 : vector<1024x1xf32>
      %exp3A_724 = math.exp %neg3A_723 : vector<1024x1xf32>
      %add3A_725 = arith.constant 1.000000e+00 : f32
      %add3A_726 = vector.broadcast %add3A_725 : f32 to vector<1024x1xf32>
      %add3A_727 = arith.addf %add3A_726, %exp3A_724 : vector<1024x1xf32>
      %div3A_728 = arith.constant 1.000000e+00 : f32
      %div3A_729 = vector.broadcast %div3A_728 : f32 to vector<1024x1xf32>
      %div3A_730 = arith.divf %div3A_729, %add3A_727 : vector<1024x1xf32>
      %dot_general3A_731 = arith.constant dense<0.000000e+00> : vector<1x32xf32>
      %dot_general3A_732 = tpu.matmul %div3A_730, %get3A_9, %dot_general3A_731 {dimension_numbers = #tpu.dot_dimension_numbers<[0], [0], [1], [1], [0, 1, 1, 1], [], []>, transpose_lhs_hint = false} : vector<1024x1xf32>, vector<1024x32xf32>, vector<1x32xf32> -> vector<1x32xf32>
      %dot_general3A_733 = arith.constant dense<0.000000e+00> : vector<32x32xf32>
      %dot_general3A_734 = tpu.matmul %dot_general3A_706, %dot_general3A_732, %dot_general3A_733 {dimension_numbers = #tpu.dot_dimension_numbers<[0], [0], [1], [1], [0, 1, 1, 1], [], []>, transpose_lhs_hint = false} : vector<1x32xf32>, vector<1x32xf32>, vector<32x32xf32> -> vector<32x32xf32>
      %iota3A = tpu.iota {dimensions = array<i32: 1>} : vector<1x16xi32>
      %broadcast_in_dim3A_735 = arith.constant 0.000000e+00 : f32
      %broadcast_in_dim3A_736 = vector.broadcast %broadcast_in_dim3A_735 : f32 to vector<1x16xf32>
      %get3A_737 = arith.constant 0 : index
      %get3A_738 = arith.constant 0 : index
      %get3A_739 = arith.constant 0 : index
      %get3A_740 = vector.load %arg8[%get3A_737, %get3A_738, %get3A_739] : memref<16x32x32xf32, #tpu.memory_space<vmem>>, vector<1x32x32xf32>
      %get3A_741 = vector.shape_cast %get3A_740 : vector<1x32x32xf32> to vector<32x32xf32>
      %mul3A_742 = arith.mulf %dot_general3A_734, %get3A_741 : vector<32x32xf32>
      %reduce_sum3A_743 = vector.shape_cast %mul3A_742 : vector<32x32xf32> to vector<1x32x32xf32>
      %reduce_sum3A_744 = arith.constant dense<0.000000e+00> : vector<1xf32>
      %reduce_sum3A_745 = vector.multi_reduction <add>, %reduce_sum3A_743, %reduce_sum3A_744 [1, 2] : vector<1x32x32xf32> to vector<1xf32>
      %reduce_sum3A_746 = vector.shape_cast %reduce_sum3A_745 : vector<1xf32> to vector<1x1x1xf32>
      %reduce_sum3A_747 = vector.extract %reduce_sum3A_746[0, 0, 0] : f32 from vector<1x1x1xf32>
      %eq3A_748 = arith.constant 0 : i32
      %eq3A_749 = vector.broadcast %eq3A_748 : i32 to vector<1x16xi32>
      %eq3A_750 = arith.cmpi eq, %iota3A, %eq3A_749 : vector<1x16xi32>
      %jit3A_751 = arith.constant 0.000000e+00 : f32
      %broadcast_in_dim3A_752 = vector.broadcast %reduce_sum3A_747 : f32 to vector<1x16xf32>
      %broadcast_in_dim3A_753 = vector.broadcast %jit3A_751 : f32 to vector<1x16xf32>
      %select_n3A_754 = arith.select %eq3A_750, %broadcast_in_dim3A_752, %broadcast_in_dim3A_753 : vector<1x16xi1>, vector<1x16xf32>
      %add3A_755 = arith.addf %broadcast_in_dim3A_736, %select_n3A_754 : vector<1x16xf32>
      %get3A_756 = arith.constant 1 : index
      %get3A_757 = arith.constant 0 : index
      %get3A_758 = arith.constant 0 : index
      %get3A_759 = vector.load %arg8[%get3A_756, %get3A_757, %get3A_758] : memref<16x32x32xf32, #tpu.memory_space<vmem>>, vector<1x32x32xf32>
      %get3A_760 = vector.shape_cast %get3A_759 : vector<1x32x32xf32> to vector<32x32xf32>
      %mul3A_761 = arith.mulf %dot_general3A_734, %get3A_760 : vector<32x32xf32>
      %reduce_sum3A_762 = vector.shape_cast %mul3A_761 : vector<32x32xf32> to vector<1x32x32xf32>
      %reduce_sum3A_763 = arith.constant dense<0.000000e+00> : vector<1xf32>
      %reduce_sum3A_764 = vector.multi_reduction <add>, %reduce_sum3A_762, %reduce_sum3A_763 [1, 2] : vector<1x32x32xf32> to vector<1xf32>
      %reduce_sum3A_765 = vector.shape_cast %reduce_sum3A_764 : vector<1xf32> to vector<1x1x1xf32>
      %reduce_sum3A_766 = vector.extract %reduce_sum3A_765[0, 0, 0] : f32 from vector<1x1x1xf32>
      %eq3A_767 = arith.constant 1 : i32
      %eq3A_768 = vector.broadcast %eq3A_767 : i32 to vector<1x16xi32>
      %eq3A_769 = arith.cmpi eq, %iota3A, %eq3A_768 : vector<1x16xi32>
      %jit3A_770 = arith.constant 0.000000e+00 : f32
      %broadcast_in_dim3A_771 = vector.broadcast %reduce_sum3A_766 : f32 to vector<1x16xf32>
      %broadcast_in_dim3A_772 = vector.broadcast %jit3A_770 : f32 to vector<1x16xf32>
      %select_n3A_773 = arith.select %eq3A_769, %broadcast_in_dim3A_771, %broadcast_in_dim3A_772 : vector<1x16xi1>, vector<1x16xf32>
      %add3A_774 = arith.addf %add3A_755, %select_n3A_773 : vector<1x16xf32>
      %get3A_775 = arith.constant 2 : index
      %get3A_776 = arith.constant 0 : index
      %get3A_777 = arith.constant 0 : index
      %get3A_778 = vector.load %arg8[%get3A_775, %get3A_776, %get3A_777] : memref<16x32x32xf32, #tpu.memory_space<vmem>>, vector<1x32x32xf32>
      %get3A_779 = vector.shape_cast %get3A_778 : vector<1x32x32xf32> to vector<32x32xf32>
      %mul3A_780 = arith.mulf %dot_general3A_734, %get3A_779 : vector<32x32xf32>
      %reduce_sum3A_781 = vector.shape_cast %mul3A_780 : vector<32x32xf32> to vector<1x32x32xf32>
      %reduce_sum3A_782 = arith.constant dense<0.000000e+00> : vector<1xf32>
      %reduce_sum3A_783 = vector.multi_reduction <add>, %reduce_sum3A_781, %reduce_sum3A_782 [1, 2] : vector<1x32x32xf32> to vector<1xf32>
      %reduce_sum3A_784 = vector.shape_cast %reduce_sum3A_783 : vector<1xf32> to vector<1x1x1xf32>
      %reduce_sum3A_785 = vector.extract %reduce_sum3A_784[0, 0, 0] : f32 from vector<1x1x1xf32>
      %eq3A_786 = arith.constant 2 : i32
      %eq3A_787 = vector.broadcast %eq3A_786 : i32 to vector<1x16xi32>
      %eq3A_788 = arith.cmpi eq, %iota3A, %eq3A_787 : vector<1x16xi32>
      %jit3A_789 = arith.constant 0.000000e+00 : f32
      %broadcast_in_dim3A_790 = vector.broadcast %reduce_sum3A_785 : f32 to vector<1x16xf32>
      %broadcast_in_dim3A_791 = vector.broadcast %jit3A_789 : f32 to vector<1x16xf32>
      %select_n3A_792 = arith.select %eq3A_788, %broadcast_in_dim3A_790, %broadcast_in_dim3A_791 : vector<1x16xi1>, vector<1x16xf32>
      %add3A_793 = arith.addf %add3A_774, %select_n3A_792 : vector<1x16xf32>
      %get3A_794 = arith.constant 3 : index
      %get3A_795 = arith.constant 0 : index
      %get3A_796 = arith.constant 0 : index
      %get3A_797 = vector.load %arg8[%get3A_794, %get3A_795, %get3A_796] : memref<16x32x32xf32, #tpu.memory_space<vmem>>, vector<1x32x32xf32>
      %get3A_798 = vector.shape_cast %get3A_797 : vector<1x32x32xf32> to vector<32x32xf32>
      %mul3A_799 = arith.mulf %dot_general3A_734, %get3A_798 : vector<32x32xf32>
      %reduce_sum3A_800 = vector.shape_cast %mul3A_799 : vector<32x32xf32> to vector<1x32x32xf32>
      %reduce_sum3A_801 = arith.constant dense<0.000000e+00> : vector<1xf32>
      %reduce_sum3A_802 = vector.multi_reduction <add>, %reduce_sum3A_800, %reduce_sum3A_801 [1, 2] : vector<1x32x32xf32> to vector<1xf32>
      %reduce_sum3A_803 = vector.shape_cast %reduce_sum3A_802 : vector<1xf32> to vector<1x1x1xf32>
      %reduce_sum3A_804 = vector.extract %reduce_sum3A_803[0, 0, 0] : f32 from vector<1x1x1xf32>
      %eq3A_805 = arith.constant 3 : i32
      %eq3A_806 = vector.broadcast %eq3A_805 : i32 to vector<1x16xi32>
      %eq3A_807 = arith.cmpi eq, %iota3A, %eq3A_806 : vector<1x16xi32>
      %jit3A_808 = arith.constant 0.000000e+00 : f32
      %broadcast_in_dim3A_809 = vector.broadcast %reduce_sum3A_804 : f32 to vector<1x16xf32>
      %broadcast_in_dim3A_810 = vector.broadcast %jit3A_808 : f32 to vector<1x16xf32>
      %select_n3A_811 = arith.select %eq3A_807, %broadcast_in_dim3A_809, %broadcast_in_dim3A_810 : vector<1x16xi1>, vector<1x16xf32>
      %add3A_812 = arith.addf %add3A_793, %select_n3A_811 : vector<1x16xf32>
      %get3A_813 = arith.constant 4 : index
      %get3A_814 = arith.constant 0 : index
      %get3A_815 = arith.constant 0 : index
      %get3A_816 = vector.load %arg8[%get3A_813, %get3A_814, %get3A_815] : memref<16x32x32xf32, #tpu.memory_space<vmem>>, vector<1x32x32xf32>
      %get3A_817 = vector.shape_cast %get3A_816 : vector<1x32x32xf32> to vector<32x32xf32>
      %mul3A_818 = arith.mulf %dot_general3A_734, %get3A_817 : vector<32x32xf32>
      %reduce_sum3A_819 = vector.shape_cast %mul3A_818 : vector<32x32xf32> to vector<1x32x32xf32>
      %reduce_sum3A_820 = arith.constant dense<0.000000e+00> : vector<1xf32>
      %reduce_sum3A_821 = vector.multi_reduction <add>, %reduce_sum3A_819, %reduce_sum3A_820 [1, 2] : vector<1x32x32xf32> to vector<1xf32>
      %reduce_sum3A_822 = vector.shape_cast %reduce_sum3A_821 : vector<1xf32> to vector<1x1x1xf32>
      %reduce_sum3A_823 = vector.extract %reduce_sum3A_822[0, 0, 0] : f32 from vector<1x1x1xf32>
      %eq3A_824 = arith.constant 4 : i32
      %eq3A_825 = vector.broadcast %eq3A_824 : i32 to vector<1x16xi32>
      %eq3A_826 = arith.cmpi eq, %iota3A, %eq3A_825 : vector<1x16xi32>
      %jit3A_827 = arith.constant 0.000000e+00 : f32
      %broadcast_in_dim3A_828 = vector.broadcast %reduce_sum3A_823 : f32 to vector<1x16xf32>
      %broadcast_in_dim3A_829 = vector.broadcast %jit3A_827 : f32 to vector<1x16xf32>
      %select_n3A_830 = arith.select %eq3A_826, %broadcast_in_dim3A_828, %broadcast_in_dim3A_829 : vector<1x16xi1>, vector<1x16xf32>
      %add3A_831 = arith.addf %add3A_812, %select_n3A_830 : vector<1x16xf32>
      %get3A_832 = arith.constant 5 : index
      %get3A_833 = arith.constant 0 : index
      %get3A_834 = arith.constant 0 : index
      %get3A_835 = vector.load %arg8[%get3A_832, %get3A_833, %get3A_834] : memref<16x32x32xf32, #tpu.memory_space<vmem>>, vector<1x32x32xf32>
      %get3A_836 = vector.shape_cast %get3A_835 : vector<1x32x32xf32> to vector<32x32xf32>
      %mul3A_837 = arith.mulf %dot_general3A_734, %get3A_836 : vector<32x32xf32>
      %reduce_sum3A_838 = vector.shape_cast %mul3A_837 : vector<32x32xf32> to vector<1x32x32xf32>
      %reduce_sum3A_839 = arith.constant dense<0.000000e+00> : vector<1xf32>
      %reduce_sum3A_840 = vector.multi_reduction <add>, %reduce_sum3A_838, %reduce_sum3A_839 [1, 2] : vector<1x32x32xf32> to vector<1xf32>
      %reduce_sum3A_841 = vector.shape_cast %reduce_sum3A_840 : vector<1xf32> to vector<1x1x1xf32>
      %reduce_sum3A_842 = vector.extract %reduce_sum3A_841[0, 0, 0] : f32 from vector<1x1x1xf32>
      %eq3A_843 = arith.constant 5 : i32
      %eq3A_844 = vector.broadcast %eq3A_843 : i32 to vector<1x16xi32>
      %eq3A_845 = arith.cmpi eq, %iota3A, %eq3A_844 : vector<1x16xi32>
      %jit3A_846 = arith.constant 0.000000e+00 : f32
      %broadcast_in_dim3A_847 = vector.broadcast %reduce_sum3A_842 : f32 to vector<1x16xf32>
      %broadcast_in_dim3A_848 = vector.broadcast %jit3A_846 : f32 to vector<1x16xf32>
      %select_n3A_849 = arith.select %eq3A_845, %broadcast_in_dim3A_847, %broadcast_in_dim3A_848 : vector<1x16xi1>, vector<1x16xf32>
      %add3A_850 = arith.addf %add3A_831, %select_n3A_849 : vector<1x16xf32>
      %get3A_851 = arith.constant 6 : index
      %get3A_852 = arith.constant 0 : index
      %get3A_853 = arith.constant 0 : index
      %get3A_854 = vector.load %arg8[%get3A_851, %get3A_852, %get3A_853] : memref<16x32x32xf32, #tpu.memory_space<vmem>>, vector<1x32x32xf32>
      %get3A_855 = vector.shape_cast %get3A_854 : vector<1x32x32xf32> to vector<32x32xf32>
      %mul3A_856 = arith.mulf %dot_general3A_734, %get3A_855 : vector<32x32xf32>
      %reduce_sum3A_857 = vector.shape_cast %mul3A_856 : vector<32x32xf32> to vector<1x32x32xf32>
      %reduce_sum3A_858 = arith.constant dense<0.000000e+00> : vector<1xf32>
      %reduce_sum3A_859 = vector.multi_reduction <add>, %reduce_sum3A_857, %reduce_sum3A_858 [1, 2] : vector<1x32x32xf32> to vector<1xf32>
      %reduce_sum3A_860 = vector.shape_cast %reduce_sum3A_859 : vector<1xf32> to vector<1x1x1xf32>
      %reduce_sum3A_861 = vector.extract %reduce_sum3A_860[0, 0, 0] : f32 from vector<1x1x1xf32>
      %eq3A_862 = arith.constant 6 : i32
      %eq3A_863 = vector.broadcast %eq3A_862 : i32 to vector<1x16xi32>
      %eq3A_864 = arith.cmpi eq, %iota3A, %eq3A_863 : vector<1x16xi32>
      %jit3A_865 = arith.constant 0.000000e+00 : f32
      %broadcast_in_dim3A_866 = vector.broadcast %reduce_sum3A_861 : f32 to vector<1x16xf32>
      %broadcast_in_dim3A_867 = vector.broadcast %jit3A_865 : f32 to vector<1x16xf32>
      %select_n3A_868 = arith.select %eq3A_864, %broadcast_in_dim3A_866, %broadcast_in_dim3A_867 : vector<1x16xi1>, vector<1x16xf32>
      %add3A_869 = arith.addf %add3A_850, %select_n3A_868 : vector<1x16xf32>
      %get3A_870 = arith.constant 7 : index
      %get3A_871 = arith.constant 0 : index
      %get3A_872 = arith.constant 0 : index
      %get3A_873 = vector.load %arg8[%get3A_870, %get3A_871, %get3A_872] : memref<16x32x32xf32, #tpu.memory_space<vmem>>, vector<1x32x32xf32>
      %get3A_874 = vector.shape_cast %get3A_873 : vector<1x32x32xf32> to vector<32x32xf32>
      %mul3A_875 = arith.mulf %dot_general3A_734, %get3A_874 : vector<32x32xf32>
      %reduce_sum3A_876 = vector.shape_cast %mul3A_875 : vector<32x32xf32> to vector<1x32x32xf32>
      %reduce_sum3A_877 = arith.constant dense<0.000000e+00> : vector<1xf32>
      %reduce_sum3A_878 = vector.multi_reduction <add>, %reduce_sum3A_876, %reduce_sum3A_877 [1, 2] : vector<1x32x32xf32> to vector<1xf32>
      %reduce_sum3A_879 = vector.shape_cast %reduce_sum3A_878 : vector<1xf32> to vector<1x1x1xf32>
      %reduce_sum3A_880 = vector.extract %reduce_sum3A_879[0, 0, 0] : f32 from vector<1x1x1xf32>
      %eq3A_881 = arith.constant 7 : i32
      %eq3A_882 = vector.broadcast %eq3A_881 : i32 to vector<1x16xi32>
      %eq3A_883 = arith.cmpi eq, %iota3A, %eq3A_882 : vector<1x16xi32>
      %jit3A_884 = arith.constant 0.000000e+00 : f32
      %broadcast_in_dim3A_885 = vector.broadcast %reduce_sum3A_880 : f32 to vector<1x16xf32>
      %broadcast_in_dim3A_886 = vector.broadcast %jit3A_884 : f32 to vector<1x16xf32>
      %select_n3A_887 = arith.select %eq3A_883, %broadcast_in_dim3A_885, %broadcast_in_dim3A_886 : vector<1x16xi1>, vector<1x16xf32>
      %add3A_888 = arith.addf %add3A_869, %select_n3A_887 : vector<1x16xf32>
      %get3A_889 = arith.constant 8 : index
      %get3A_890 = arith.constant 0 : index
      %get3A_891 = arith.constant 0 : index
      %get3A_892 = vector.load %arg8[%get3A_889, %get3A_890, %get3A_891] : memref<16x32x32xf32, #tpu.memory_space<vmem>>, vector<1x32x32xf32>
      %get3A_893 = vector.shape_cast %get3A_892 : vector<1x32x32xf32> to vector<32x32xf32>
      %mul3A_894 = arith.mulf %dot_general3A_734, %get3A_893 : vector<32x32xf32>
      %reduce_sum3A_895 = vector.shape_cast %mul3A_894 : vector<32x32xf32> to vector<1x32x32xf32>
      %reduce_sum3A_896 = arith.constant dense<0.000000e+00> : vector<1xf32>
      %reduce_sum3A_897 = vector.multi_reduction <add>, %reduce_sum3A_895, %reduce_sum3A_896 [1, 2] : vector<1x32x32xf32> to vector<1xf32>
      %reduce_sum3A_898 = vector.shape_cast %reduce_sum3A_897 : vector<1xf32> to vector<1x1x1xf32>
      %reduce_sum3A_899 = vector.extract %reduce_sum3A_898[0, 0, 0] : f32 from vector<1x1x1xf32>
      %eq3A_900 = arith.constant 8 : i32
      %eq3A_901 = vector.broadcast %eq3A_900 : i32 to vector<1x16xi32>
      %eq3A_902 = arith.cmpi eq, %iota3A, %eq3A_901 : vector<1x16xi32>
      %jit3A_903 = arith.constant 0.000000e+00 : f32
      %broadcast_in_dim3A_904 = vector.broadcast %reduce_sum3A_899 : f32 to vector<1x16xf32>
      %broadcast_in_dim3A_905 = vector.broadcast %jit3A_903 : f32 to vector<1x16xf32>
      %select_n3A_906 = arith.select %eq3A_902, %broadcast_in_dim3A_904, %broadcast_in_dim3A_905 : vector<1x16xi1>, vector<1x16xf32>
      %add3A_907 = arith.addf %add3A_888, %select_n3A_906 : vector<1x16xf32>
      %get3A_908 = arith.constant 9 : index
      %get3A_909 = arith.constant 0 : index
      %get3A_910 = arith.constant 0 : index
      %get3A_911 = vector.load %arg8[%get3A_908, %get3A_909, %get3A_910] : memref<16x32x32xf32, #tpu.memory_space<vmem>>, vector<1x32x32xf32>
      %get3A_912 = vector.shape_cast %get3A_911 : vector<1x32x32xf32> to vector<32x32xf32>
      %mul3A_913 = arith.mulf %dot_general3A_734, %get3A_912 : vector<32x32xf32>
      %reduce_sum3A_914 = vector.shape_cast %mul3A_913 : vector<32x32xf32> to vector<1x32x32xf32>
      %reduce_sum3A_915 = arith.constant dense<0.000000e+00> : vector<1xf32>
      %reduce_sum3A_916 = vector.multi_reduction <add>, %reduce_sum3A_914, %reduce_sum3A_915 [1, 2] : vector<1x32x32xf32> to vector<1xf32>
      %reduce_sum3A_917 = vector.shape_cast %reduce_sum3A_916 : vector<1xf32> to vector<1x1x1xf32>
      %reduce_sum3A_918 = vector.extract %reduce_sum3A_917[0, 0, 0] : f32 from vector<1x1x1xf32>
      %eq3A_919 = arith.constant 9 : i32
      %eq3A_920 = vector.broadcast %eq3A_919 : i32 to vector<1x16xi32>
      %eq3A_921 = arith.cmpi eq, %iota3A, %eq3A_920 : vector<1x16xi32>
      %jit3A_922 = arith.constant 0.000000e+00 : f32
      %broadcast_in_dim3A_923 = vector.broadcast %reduce_sum3A_918 : f32 to vector<1x16xf32>
      %broadcast_in_dim3A_924 = vector.broadcast %jit3A_922 : f32 to vector<1x16xf32>
      %select_n3A_925 = arith.select %eq3A_921, %broadcast_in_dim3A_923, %broadcast_in_dim3A_924 : vector<1x16xi1>, vector<1x16xf32>
      %add3A_926 = arith.addf %add3A_907, %select_n3A_925 : vector<1x16xf32>
      %get3A_927 = arith.constant 10 : index
      %get3A_928 = arith.constant 0 : index
      %get3A_929 = arith.constant 0 : index
      %get3A_930 = vector.load %arg8[%get3A_927, %get3A_928, %get3A_929] : memref<16x32x32xf32, #tpu.memory_space<vmem>>, vector<1x32x32xf32>
      %get3A_931 = vector.shape_cast %get3A_930 : vector<1x32x32xf32> to vector<32x32xf32>
      %mul3A_932 = arith.mulf %dot_general3A_734, %get3A_931 : vector<32x32xf32>
      %reduce_sum3A_933 = vector.shape_cast %mul3A_932 : vector<32x32xf32> to vector<1x32x32xf32>
      %reduce_sum3A_934 = arith.constant dense<0.000000e+00> : vector<1xf32>
      %reduce_sum3A_935 = vector.multi_reduction <add>, %reduce_sum3A_933, %reduce_sum3A_934 [1, 2] : vector<1x32x32xf32> to vector<1xf32>
      %reduce_sum3A_936 = vector.shape_cast %reduce_sum3A_935 : vector<1xf32> to vector<1x1x1xf32>
      %reduce_sum3A_937 = vector.extract %reduce_sum3A_936[0, 0, 0] : f32 from vector<1x1x1xf32>
      %eq3A_938 = arith.constant 10 : i32
      %eq3A_939 = vector.broadcast %eq3A_938 : i32 to vector<1x16xi32>
      %eq3A_940 = arith.cmpi eq, %iota3A, %eq3A_939 : vector<1x16xi32>
      %jit3A_941 = arith.constant 0.000000e+00 : f32
      %broadcast_in_dim3A_942 = vector.broadcast %reduce_sum3A_937 : f32 to vector<1x16xf32>
      %broadcast_in_dim3A_943 = vector.broadcast %jit3A_941 : f32 to vector<1x16xf32>
      %select_n3A_944 = arith.select %eq3A_940, %broadcast_in_dim3A_942, %broadcast_in_dim3A_943 : vector<1x16xi1>, vector<1x16xf32>
      %add3A_945 = arith.addf %add3A_926, %select_n3A_944 : vector<1x16xf32>
      %get3A_946 = arith.constant 11 : index
      %get3A_947 = arith.constant 0 : index
      %get3A_948 = arith.constant 0 : index
      %get3A_949 = vector.load %arg8[%get3A_946, %get3A_947, %get3A_948] : memref<16x32x32xf32, #tpu.memory_space<vmem>>, vector<1x32x32xf32>
      %get3A_950 = vector.shape_cast %get3A_949 : vector<1x32x32xf32> to vector<32x32xf32>
      %mul3A_951 = arith.mulf %dot_general3A_734, %get3A_950 : vector<32x32xf32>
      %reduce_sum3A_952 = vector.shape_cast %mul3A_951 : vector<32x32xf32> to vector<1x32x32xf32>
      %reduce_sum3A_953 = arith.constant dense<0.000000e+00> : vector<1xf32>
      %reduce_sum3A_954 = vector.multi_reduction <add>, %reduce_sum3A_952, %reduce_sum3A_953 [1, 2] : vector<1x32x32xf32> to vector<1xf32>
      %reduce_sum3A_955 = vector.shape_cast %reduce_sum3A_954 : vector<1xf32> to vector<1x1x1xf32>
      %reduce_sum3A_956 = vector.extract %reduce_sum3A_955[0, 0, 0] : f32 from vector<1x1x1xf32>
      %eq3A_957 = arith.constant 11 : i32
      %eq3A_958 = vector.broadcast %eq3A_957 : i32 to vector<1x16xi32>
      %eq3A_959 = arith.cmpi eq, %iota3A, %eq3A_958 : vector<1x16xi32>
      %jit3A_960 = arith.constant 0.000000e+00 : f32
      %broadcast_in_dim3A_961 = vector.broadcast %reduce_sum3A_956 : f32 to vector<1x16xf32>
      %broadcast_in_dim3A_962 = vector.broadcast %jit3A_960 : f32 to vector<1x16xf32>
      %select_n3A_963 = arith.select %eq3A_959, %broadcast_in_dim3A_961, %broadcast_in_dim3A_962 : vector<1x16xi1>, vector<1x16xf32>
      %add3A_964 = arith.addf %add3A_945, %select_n3A_963 : vector<1x16xf32>
      %get3A_965 = arith.constant 12 : index
      %get3A_966 = arith.constant 0 : index
      %get3A_967 = arith.constant 0 : index
      %get3A_968 = vector.load %arg8[%get3A_965, %get3A_966, %get3A_967] : memref<16x32x32xf32, #tpu.memory_space<vmem>>, vector<1x32x32xf32>
      %get3A_969 = vector.shape_cast %get3A_968 : vector<1x32x32xf32> to vector<32x32xf32>
      %mul3A_970 = arith.mulf %dot_general3A_734, %get3A_969 : vector<32x32xf32>
      %reduce_sum3A_971 = vector.shape_cast %mul3A_970 : vector<32x32xf32> to vector<1x32x32xf32>
      %reduce_sum3A_972 = arith.constant dense<0.000000e+00> : vector<1xf32>
      %reduce_sum3A_973 = vector.multi_reduction <add>, %reduce_sum3A_971, %reduce_sum3A_972 [1, 2] : vector<1x32x32xf32> to vector<1xf32>
      %reduce_sum3A_974 = vector.shape_cast %reduce_sum3A_973 : vector<1xf32> to vector<1x1x1xf32>
      %reduce_sum3A_975 = vector.extract %reduce_sum3A_974[0, 0, 0] : f32 from vector<1x1x1xf32>
      %eq3A_976 = arith.constant 12 : i32
      %eq3A_977 = vector.broadcast %eq3A_976 : i32 to vector<1x16xi32>
      %eq3A_978 = arith.cmpi eq, %iota3A, %eq3A_977 : vector<1x16xi32>
      %jit3A_979 = arith.constant 0.000000e+00 : f32
      %broadcast_in_dim3A_980 = vector.broadcast %reduce_sum3A_975 : f32 to vector<1x16xf32>
      %broadcast_in_dim3A_981 = vector.broadcast %jit3A_979 : f32 to vector<1x16xf32>
      %select_n3A_982 = arith.select %eq3A_978, %broadcast_in_dim3A_980, %broadcast_in_dim3A_981 : vector<1x16xi1>, vector<1x16xf32>
      %add3A_983 = arith.addf %add3A_964, %select_n3A_982 : vector<1x16xf32>
      %get3A_984 = arith.constant 13 : index
      %get3A_985 = arith.constant 0 : index
      %get3A_986 = arith.constant 0 : index
      %get3A_987 = vector.load %arg8[%get3A_984, %get3A_985, %get3A_986] : memref<16x32x32xf32, #tpu.memory_space<vmem>>, vector<1x32x32xf32>
      %get3A_988 = vector.shape_cast %get3A_987 : vector<1x32x32xf32> to vector<32x32xf32>
      %mul3A_989 = arith.mulf %dot_general3A_734, %get3A_988 : vector<32x32xf32>
      %reduce_sum3A_990 = vector.shape_cast %mul3A_989 : vector<32x32xf32> to vector<1x32x32xf32>
      %reduce_sum3A_991 = arith.constant dense<0.000000e+00> : vector<1xf32>
      %reduce_sum3A_992 = vector.multi_reduction <add>, %reduce_sum3A_990, %reduce_sum3A_991 [1, 2] : vector<1x32x32xf32> to vector<1xf32>
      %reduce_sum3A_993 = vector.shape_cast %reduce_sum3A_992 : vector<1xf32> to vector<1x1x1xf32>
      %reduce_sum3A_994 = vector.extract %reduce_sum3A_993[0, 0, 0] : f32 from vector<1x1x1xf32>
      %eq3A_995 = arith.constant 13 : i32
      %eq3A_996 = vector.broadcast %eq3A_995 : i32 to vector<1x16xi32>
      %eq3A_997 = arith.cmpi eq, %iota3A, %eq3A_996 : vector<1x16xi32>
      %jit3A_998 = arith.constant 0.000000e+00 : f32
      %broadcast_in_dim3A_999 = vector.broadcast %reduce_sum3A_994 : f32 to vector<1x16xf32>
      %broadcast_in_dim3A_1000 = vector.broadcast %jit3A_998 : f32 to vector<1x16xf32>
      %select_n3A_1001 = arith.select %eq3A_997, %broadcast_in_dim3A_999, %broadcast_in_dim3A_1000 : vector<1x16xi1>, vector<1x16xf32>
      %add3A_1002 = arith.addf %add3A_983, %select_n3A_1001 : vector<1x16xf32>
      %get3A_1003 = arith.constant 14 : index
      %get3A_1004 = arith.constant 0 : index
      %get3A_1005 = arith.constant 0 : index
      %get3A_1006 = vector.load %arg8[%get3A_1003, %get3A_1004, %get3A_1005] : memref<16x32x32xf32, #tpu.memory_space<vmem>>, vector<1x32x32xf32>
      %get3A_1007 = vector.shape_cast %get3A_1006 : vector<1x32x32xf32> to vector<32x32xf32>
      %mul3A_1008 = arith.mulf %dot_general3A_734, %get3A_1007 : vector<32x32xf32>
      %reduce_sum3A_1009 = vector.shape_cast %mul3A_1008 : vector<32x32xf32> to vector<1x32x32xf32>
      %reduce_sum3A_1010 = arith.constant dense<0.000000e+00> : vector<1xf32>
      %reduce_sum3A_1011 = vector.multi_reduction <add>, %reduce_sum3A_1009, %reduce_sum3A_1010 [1, 2] : vector<1x32x32xf32> to vector<1xf32>
      %reduce_sum3A_1012 = vector.shape_cast %reduce_sum3A_1011 : vector<1xf32> to vector<1x1x1xf32>
      %reduce_sum3A_1013 = vector.extract %reduce_sum3A_1012[0, 0, 0] : f32 from vector<1x1x1xf32>
      %eq3A_1014 = arith.constant 14 : i32
      %eq3A_1015 = vector.broadcast %eq3A_1014 : i32 to vector<1x16xi32>
      %eq3A_1016 = arith.cmpi eq, %iota3A, %eq3A_1015 : vector<1x16xi32>
      %jit3A_1017 = arith.constant 0.000000e+00 : f32
      %broadcast_in_dim3A_1018 = vector.broadcast %reduce_sum3A_1013 : f32 to vector<1x16xf32>
      %broadcast_in_dim3A_1019 = vector.broadcast %jit3A_1017 : f32 to vector<1x16xf32>
      %select_n3A_1020 = arith.select %eq3A_1016, %broadcast_in_dim3A_1018, %broadcast_in_dim3A_1019 : vector<1x16xi1>, vector<1x16xf32>
      %add3A_1021 = arith.addf %add3A_1002, %select_n3A_1020 : vector<1x16xf32>
      %get3A_1022 = arith.constant 15 : index
      %get3A_1023 = arith.constant 0 : index
      %get3A_1024 = arith.constant 0 : index
      %get3A_1025 = vector.load %arg8[%get3A_1022, %get3A_1023, %get3A_1024] : memref<16x32x32xf32, #tpu.memory_space<vmem>>, vector<1x32x32xf32>
      %get3A_1026 = vector.shape_cast %get3A_1025 : vector<1x32x32xf32> to vector<32x32xf32>
      %mul3A_1027 = arith.mulf %dot_general3A_734, %get3A_1026 : vector<32x32xf32>
      %reduce_sum3A_1028 = vector.shape_cast %mul3A_1027 : vector<32x32xf32> to vector<1x32x32xf32>
      %reduce_sum3A_1029 = arith.constant dense<0.000000e+00> : vector<1xf32>
      %reduce_sum3A_1030 = vector.multi_reduction <add>, %reduce_sum3A_1028, %reduce_sum3A_1029 [1, 2] : vector<1x32x32xf32> to vector<1xf32>
      %reduce_sum3A_1031 = vector.shape_cast %reduce_sum3A_1030 : vector<1xf32> to vector<1x1x1xf32>
      %reduce_sum3A_1032 = vector.extract %reduce_sum3A_1031[0, 0, 0] : f32 from vector<1x1x1xf32>
      %eq3A_1033 = arith.constant 15 : i32
      %eq3A_1034 = vector.broadcast %eq3A_1033 : i32 to vector<1x16xi32>
      %eq3A_1035 = arith.cmpi eq, %iota3A, %eq3A_1034 : vector<1x16xi32>
      %jit3A_1036 = arith.constant 0.000000e+00 : f32
      %broadcast_in_dim3A_1037 = vector.broadcast %reduce_sum3A_1032 : f32 to vector<1x16xf32>
      %broadcast_in_dim3A_1038 = vector.broadcast %jit3A_1036 : f32 to vector<1x16xf32>
      %select_n3A_1039 = arith.select %eq3A_1035, %broadcast_in_dim3A_1037, %broadcast_in_dim3A_1038 : vector<1x16xi1>, vector<1x16xf32>
      %add3A_1040 = arith.addf %add3A_1021, %select_n3A_1039 : vector<1x16xf32>
      %get3A_1041 = arith.constant 0 : index
      %get3A_1042 = arith.constant 0 : index
      %get3A_1043 = vector.load %arg10[%get3A_1041, %get3A_1042] : memref<32x16xf32, #tpu.memory_space<vmem>>, vector<32x16xf32>
      %dot_general3A_1044 = arith.constant dense<0.000000e+00> : vector<1x16xf32>
      %dot_general3A_1045 = tpu.matmul %dot_general3A_706, %get3A_1043, %dot_general3A_1044 {dimension_numbers = #tpu.dot_dimension_numbers<[1], [0], [0], [1], [0, 0, 1, 1], [], []>, transpose_lhs_hint = false} : vector<1x32xf32>, vector<32x16xf32>, vector<1x16xf32> -> vector<1x16xf32>
      %get3A_1046 = arith.constant 0 : index
      %get3A_1047 = arith.constant 0 : index
      %get3A_1048 = vector.load %arg11[%get3A_1046, %get3A_1047] : memref<32x16xf32, #tpu.memory_space<vmem>>, vector<32x16xf32>
      %dot_general3A_1049 = arith.constant dense<0.000000e+00> : vector<1x16xf32>
      %dot_general3A_1050 = tpu.matmul %dot_general3A_732, %get3A_1048, %dot_general3A_1049 {dimension_numbers = #tpu.dot_dimension_numbers<[1], [0], [0], [1], [0, 0, 1, 1], [], []>, transpose_lhs_hint = false} : vector<1x32xf32>, vector<32x16xf32>, vector<1x16xf32> -> vector<1x16xf32>
      %add3A_1051 = arith.addf %dot_general3A_1045, %dot_general3A_1050 : vector<1x16xf32>
      %add3A_1052 = arith.addf %add3A_1040, %add3A_1051 : vector<1x16xf32>
      %get3A_1053 = arith.constant 0 : index
      %get3A_1054 = arith.constant 0 : index
      %get3A_1055 = vector.load %arg9[%get3A_1053, %get3A_1054] : memref<1x16xf32, #tpu.memory_space<vmem>>, vector<1x16xf32>
      %add3A_1056 = arith.addf %add3A_1052, %get3A_1055 : vector<1x16xf32>
      %max3A_1057 = arith.constant 0.000000e+00 : f32
      %max3A_1058 = vector.broadcast %max3A_1057 : f32 to vector<1x16xf32>
      %max3A_1059 = arith.maximumf %add3A_1056, %max3A_1058 : vector<1x16xf32>
      %get3A_1060 = arith.constant 0 : index
      %get3A_1061 = arith.constant 0 : index
      %get3A_1062 = vector.load %arg12[%get3A_1060, %get3A_1061] : memref<16x16xf32, #tpu.memory_space<vmem>>, vector<16x16xf32>
      %dot_general3A_1063 = arith.constant dense<0.000000e+00> : vector<1x16xf32>
      %dot_general3A_1064 = tpu.matmul %max3A_1059, %get3A_1062, %dot_general3A_1063 {dimension_numbers = #tpu.dot_dimension_numbers<[1], [0], [0], [1], [0, 0, 1, 1], [], []>, transpose_lhs_hint = false} : vector<1x16xf32>, vector<16x16xf32>, vector<1x16xf32> -> vector<1x16xf32>
      %get3A_1065 = arith.constant 0 : index
      %get3A_1066 = arith.constant 0 : index
      %get3A_1067 = vector.load %arg13[%get3A_1065, %get3A_1066] : memref<1x16xf32, #tpu.memory_space<vmem>>, vector<1x16xf32>
      %add3A_1068 = arith.addf %dot_general3A_1064, %get3A_1067 : vector<1x16xf32>
      %max3A_1069 = arith.constant 0.000000e+00 : f32
      %max3A_1070 = vector.broadcast %max3A_1069 : f32 to vector<1x16xf32>
      %max3A_1071 = arith.maximumf %add3A_1068, %max3A_1070 : vector<1x16xf32>
      %get3A_1072 = arith.constant 0 : index
      %get3A_1073 = arith.constant 0 : index
      %get3A_1074 = vector.load %arg14[%get3A_1072, %get3A_1073] : memref<16x8xf32, #tpu.memory_space<vmem>>, vector<16x8xf32>
      %dot_general3A_1075 = arith.constant dense<0.000000e+00> : vector<1x8xf32>
      %dot_general3A_1076 = tpu.matmul %max3A_1071, %get3A_1074, %dot_general3A_1075 {dimension_numbers = #tpu.dot_dimension_numbers<[1], [0], [0], [1], [0, 0, 1, 1], [], []>, transpose_lhs_hint = false} : vector<1x16xf32>, vector<16x8xf32>, vector<1x8xf32> -> vector<1x8xf32>
      %get3A_1077 = arith.constant 0 : index
      %get3A_1078 = arith.constant 0 : index
      %get3A_1079 = vector.load %arg15[%get3A_1077, %get3A_1078] : memref<1x8xf32, #tpu.memory_space<vmem>>, vector<1x8xf32>
      %add3A_1080 = arith.addf %dot_general3A_1076, %get3A_1079 : vector<1x8xf32>
      %max3A_1081 = arith.constant 0.000000e+00 : f32
      %max3A_1082 = vector.broadcast %max3A_1081 : f32 to vector<1x8xf32>
      %max3A_1083 = arith.maximumf %add3A_1080, %max3A_1082 : vector<1x8xf32>
      %get3A_1084 = arith.constant 0 : index
      %get3A_1085 = arith.constant 0 : index
      %get3A_1086 = vector.load %arg16[%get3A_1084, %get3A_1085] : memref<8x4xf32, #tpu.memory_space<vmem>>, vector<8x4xf32>
      %dot_general3A_1087 = arith.constant dense<0.000000e+00> : vector<1x4xf32>
      %dot_general3A_1088 = tpu.matmul %max3A_1083, %get3A_1086, %dot_general3A_1087 {dimension_numbers = #tpu.dot_dimension_numbers<[1], [0], [0], [1], [0, 0, 1, 1], [], []>, transpose_lhs_hint = false} : vector<1x8xf32>, vector<8x4xf32>, vector<1x4xf32> -> vector<1x4xf32>
      %get3A_1089 = arith.constant 0 : index
      %get3A_1090 = arith.constant 0 : index
      %get3A_1091 = vector.load %arg17[%get3A_1089, %get3A_1090] : memref<1x4xf32, #tpu.memory_space<vmem>>, vector<1x4xf32>
      %add3A_1092 = arith.addf %dot_general3A_1088, %get3A_1091 : vector<1x4xf32>
      %max3A_1093 = arith.constant 0.000000e+00 : f32
      %max3A_1094 = vector.broadcast %max3A_1093 : f32 to vector<1x4xf32>
      %max3A_1095 = arith.maximumf %add3A_1092, %max3A_1094 : vector<1x4xf32>
      %get3A_1096 = arith.constant 0 : index
      %get3A_1097 = arith.constant 0 : index
      %get3A_1098 = vector.load %arg18[%get3A_1096, %get3A_1097] : memref<4x1xf32, #tpu.memory_space<vmem>>, vector<4x1xf32>
      %dot_general3A_1099 = arith.constant dense<0.000000e+00> : vector<1x1xf32>
      %dot_general3A_1100 = tpu.matmul %max3A_1095, %get3A_1098, %dot_general3A_1099 {dimension_numbers = #tpu.dot_dimension_numbers<[1], [0], [0], [1], [0, 0, 1, 1], [], []>, transpose_lhs_hint = false} : vector<1x4xf32>, vector<4x1xf32>, vector<1x1xf32> -> vector<1x1xf32>
      %get3A_1101 = arith.constant 0 : index
      %get3A_1102 = arith.constant 0 : index
      %get3A_1103 = memref.load %arg3[%get3A_1101, %get3A_1102] : memref<1x1xf32, #tpu.memory_space<smem>>
      %add3A_1104 = vector.broadcast %get3A_1103 : f32 to vector<1x1xf32>
      %add3A_1105 = arith.addf %dot_general3A_1100, %add3A_1104 : vector<1x1xf32>
      %add3A_1106 = vector.broadcast %add3A_670 : f32 to vector<1x1xf32>
      %add3A_1107 = arith.addf %add3A_1106, %add3A_1105 : vector<1x1xf32>
      %neg3A_1108 = arith.constant 0.000000e+00 : f32
      %neg3A_1109 = vector.broadcast %neg3A_1108 : f32 to vector<1x1xf32>
      %neg3A_1110 = arith.subf %neg3A_1109, %add3A_1107 : vector<1x1xf32>
      %exp3A_1111 = math.exp %neg3A_1110 : vector<1x1xf32>
      %add3A_1112 = arith.constant 1.000000e+00 : f32
      %add3A_1113 = vector.broadcast %add3A_1112 : f32 to vector<1x1xf32>
      %add3A_1114 = arith.addf %add3A_1113, %exp3A_1111 : vector<1x1xf32>
      %div3A_1115 = arith.constant 1.000000e+00 : f32
      %div3A_1116 = vector.broadcast %div3A_1115 : f32 to vector<1x1xf32>
      %div3A_1117 = arith.divf %div3A_1116, %add3A_1114 : vector<1x1xf32>
      %swap3A_1118 = arith.constant 0 : index
      %swap3A_1119 = arith.constant 0 : index
      %swap3A_1120 = vector.load %arg20[%swap3A_1118, %swap3A_1119] : memref<1x1xf32, #tpu.memory_space<vmem>>, vector<1x1xf32>
      tpu.vector_store %arg20[%swap3A_1118, %swap3A_1119], %div3A_1117 {strides = array<i32>} : memref<1x1xf32, #tpu.memory_space<vmem>>, vector<1x1xf32>,
    } else {
    }
    return
  }
  func.func @transform_0(%arg0: i32) -> (i32, i32) {
    %c0_i32 = arith.constant 0 : i32
    %c0_i32_0 = arith.constant 0 : i32
    %c0_i32_1 = arith.constant 0 : i32
    return %c0_i32, %c0_i32_0 : i32, i32
  }
  func.func @transform_1(%arg0: i32) -> (i32, i32) {
    %c0_i32 = arith.constant 0 : i32
    %c0_i32_0 = arith.constant 0 : i32
    %c0_i32_1 = arith.constant 0 : i32
    return %c0_i32, %c0_i32_0 : i32, i32
  }
  func.func @transform_2(%arg0: i32) -> (i32, i32) {
    %c0_i32 = arith.constant 0 : i32
    %c0_i32_0 = arith.constant 0 : i32
    %c0_i32_1 = arith.constant 0 : i32
    return %c0_i32, %c0_i32_0 : i32, i32
  }
  func.func @transform_3(%arg0: i32) -> (i32, i32, i32) {
    %c0_i32 = arith.constant 0 : i32
    %c0_i32_0 = arith.constant 0 : i32
    %c0_i32_1 = arith.constant 0 : i32
    %c0_i32_2 = arith.constant 0 : i32
    return %c0_i32, %c0_i32_0, %c0_i32_1 : i32, i32, i32
  }
  func.func @transform_4(%arg0: i32) -> (i32, i32, i32) {
    %c0_i32 = arith.constant 0 : i32
    %c0_i32_0 = arith.constant 0 : i32
    %c0_i32_1 = arith.constant 0 : i32
    %c0_i32_2 = arith.constant 0 : i32
    return %c0_i32, %c0_i32_0, %c0_i32_1 : i32, i32, i32
  }
  func.func @transform_5(%arg0: i32) -> (i32, i32, i32) {
    %c0_i32 = arith.constant 0 : i32
    %c0_i32_0 = arith.constant 0 : i32
    %c0_i32_1 = arith.constant 0 : i32
    %c0_i32_2 = arith.constant 0 : i32
    return %c0_i32, %c0_i32_0, %c0_i32_1 : i32, i32, i32
  }
  func.func @transform_6(%arg0: i32) -> (i32, i32) {
    %c0_i32 = arith.constant 0 : i32
    %c0_i32_0 = arith.constant 0 : i32
    %c0_i32_1 = arith.constant 0 : i32
    return %c0_i32, %c0_i32_0 : i32, i32
  }
  func.func @transform_7(%arg0: i32) -> (i32, i32, i32) {
    %c0_i32 = arith.constant 0 : i32
    %c0_i32_0 = arith.constant 0 : i32
    %c0_i32_1 = arith.constant 0 : i32
    %c0_i32_2 = arith.constant 0 : i32
    return %c0_i32, %c0_i32_0, %c0_i32_1 : i32, i32, i32
  }
  func.func @transform_8(%arg0: i32) -> (i32, i32) {
    %c0_i32 = arith.constant 0 : i32
    %c0_i32_0 = arith.constant 0 : i32
    %c0_i32_1 = arith.constant 0 : i32
    return %c0_i32, %c0_i32_0 : i32, i32
  }
  func.func @transform_9(%arg0: i32) -> (i32, i32) {
    %c0_i32 = arith.constant 0 : i32
    %c0_i32_0 = arith.constant 0 : i32
    %c0_i32_1 = arith.constant 0 : i32
    return %c0_i32, %c0_i32_0 : i32, i32
  }
  func.func @transform_10(%arg0: i32) -> (i32, i32) {
    %c0_i32 = arith.constant 0 : i32
    %c0_i32_0 = arith.constant 0 : i32
    %c0_i32_1 = arith.constant 0 : i32
    return %c0_i32, %c0_i32_0 : i32, i32
  }
  func.func @transform_11(%arg0: i32) -> (i32, i32) {
    %c0_i32 = arith.constant 0 : i32
    %c0_i32_0 = arith.constant 0 : i32
    %c0_i32_1 = arith.constant 0 : i32
    return %c0_i32, %c0_i32_0 : i32, i32
  }
  func.func @transform_12(%arg0: i32) -> (i32, i32) {
    %c0_i32 = arith.constant 0 : i32
    %c0_i32_0 = arith.constant 0 : i32
    %c0_i32_1 = arith.constant 0 : i32
    return %c0_i32, %c0_i32_0 : i32, i32
  }
  func.func @transform_13(%arg0: i32) -> (i32, i32) {
    %c0_i32 = arith.constant 0 : i32
    %c0_i32_0 = arith.constant 0 : i32
    %c0_i32_1 = arith.constant 0 : i32
    return %c0_i32, %c0_i32_0 : i32, i32
  }
  func.func @transform_14(%arg0: i32) -> (i32, i32) {
    %c0_i32 = arith.constant 0 : i32
    %c0_i32_0 = arith.constant 0 : i32
    %c0_i32_1 = arith.constant 0 : i32
    return %c0_i32, %c0_i32_0 : i32, i32
  }
  func.func @transform_15(%arg0: i32) -> (i32, i32) {
    %c0_i32 = arith.constant 0 : i32
    %c0_i32_0 = arith.constant 0 : i32
    %c0_i32_1 = arith.constant 0 : i32
    return %c0_i32, %c0_i32_0 : i32, i32
  }
  func.func @transform_16(%arg0: i32) -> (i32, i32) {
    %c0_i32 = arith.constant 0 : i32
    %c0_i32_0 = arith.constant 0 : i32
    %c0_i32_1 = arith.constant 0 : i32
    return %c0_i32, %c0_i32_0 : i32, i32
  }
  func.func @transform_17(%arg0: i32) -> (i32, i32) {
    %c0_i32 = arith.constant 0 : i32
    %c0_i32_0 = arith.constant 0 : i32
    %c0_i32_1 = arith.constant 0 : i32
    return %c0_i32, %c0_i32_0 : i32, i32
  }
  func.func @transform_18(%arg0: i32) -> (i32, i32) {
    %c0_i32 = arith.constant 0 : i32
    %c0_i32_0 = arith.constant 0 : i32
    return %arg0, %c0_i32 : i32, i32
  }
  func.func @transform_19(%arg0: i32) -> (i32, i32) {
    %c0_i32 = arith.constant 0 : i32
    %c0_i32_0 = arith.constant 0 : i32
    %c0_i32_1 = arith.constant 0 : i32
    return %c0_i32, %c0_i32_0 : i32, i32
  }
}

module attributes {stable_mosaic.version = 14 : i64} {
  func.func @_gcn_body(%arg0: i32, %arg1: memref<1x1024x1024xf32, #tpu.memory_space<vmem>>, %arg2: memref<1x1024x128xf32, #tpu.memory_space<vmem>>, %arg3: memref<128x128xf32, #tpu.memory_space<vmem>>, %arg4: memref<1x128xf32, #tpu.memory_space<vmem>>, %arg5: memref<128x64xf32, #tpu.memory_space<vmem>>, %arg6: memref<1x64xf32, #tpu.memory_space<vmem>>, %arg7: memref<64x32xf32, #tpu.memory_space<vmem>>, %arg8: memref<1x32xf32, #tpu.memory_space<vmem>>, %arg9: memref<1x1024x32xf32, #tpu.memory_space<vmem>>) attributes {dimension_semantics = [#tpu.dimension_semantics<arbitrary>], iteration_bounds = array<i64: 2>, scalar_prefetch = 0 : i64, scratch_operands = 0 : i64, tpu.core_type = #tpu.core_type<tc>, window_params = [{transform_indices = @transform_0, window_bounds = array<i64: 1, 1024, 1024>}, {transform_indices = @transform_1, window_bounds = array<i64: 1, 1024, 128>}, {pipeline_mode = #tpu.pipeline_mode<synchronous>, transform_indices = @transform_2, window_bounds = array<i64: 128, 128>}, {pipeline_mode = #tpu.pipeline_mode<synchronous>, transform_indices = @transform_3, window_bounds = array<i64: 1, 128>}, {pipeline_mode = #tpu.pipeline_mode<synchronous>, transform_indices = @transform_4, window_bounds = array<i64: 128, 64>}, {pipeline_mode = #tpu.pipeline_mode<synchronous>, transform_indices = @transform_5, window_bounds = array<i64: 1, 64>}, {pipeline_mode = #tpu.pipeline_mode<synchronous>, transform_indices = @transform_6, window_bounds = array<i64: 64, 32>}, {pipeline_mode = #tpu.pipeline_mode<synchronous>, transform_indices = @transform_7, window_bounds = array<i64: 1, 32>}, {transform_indices = @transform_8, window_bounds = array<i64: 1, 1024, 32>}]} {
    %iota3A = tpu.iota {dimensions = array<i32: 0>} : vector<1024x1024xi32>
    %iota3A_0 = tpu.iota {dimensions = array<i32: 1>} : vector<1024x1024xi32>
    %eq3A = arith.cmpi eq, %iota3A, %iota3A_0 : vector<1024x1024xi32>
    %jit3A = arith.constant 1.000000e+00 : f32
    %jit3A_1 = arith.constant 0.000000e+00 : f32
    %broadcast_in_dim3A = vector.broadcast %jit3A : f32 to vector<1024x1024xf32>
    %broadcast_in_dim3A_2 = vector.broadcast %jit3A_1 : f32 to vector<1024x1024xf32>
    %select_n3A = arith.select %eq3A, %broadcast_in_dim3A, %broadcast_in_dim3A_2 : vector<1024x1024xi1>, vector<1024x1024xf32>
    %broadcast_in_dim3A_3 = arith.constant 1.000000e+00 : f32
    %broadcast_in_dim3A_4 = vector.broadcast %broadcast_in_dim3A_3 : f32 to vector<1x1024xf32>
    %get3A = arith.constant 0 : index
    %get3A_5 = arith.constant 0 : index
    %get3A_6 = arith.constant 0 : index
    %get3A_7 = vector.load %arg1[%get3A, %get3A_5, %get3A_6] : memref<1x1024x1024xf32, #tpu.memory_space<vmem>>, vector<1x1024x1024xf32>
    %get3A_8 = vector.shape_cast %get3A_7 : vector<1x1024x1024xf32> to vector<1024x1024xf32>
    %reduce_sum3A = arith.constant dense<0.000000e+00> : vector<1024xf32>
    %reduce_sum3A_9 = vector.multi_reduction <add>, %get3A_8, %reduce_sum3A [1] : vector<1024x1024xf32> to vector<1024xf32>
    %broadcast_in_dim3A_10 = vector.shape_cast %reduce_sum3A_9 : vector<1024xf32> to vector<1024x1xf32>
    %add3A = arith.constant 1.000000e+00 : f32
    %add3A_11 = vector.broadcast %add3A : f32 to vector<1024x1xf32>
    %add3A_12 = arith.addf %broadcast_in_dim3A_10, %add3A_11 : vector<1024x1xf32>
    %dot_general3A = arith.constant dense<0.000000e+00> : vector<1x1024xf32>
    %dot_general3A_13 = tpu.matmul %broadcast_in_dim3A_4, %get3A_8, %dot_general3A {dimension_numbers = #tpu.dot_dimension_numbers<[1], [1], [0], [0], [0, 0, 1, 0], [], []>, precision = #tpu.contract_precision<fp32>, transpose_lhs_hint = false} : vector<1x1024xf32>, vector<1024x1024xf32>, vector<1x1024xf32> -> vector<1x1024xf32>
    %add3A_14 = arith.constant 1.000000e+00 : f32
    %add3A_15 = vector.broadcast %add3A_14 : f32 to vector<1x1024xf32>
    %add3A_16 = arith.addf %dot_general3A_13, %add3A_15 : vector<1x1024xf32>
    %rsqrt3A = math.rsqrt %add3A_12 : vector<1024x1xf32>
    %mul3A = arith.constant 5.000000e-01 : f32
    %mul3A_17 = vector.broadcast %mul3A : f32 to vector<1024x1xf32>
    %mul3A_18 = arith.mulf %mul3A_17, %add3A_12 : vector<1024x1xf32>
    %mul3A_19 = arith.mulf %mul3A_18, %rsqrt3A : vector<1024x1xf32>
    %mul3A_20 = arith.mulf %mul3A_19, %rsqrt3A : vector<1024x1xf32>
    %sub3A = arith.constant 1.500000e+00 : f32
    %sub3A_21 = vector.broadcast %sub3A : f32 to vector<1024x1xf32>
    %sub3A_22 = arith.subf %sub3A_21, %mul3A_20 : vector<1024x1xf32>
    %mul3A_23 = arith.mulf %rsqrt3A, %sub3A_22 : vector<1024x1xf32>
    %rsqrt3A_24 = math.rsqrt %add3A_16 : vector<1x1024xf32>
    %mul3A_25 = arith.constant 5.000000e-01 : f32
    %mul3A_26 = vector.broadcast %mul3A_25 : f32 to vector<1x1024xf32>
    %mul3A_27 = arith.mulf %mul3A_26, %add3A_16 : vector<1x1024xf32>
    %mul3A_28 = arith.mulf %mul3A_27, %rsqrt3A_24 : vector<1x1024xf32>
    %mul3A_29 = arith.mulf %mul3A_28, %rsqrt3A_24 : vector<1x1024xf32>
    %sub3A_30 = arith.constant 1.500000e+00 : f32
    %sub3A_31 = vector.broadcast %sub3A_30 : f32 to vector<1x1024xf32>
    %sub3A_32 = arith.subf %sub3A_31, %mul3A_29 : vector<1x1024xf32>
    %mul3A_33 = arith.mulf %rsqrt3A_24, %sub3A_32 : vector<1x1024xf32>
    %add3A_34 = arith.addf %get3A_8, %select_n3A : vector<1024x1024xf32>
    %mul3A_35 = vector.broadcast %mul3A_23 : vector<1024x1xf32> to vector<1024x1024xf32>
    %mul3A_36 = vector.broadcast %mul3A_33 : vector<1x1024xf32> to vector<1024x1024xf32>
    %mul3A_37 = arith.mulf %mul3A_35, %mul3A_36 : vector<1024x1024xf32>
    %mul3A_38 = arith.mulf %add3A_34, %mul3A_37 : vector<1024x1024xf32>
    %get3A_39 = arith.constant 0 : index
    %get3A_40 = arith.constant 0 : index
    %get3A_41 = arith.constant 0 : index
    %get3A_42 = vector.load %arg2[%get3A_39, %get3A_40, %get3A_41] : memref<1x1024x128xf32, #tpu.memory_space<vmem>>, vector<1x1024x128xf32>
    %get3A_43 = vector.shape_cast %get3A_42 : vector<1x1024x128xf32> to vector<1024x128xf32>
    %get3A_44 = arith.constant 0 : index
    %get3A_45 = arith.constant 0 : index
    %get3A_46 = vector.load %arg3[%get3A_44, %get3A_45] : memref<128x128xf32, #tpu.memory_space<vmem>>, vector<128x128xf32>
    %dot_general3A_47 = arith.constant dense<0.000000e+00> : vector<1024x128xf32>
    %dot_general3A_48 = tpu.matmul %get3A_43, %get3A_46, %dot_general3A_47 {dimension_numbers = #tpu.dot_dimension_numbers<[1], [0], [0], [1], [0, 0, 1, 1], [], []>, transpose_lhs_hint = false} : vector<1024x128xf32>, vector<128x128xf32>, vector<1024x128xf32> -> vector<1024x128xf32>
    %dot_general3A_49 = arith.constant dense<0.000000e+00> : vector<1024x128xf32>
    %dot_general3A_50 = tpu.matmul %mul3A_38, %dot_general3A_48, %dot_general3A_49 {dimension_numbers = #tpu.dot_dimension_numbers<[1], [0], [0], [1], [0, 0, 1, 1], [], []>, precision = #tpu.contract_precision<fp32>, transpose_lhs_hint = false} : vector<1024x1024xf32>, vector<1024x128xf32>, vector<1024x128xf32> -> vector<1024x128xf32>
    %get3A_51 = arith.constant 0 : index
    %get3A_52 = arith.constant 0 : index
    %get3A_53 = vector.load %arg4[%get3A_51, %get3A_52] : memref<1x128xf32, #tpu.memory_space<vmem>>, vector<1x128xf32>
    %add3A_54 = vector.broadcast %get3A_53 : vector<1x128xf32> to vector<1024x128xf32>
    %add3A_55 = arith.addf %dot_general3A_50, %add3A_54 : vector<1024x128xf32>
    %max3A = arith.constant 0.000000e+00 : f32
    %max3A_56 = vector.broadcast %max3A : f32 to vector<1024x128xf32>
    %max3A_57 = arith.maximumf %add3A_55, %max3A_56 : vector<1024x128xf32>
    %get3A_58 = arith.constant 0 : index
    %get3A_59 = arith.constant 0 : index
    %get3A_60 = vector.load %arg5[%get3A_58, %get3A_59] : memref<128x64xf32, #tpu.memory_space<vmem>>, vector<128x64xf32>
    %dot_general3A_61 = arith.constant dense<0.000000e+00> : vector<1024x64xf32>
    %dot_general3A_62 = tpu.matmul %max3A_57, %get3A_60, %dot_general3A_61 {dimension_numbers = #tpu.dot_dimension_numbers<[1], [0], [0], [1], [0, 0, 1, 1], [], []>, transpose_lhs_hint = false} : vector<1024x128xf32>, vector<128x64xf32>, vector<1024x64xf32> -> vector<1024x64xf32>
    %dot_general3A_63 = arith.constant dense<0.000000e+00> : vector<1024x64xf32>
    %dot_general3A_64 = tpu.matmul %mul3A_38, %dot_general3A_62, %dot_general3A_63 {dimension_numbers = #tpu.dot_dimension_numbers<[1], [0], [0], [1], [0, 0, 1, 1], [], []>, precision = #tpu.contract_precision<fp32>, transpose_lhs_hint = false} : vector<1024x1024xf32>, vector<1024x64xf32>, vector<1024x64xf32> -> vector<1024x64xf32>
    %get3A_65 = arith.constant 0 : index
    %get3A_66 = arith.constant 0 : index
    %get3A_67 = vector.load %arg6[%get3A_65, %get3A_66] : memref<1x64xf32, #tpu.memory_space<vmem>>, vector<1x64xf32>
    %add3A_68 = vector.broadcast %get3A_67 : vector<1x64xf32> to vector<1024x64xf32>
    %add3A_69 = arith.addf %dot_general3A_64, %add3A_68 : vector<1024x64xf32>
    %max3A_70 = arith.constant 0.000000e+00 : f32
    %max3A_71 = vector.broadcast %max3A_70 : f32 to vector<1024x64xf32>
    %max3A_72 = arith.maximumf %add3A_69, %max3A_71 : vector<1024x64xf32>
    %get3A_73 = arith.constant 0 : index
    %get3A_74 = arith.constant 0 : index
    %get3A_75 = vector.load %arg7[%get3A_73, %get3A_74] : memref<64x32xf32, #tpu.memory_space<vmem>>, vector<64x32xf32>
    %dot_general3A_76 = arith.constant dense<0.000000e+00> : vector<1024x32xf32>
    %dot_general3A_77 = tpu.matmul %max3A_72, %get3A_75, %dot_general3A_76 {dimension_numbers = #tpu.dot_dimension_numbers<[1], [0], [0], [1], [0, 0, 1, 1], [], []>, transpose_lhs_hint = false} : vector<1024x64xf32>, vector<64x32xf32>, vector<1024x32xf32> -> vector<1024x32xf32>
    %dot_general3A_78 = arith.constant dense<0.000000e+00> : vector<1024x32xf32>
    %dot_general3A_79 = tpu.matmul %mul3A_38, %dot_general3A_77, %dot_general3A_78 {dimension_numbers = #tpu.dot_dimension_numbers<[1], [0], [0], [1], [0, 0, 1, 1], [], []>, precision = #tpu.contract_precision<fp32>, transpose_lhs_hint = false} : vector<1024x1024xf32>, vector<1024x32xf32>, vector<1024x32xf32> -> vector<1024x32xf32>
    %get3A_80 = arith.constant 0 : index
    %get3A_81 = arith.constant 0 : index
    %get3A_82 = vector.load %arg8[%get3A_80, %get3A_81] : memref<1x32xf32, #tpu.memory_space<vmem>>, vector<1x32xf32>
    %add3A_83 = vector.broadcast %get3A_82 : vector<1x32xf32> to vector<1024x32xf32>
    %add3A_84 = arith.addf %dot_general3A_79, %add3A_83 : vector<1024x32xf32>
    %swap3A = arith.constant 0 : index
    %swap3A_85 = arith.constant 0 : index
    %swap3A_86 = arith.constant 0 : index
    %swap3A_87 = vector.load %arg9[%swap3A, %swap3A_85, %swap3A_86] : memref<1x1024x32xf32, #tpu.memory_space<vmem>>, vector<1x1024x32xf32>
    %swap3A_88 = vector.shape_cast %swap3A_87 : vector<1x1024x32xf32> to vector<1024x32xf32>
    %swap3A_89 = vector.shape_cast %add3A_84 : vector<1024x32xf32> to vector<1x1024x32xf32>
    tpu.vector_store %arg9[%swap3A, %swap3A_85, %swap3A_86], %swap3A_89 {strides = array<i32>} : memref<1x1024x32xf32, #tpu.memory_space<vmem>>, vector<1x1024x32xf32>,
    return
  }
  func.func @transform_0(%arg0: i32) -> (i32, i32, i32) {
    %c0_i32 = arith.constant 0 : i32
    %c0_i32_0 = arith.constant 0 : i32
    %c0_i32_1 = arith.constant 0 : i32
    return %arg0, %c0_i32, %c0_i32_0 : i32, i32, i32
  }
  func.func @transform_1(%arg0: i32) -> (i32, i32, i32) {
    %c0_i32 = arith.constant 0 : i32
    %c0_i32_0 = arith.constant 0 : i32
    %c0_i32_1 = arith.constant 0 : i32
    return %arg0, %c0_i32, %c0_i32_0 : i32, i32, i32
  }
  func.func @transform_2(%arg0: i32) -> (i32, i32) {
    %c0_i32 = arith.constant 0 : i32
    %c0_i32_0 = arith.constant 0 : i32
    %c0_i32_1 = arith.constant 0 : i32
    return %c0_i32, %c0_i32_0 : i32, i32
  }
  func.func @transform_3(%arg0: i32) -> (i32, i32) {
    %c0_i32 = arith.constant 0 : i32
    %c0_i32_0 = arith.constant 0 : i32
    %c0_i32_1 = arith.constant 0 : i32
    return %c0_i32, %c0_i32_0 : i32, i32
  }
  func.func @transform_4(%arg0: i32) -> (i32, i32) {
    %c0_i32 = arith.constant 0 : i32
    %c0_i32_0 = arith.constant 0 : i32
    %c0_i32_1 = arith.constant 0 : i32
    return %c0_i32, %c0_i32_0 : i32, i32
  }
  func.func @transform_5(%arg0: i32) -> (i32, i32) {
    %c0_i32 = arith.constant 0 : i32
    %c0_i32_0 = arith.constant 0 : i32
    %c0_i32_1 = arith.constant 0 : i32
    return %c0_i32, %c0_i32_0 : i32, i32
  }
  func.func @transform_6(%arg0: i32) -> (i32, i32) {
    %c0_i32 = arith.constant 0 : i32
    %c0_i32_0 = arith.constant 0 : i32
    %c0_i32_1 = arith.constant 0 : i32
    return %c0_i32, %c0_i32_0 : i32, i32
  }
  func.func @transform_7(%arg0: i32) -> (i32, i32) {
    %c0_i32 = arith.constant 0 : i32
    %c0_i32_0 = arith.constant 0 : i32
    %c0_i32_1 = arith.constant 0 : i32
    return %c0_i32, %c0_i32_0 : i32, i32
  }
  func.func @transform_8(%arg0: i32) -> (i32, i32, i32) {
    %c0_i32 = arith.constant 0 : i32
    %c0_i32_0 = arith.constant 0 : i32
    %c0_i32_1 = arith.constant 0 : i32
    return %arg0, %c0_i32, %c0_i32_0 : i32, i32, i32
  }
}

</mosaic_0001>

<sc_bundles>
// kernel: kernel.5.cloned.1.call-start
scs
__scs_entry_jumppad:
0x0: {  	(pc) =	sbr.rel $0x88, $3  }
0x1: {  	(tag) =	ssettag $0x0;
	lr =	simm.s32 $0x1  }
0x2: {  	[smem:$0x3F87] =	sst lr;
	_ =	strace $0xD0000000  }
0x3: {  	_ = 	snop  }
0x4: {  	_ = 	snop  }
0x5: {  	_ = 	snop  }
0x6: {  	_ = 	snop  }
0x7: {  	_ = 	snop  }
__scs_overlays_trampoline_lowered:
0x8: {  	[smem:$0x3F96] =	sst s0  }
0x9: {  	[smem:$0x3F97] =	sst s1  }
0xa: {  	[smem:$0x3F98] =	sst s2  }
0xb: {  	[smem:$0x3F99] =	sst s3  }
0xc: {  	[smem:$0x3F9A] =	sst s4  }
0xd: {  	[smem:$0x3F9B] =	sst s5  }
0xe: {  	[smem:$0x3F9C] =	sst s6  }
0xf: {  	[smem:$0x3F9D] =	sst s7  }
0x10: {  	[smem:$0x3F9E] =	sst s8  }
0x11: {  	[smem:$0x3F9F] =	sst s9;
	s0 =	simm.s32 @!p0 $0x0  }
0x12: {  	s1 =	sld [smem:$0x3F85];
	s0 =	simm.s32 @p0 $0x1  }
0x13: {  	[smem:$0x3FA0] =	sst s0;
	s0 =	simm.s32 @!p1 $0x0  }
0x14: {  	s2 =	sld [smem:$0x3F84];
	s0 =	simm.s32 @p1 $0x1  }
0x15: {  	[smem:$0x3FA1] =	sst s0;
	s0 =	simm.s32 @!p2 $0x0  }
0x16: {  	s3 =	sld [smem:$0x3FDB];
	s0 =	simm.s32 @p2 $0x1  }
0x17: {  	s4 =	simm.s32 $0x1BF5;
	[smem:$0x3FA3] =	sst s0  }
0x18: {  	s0 =	sld [smem:$0x3F86];
	_ =	swait.ge [sflag:s4], $0x0  }
0x19: {  	s7 =	sld [smem:$0x3F87]  }
0x1a: {  	s8 =	sadd.s32 $0xFFFFE003, lr  }
0x1b: {  	s9 =	sadd.s32 $0xFFFFFEF7, lr;
	s5 =	simm.s32 $0xFFFFFFFF;
	p2 =	slt.u32 s8, $0xFFFFF086  }
0x1c: {  	p1 =	slt.u32 s9, $0xF7A;
	s5 =	simm.s32 @!p2 $0x0  }
0x1d: {  	s5 =	simm.s32 @p1 $0x1;
	p0 =	seq.s32 s7, s2  }
0x1e: {  	s7 =	smul.u32 @!p0 $0xF7A, s2;
	p2 =	seq.s32 @!p0 s5, $0x0  }
0x1f: {  	s9 =	smul.u32 $0xF7A, s1;
	s8 =	simm.s32 @!p0 $0x1BF5;
	p2 =	por !p2, p0  }
0x20: {  	[sflag:s8] =	ssyncset.s32 @!p0 $0xFFFFF086;
	s6 =	sadd.s32 @!p0 s3, s7;
	s7 =	simm.s32 @!p0 $0x108  }
0x21: {  	s3 =	sadd.s32 s3, s9;
	s6 =	sadd.s32 @!p0 $0x88, s6;
	s7 =	simm.s32 @p2 $0x1082  }
0x22: {  	[simem:s7], [sflag:s8] =	dma.local @!p0 [hbm:s6], $0xF7A  }
0x23: {  	s9 =	sor.u32 $0xD0000000, s2;
	s6 =	simm.s32 $0x108;
	_ =	swait.ge @!p0 [sflag:s8], $0x0  }
0x24: {  	s3 =	sadd.s32 $0x88, s3;
	s6 =	simm.s32 @!p1 $0x1082;
	[sflag:s4] =	ssyncset.s32 $0xFFFFF086  }
0x25: {  	[simem:s6], [sflag:s4] =	dma.local [hbm:s3], $0xF7A  }
0x26: {  	[smem:$0x3F87] =	sst s1;
	(tag) =	ssettag s2;
	_ =	strace s9  }
0x27: {  	s1 =	sld [smem:$0x3F97]  }
0x28: {  	s2 =	sld [smem:$0x3F98]  }
0x29: {  	s4 =	sld [smem:$0x3F9A]  }
0x2a: {  	p0 =	seq.s32 s5, $0x0;
	s5 =	sld [smem:$0x3F9B]  }
0x2b: {  	s6 =	sld [smem:$0x3F9C]  }
0x2c: {  	s7 =	sld [smem:$0x3F9D]  }
0x2d: {  	s3 =	simm.s32 $0x108;
	s8 =	sld [smem:$0x3F9E]  }
0x2e: {  	s3 =	simm.s32 @!p0 $0x1082;
	s9 =	sld [smem:$0x3F9F]  }
0x2f: {  	lr =	sadd.s32 s0, s3;
	s0 =	sld [smem:$0x3F96]  }
0x30: {  	s3 =	sld [smem:$0x3F99]  }
0x31: {  	[smem:$0x3FA2] =	sst s10  }
0x32: {  	s10 =	sld [smem:$0x3FA0];
	_ =	sdelay $0x3  }
0x33: {  	p0 =	seq.s32 s10, $0x1;
	s10 =	sld [smem:$0x3FA2];
	_ =	sdelay $0x3  }
0x34: {  	[smem:$0x3FA2] =	sst s10  }
0x35: {  	s10 =	sld [smem:$0x3FA1];
	_ =	sdelay $0x3  }
0x36: {  	p1 =	seq.s32 s10, $0x1;
	s10 =	sld [smem:$0x3FA2];
	_ =	sdelay $0x3  }
0x37: {  	[smem:$0x3FA2] =	sst s10  }
0x38: {  	s10 =	sld [smem:$0x3FA3]  }
0x39: {  	_ = 	snop;
	(pc) =	sbr.ind lr, $3  }
0x3a: {  	_ = 	snop  }
0x3b: {  	_ = 	snop  }
0x3c: {  	p2 =	seq.s32 s10, $0x1;
	s10 =	sld [smem:$0x3FA2]  }
0x3d: {  	_ =	shalt  }
0x3e: {  	_ =	shalt  }
0x3f: {  	_ =	shalt  }
0x40: {  	_ =	shalt  }
0x41: {  	_ =	shalt  }
0x42: {  	_ =	shalt  }
0x43: {  	_ =	shalt  }
0x44: {  	_ =	shalt  }
0x45: {  	_ =	shalt  }
0x46: {  	_ =	shalt  }
0x47: {  	_ =	shalt  }
0x48: {  	_ =	shalt  }
0x49: {  	_ =	shalt  }
0x4a: {  	_ =	shalt  }
0x4b: {  	_ =	shalt  }
0x4c: {  	_ =	shalt  }
0x4d: {  	_ =	shalt  }
0x4e: {  	_ =	shalt  }
0x4f: {  	_ =	shalt  }
0x50: {  	_ =	shalt  }
0x51: {  	_ =	shalt  }
0x52: {  	_ =	shalt  }
0x53: {  	_ =	shalt  }
0x54: {  	_ =	shalt  }
0x55: {  	_ =	shalt  }
0x56: {  	_ =	shalt  }
0x57: {  	_ =	shalt  }
0x58: {  	_ =	shalt  }
0x59: {  	_ =	shalt  }
0x5a: {  	_ =	shalt  }
0x5b: {  	_ =	shalt  }
0x5c: {  	_ =	shalt  }
0x5d: {  	_ =	shalt  }
0x5e: {  	_ =	shalt  }
0x5f: {  	_ =	shalt  }
0x60: {  	_ =	shalt  }
0x61: {  	_ =	shalt  }
0x62: {  	_ =	shalt  }
0x63: {  	_ =	shalt  }
0x64: {  	_ =	shalt  }
0x65: {  	_ =	shalt  }
0x66: {  	_ =	shalt  }
0x67: {  	_ =	shalt  }
0x68: {  	_ =	shalt  }
0x69: {  	_ =	shalt  }
0x6a: {  	_ =	shalt  }
0x6b: {  	_ =	shalt  }
0x6c: {  	_ =	shalt  }
0x6d: {  	_ =	shalt  }
0x6e: {  	_ =	shalt  }
0x6f: {  	_ =	shalt  }
0x70: {  	_ =	shalt  }
0x71: {  	_ =	shalt  }
0x72: {  	_ =	shalt  }
0x73: {  	_ =	shalt  }
0x74: {  	_ =	shalt  }
0x75: {  	_ =	shalt  }
0x76: {  	_ =	shalt  }
0x77: {  	_ =	shalt  }
0x78: {  	_ =	shalt  }
0x79: {  	_ =	shalt  }
0x7a: {  	_ =	shalt  }
0x7b: {  	_ =	shalt  }
0x7c: {  	_ =	shalt  }
0x7d: {  	_ =	shalt  }
0x7e: {  	_ =	shalt  }
0x7f: {  	_ =	shalt  }
0x80: {  	_ =	shalt  }
0x81: {  	_ =	shalt  }
0x82: {  	_ =	shalt  }
0x83: {  	_ =	shalt  }
0x84: {  	_ =	shalt  }
0x85: {  	_ =	shalt  }
0x86: {  	_ =	shalt  }
0x87: {  	_ =	shalt  }
.Lfunc_end0:
.L_simem_size_0:
called_computation_lowered:
.L_overlay_start_0:
0x88: {  	s2 =	sld [smem:$0x3FD9]  }
0x89: {  	s3 =	sld [smem:$0x3FFE];
	_ =	sdelay $0x1  }
0x8a: {  	s1 =	srdreg.scid  }
0x8b: {  	s0 =	sand.u32 $0x1, s1  }
0x8c: {  	s14 =	sshll.u32 s0, $0xA;
	s2 =	sadd.s32 s3, s2  }
0x8d: {  	s2 =	sadd.s32 s2, s14  }
0x8e: {  	[smem:$0x3FAE] =	sst s2  }
0x8f: {  	_ = 	snop  }
0x90: {  	s2 =	sld [smem:$0x3FD0];
	_ =	sdelay $0x2  }
0x91: {  	s15 =	simm.s32 $0xA;
	s4 =	simm.s32 $0x10  }
0x92: {  	[smem:s4], [sflag:s15] =	dma.local [hbm:s2], $0x1  }
0x93: {  	_ =	swait.eq [sflag:s15], $0x1  }
0x94: {  	[sflag:s15] =	ssyncset.done $0x0  }
0x95: {  	[sflag:s15] =	ssyncadd.s32 $0xFFFFFFFF  }
0x96: {  	s16 =	sld [smem:$0x10];
	(tm) =	ssettm $0x1  }
0x97: {  	s17 =	sld [smem:$0x3FFB];
	_ =	sdelay $0x3  }
0x98: {  	_ =	strace s17  }
0x99: {  	s3 =	sld [smem:$0x3FFC];
	_ =	sdelay $0x3  }
0x9a: {  	_ =	strace s3  }
0x9b: {  	s3 =	sld [smem:$0x3FFD];
	_ =	sdelay $0x3  }
0x9c: {  	_ =	strace s3  }
0x9d: {  	_ =	strace $0x8FFFFFFF  }
0x9e: {  	s18 =	sld [smem:$0x3FDB];
	_ =	sdelay $0x1  }
0x9f: {  	s19 =	simm.s32 $_scs_section_size  }
0xa0: {  	s5 =	simm.s32 $_size__tile_overlayer_lowered;
	s6 =	simm.s32 $_tile_overlayer_lowered  }
0xa1: {  	s22 =	simm.s32 $0x1BFF;
	s21 =	sshll.u32 s6, $0x1;
	s3 =	sadd.s32 s19, s18  }
0xa2: {  	s7 =	simm.s32 $0x0;
	s20 =	sshll.u32 s5, $0x1;
	s5 =	sadd.s32 s21, s3  }
0xa3: {  	[timem:s7], [sflag:s22] =	dma.local [hbm:s5], s20  }
0xa4: {  	_ =	swait.ge [sflag:s22], s20  }
0xa5: {  	s4 =	ssub.s32 $0x0, s20;
	[sflag:s22] =	ssyncset.done $0x0  }
0xa6: {  	[sflag:s22] =	ssyncadd.s32 s4;
	_ =	sdelay $0x1  }
0xa7: {  	s23 =	simm.s32 $0x1B8B  }
0xa8: {  	_ =	swait.ge [sflag:s23], $0x1  }
0xa9: {  	[sflag:s23] =	ssyncset.done $0x0  }
0xaa: {  	s25 =	simm.s32 $0x1B8E;
	s24 =	sld [smem:$0x3FFE];
	[sflag:s23] =	ssyncadd.s32 $0xFFFFFFFF  }
0xab: {  	s26 =	simm.s32 $execute0_lowered;
	[smem:$0x3FD2] =	sst s25  }
0xac: {  	s5 =	sshll.u32 s26, $0x1;
	_ =	strace $0x80000046;
	[dreg:$0x1] =	wrdreg $0xFFFFFFFF  }
0xad: {  	s28 =	simm.s32 $_size_execute0_lowered;
	s3 =	sadd.s32 s3, s5;
	[dreg:$0x0] =	wrdreg $0x0  }
0xae: {  	s5 =	sshll.u32 s28, $0x1;
	[dreg:$0x2] =	wrdreg s3  }
0xaf: {  	[dreg:$0x3] =	wrdreg s5  }
0xb0: {  	[dreg:$0x4] =	wrdreg $0xC0  }
0xb1: {  	_ =	task [dreg:s7], $0x5FFFF  }
0xb2: {  	[dreg:$0x1] =	wrdreg $0xFFFFFFFF  }
0xb3: {  	[dreg:$0x0] =	wrdreg $0x60  }
0xb4: {  	[dreg:$0x2] =	wrdreg s16  }
0xb5: {  	[dreg:$0x3] =	wrdreg s24  }
0xb6: {  	[dreg:$0x4] =	wrdreg $0x9  }
0xb7: {  	_ =	task.clear_ibuf [dreg:s7], $0x5FFFF;
	_ =	strace $0x90000046  }
0xb8: {  	s29 =	simm.s32 $0x9;
	_ =	strace $0x80000048  }
0xb9: {  	_ =	swait.ge [sflag:s29], $0x1  }
0xba: {  	[sflag:s29] =	ssyncadd.s32 $0xFFFFFFFF  }
0xbb: {  	_ =	strace $0x90000048  }
0xbc: {  	_ =	sfence  }
0xbd: {  	s30 =	sld [smem:$0x0];
	_ =	sdelay $0x2  }
0xbe: {  	s31 =	sshll.u32 s1, $0xD;
	s1 =	sshrl.u32 s1, $0x2  }
0xbf: {  	s3 =	sand.u32 $0x4000, s31;
	s1 =	sadd.s32 s1, s30  }
0xc0: {  	s0 =	sor.u32 s3, s0;
	s1 =	sshll.u32 s1, $0x11  }
0xc1: {  	s0 =	sor.u32 s1, s0  }
0xc2: {  	s0 =	sadd.s32 $0x8F2B, s0  }
0xc3: {  	[sflag:s0] =	ssyncadd.remote.s32 $0x1  }
0xc4: {  	_ =	sfence.sel $0xFFFF  }
0xc5: {  	[dreg:$0x0] =	wrdreg $0xFFFFFFFF;
	(pc) =	sbr.abs _section_cstart, $3  }
0xc6: {  	[dreg:$0x1] =	wrdreg $0xFFFFFFFF  }
0xc7: {  	_ =	task.clear_ibuf [dreg:s7], $0x2FFFF;
	_ =	strace $0x9FFFFFFF  }
0xc8: {  	(tm) =	ssettm $0x7FFFFFFF  }
0xc9: {  	_ =	shalt  }
tec
execute0_lowered:
.L_overlay_start_1:
0x0: {  	(tag) =	ssettag $0x1  }
0x1: {  	s3 =	rddreg [dreg:$0x0]  }
0x2: {  	s4 =	rddreg [dreg:$0x1];
	s1 =	srdreg.scid  }
0x3: {  	s0 =	rddreg [dreg:$0x2];
	s2 =	simm.s32 $0x0;
	s9 =	simm.s32 $0x80  }
0x4: {  	s10 =	simm.s32 $0x100;
	s11 =	simm.s32 $0x10000;
	s13 =	simm.s32 $0x14000  }
0x5: {  	s14 =	simm.s32 $0x0;
	s5 =	sand.u32 $0x1, s1;
	[smem:$0x7FF] =	sst s2  }
0x6: {  	s1 =	stileid.u32;
	s6 =	ssub.s32 $0x2, s5;
	_ =	strace $0x80000047  }
0x7: {  	s7 =	sshll.u32 s1, $0xD;
	s30 =	sshll.u32 s5, $0xD;
	s12 =	sshll.u32 s1, $0x6  }
0x8: {  	s31 =	sshll.u32 s5, $0x11;
	s8 =	sshrl.u32 s6, $0x1;
	s7 =	sadd.s32 s7, s4  }
0x9: {  	s3 =	sadd.s32 s3, s30;
	v0 =	vmov s12;
	s12 =	simm.s32 $0x1;
	s8 =	ssub.s32 s6, s8  }
0xa: {  	s4 =	sadd.s32 $0x10, s3;
	s5 =	sadd.s32 $0x1000, s3;
	s7 =	sadd.s32 s31, s7  }
0xb: {  	v1 =	vimm.f32 $0.0e+00;
	v2 =	vimm.f32 $1.000000000e+00;
	s6 =	sadd.s32 $0x1010, s3;
	s7 =	sadd.s32 $0x3800, s7;
	s8 =	smax.u32 s8, $0x1  }
.LBB2_1:
0xc: {  	s15 =	simm.s32 $0x0  }
0xd: {  	s16 =	sand.u32 $0x1800, s2;
	s17 =	simm.s32 $0x0;
	s15 =	sand.u32 $0xE000, s15  }
0xe: {  	s17 =	sand.u32 $0x380, s17;
	s15 =	sor.u32 s16, s15  }
0xf: {  	s15 =	sor.u32 s17, s15  }
0x10: {  	[tilespmem:s15+$0x470] =	vst v1  }
0x11: {  	[tilespmem:s15+$0x0] =	vst v1  }
0x12: {  	[tilespmem:s15+$0x10] =	vst v1  }
0x13: {  	[tilespmem:s15+$0x20] =	vst v1  }
0x14: {  	[tilespmem:s15+$0x30] =	vst v1  }
0x15: {  	[tilespmem:s15+$0x40] =	vst v1  }
0x16: {  	[tilespmem:s15+$0x50] =	vst v1  }
0x17: {  	[tilespmem:s15+$0x60] =	vst v1  }
0x18: {  	[tilespmem:s15+$0x70] =	vst v1  }
0x19: {  	[tilespmem:s15+$0x400] =	vst v1  }
0x1a: {  	s16 =	simm.s32 $0x0;
	s17 =	simm.s32 $0x0;
	[tilespmem:s15+$0x410] =	vst v1  }
.LBB2_2:
0x1b: {  	s16 =	sadd.s32 $0x10, s16;
	[tilespmem:s15+$0x420] =	vst v1  }
0x1c: {  	s17 =	sadd.s32 $0x800, s17;
	s18 =	sshll.u32 s16, $0x4;
	p0 =	slt.u32 s16, $0xFF0;
	[tilespmem:s15+$0x430] =	vst v1  }
0x1d: {  	s19 =	sand.u32 $0x1800, s17;
	s20 =	sshll.u32 s16, $0x1;
	s18 =	sand.u32 $0xE000, s18;
	[tilespmem:s15+$0x440] =	vst v1  }
0x1e: {  	s20 =	sand.u32 $0x380, s20;
	s18 =	sor.u32 s19, s18;
	[tilespmem:s15+$0x450] =	vst v1  }
0x1f: {  	[tilespmem:s15+$0x460] =	vst v1;
	s15 =	sor.u32 s20, s18  }
0x20: {  	[tilespmem:s15+$0x470] =	vst v1  }
0x21: {  	[tilespmem:s15+$0x0] =	vst v1  }
0x22: {  	[tilespmem:s15+$0x10] =	vst v1  }
0x23: {  	[tilespmem:s15+$0x20] =	vst v1  }
0x24: {  	[tilespmem:s15+$0x30] =	vst v1  }
0x25: {  	[tilespmem:s15+$0x40] =	vst v1  }
.Ltmp0:
0x26: {  	[tilespmem:s15+$0x50] =	vst v1;
	(pc) =	sbr.rel @p0 .LBB2_2-.Ltmp0, $4  }
0x27: {  	[tilespmem:s15+$0x60] =	vst v1  }
0x28: {  	[tilespmem:s15+$0x70] =	vst v1  }
0x29: {  	[tilespmem:s15+$0x400] =	vst v1  }
0x2a: {  	[tilespmem:s15+$0x410] =	vst v1  }
0x2b: {  	[tilespmem:s15+$0x420] =	vst v1  }
0x2c: {  	[tilespmem:s15+$0x430] =	vst v1  }
0x2d: {  	[tilespmem:s15+$0x440] =	vst v1  }
0x2e: {  	[tilespmem:s15+$0x450] =	vst v1  }
0x2f: {  	[tilespmem:s15+$0x460] =	vst v1  }
0x30: {  	[tilespmem:s11], [sflag:$0x1] =	stream.strided.gather [hbm4b:s3+s9], $0x4000, s10, s9, $0x38;
	[tilespmem:$0x18000] =	vst v63  }
0x31: {  	_ =	swait.ge [sflag:s12], $0x4000  }
0x32: {  	[sflag:s12] =	ssyncset.done $0x0  }
0x33: {  	[sflag:s12] =	ssyncadd.s32 $0xFFFFC000  }
0x34: {  	[tilespmem:s13], [sflag:$0x1] =	stream.strided.gather [hbm4b:s4+s9], $0x4000, s10, s9, $0x38;
	[tilespmem:$0x18000] =	vst v63  }
0x35: {  	_ =	swait.ge [sflag:s12], $0x4000  }
0x36: {  	s15 =	simm.s32 $0xFFFFFFF8;
	[sflag:s12] =	ssyncset.done $0x0  }
0x37: {  	s16 =	simm.s32 $0x10040;
	s17 =	simm.s32 $0x14040;
	[sflag:s12] =	ssyncadd.s32 $0xFFFFC000  }
.LBB2_4:
0x38: {  	v3 =	vld [tilespmem:s17+$0xFFFFFFC0];
	_ =	sdelay $0x1  }
0x39: {  	v4 =	vld [tilespmem:s16+$0xFFFFFFC0];
	_ =	sdelay $0x2  }
0x3a: {  	v5 =	vsub.s32 v3, v0  }
0x3b: {  	vm0 =	vlt.u32 v5, $0x40  }
0x3c: {  	v4 =	vnsel vm0, $0x0, v4  }
0x3d: {  	v5 =	vshll.u32 v5, $0xA;
	v6 =	vshll.u32 v4, $0x3  }
0x3e: {  	v3 =	vshll.u32 v3, $0x7;
	v5 =	vand.u32 $0xFFFFE000, v5;
	v6 =	vand.u32 $0xFFFFFC00, v6  }
0x3f: {  	v3 =	vand.u32 $0x380, v3;
	v5 =	vadd.s32 v5, v6  }
0x40: {  	v4 =	vand.u32 $0x7F, v4;
	v3 =	vor.u32 v3, v5  }
0x41: {  	v3 =	vor.u32 v4, v3;
	_ =	sdelay $0x4  }
0x42: {  	[tilespmem:v3+s2+$0x0] =	vst.idx.add.f32.msk vm0, v2  }
0x43: {  	v3 =	vld [tilespmem:s17+$0xFFFFFFD0];
	_ =	sdelay $0x1  }
0x44: {  	v43 =	vld [tilespmem:s16+$0xFFFFFFD0];
	_ =	sdelay $0x2  }
0x45: {  	v44 =	vsub.s32 v3, v0  }
0x46: {  	vm9 =	vlt.u32 v44, $0x40  }
0x47: {  	v4 =	vnsel vm9, $0x0, v43  }
0x48: {  	v5 =	vshll.u32 v44, $0xA;
	v45 =	vshll.u32 v4, $0x3  }
0x49: {  	v3 =	vshll.u32 v3, $0x7;
	v5 =	vand.u32 $0xFFFFE000, v5;
	v6 =	vand.u32 $0xFFFFFC00, v45  }
0x4a: {  	v3 =	vand.u32 $0x380, v3;
	v5 =	vadd.s32 v5, v6  }
0x4b: {  	v4 =	vand.u32 $0x7F, v4;
	v3 =	vor.u32 v3, v5  }
0x4c: {  	v3 =	vor.u32 v4, v3;
	_ =	sdelay $0x4  }
0x4d: {  	[tilespmem:v3+s2+$0x0] =	vst.idx.add.f32.msk vm9, v2  }
0x4e: {  	v3 =	vld [tilespmem:s17+$0xFFFFFFE0];
	_ =	sdelay $0x1  }
0x4f: {  	v46 =	vld [tilespmem:s16+$0xFFFFFFE0];
	_ =	sdelay $0x2  }
0x50: {  	v47 =	vsub.s32 v3, v0  }
0x51: {  	vm10 =	vlt.u32 v47, $0x40  }
0x52: {  	v4 =	vnsel vm10, $0x0, v46  }
0x53: {  	v5 =	vshll.u32 v47, $0xA;
	v48 =	vshll.u32 v4, $0x3  }
0x54: {  	v3 =	vshll.u32 v3, $0x7;
	v5 =	vand.u32 $0xFFFFE000, v5;
	v6 =	vand.u32 $0xFFFFFC00, v48  }
0x55: {  	v3 =	vand.u32 $0x380, v3;
	v5 =	vadd.s32 v5, v6  }
0x56: {  	v4 =	vand.u32 $0x7F, v4;
	v3 =	vor.u32 v3, v5  }
0x57: {  	v3 =	vor.u32 v4, v3;
	_ =	sdelay $0x4  }
0x58: {  	[tilespmem:v3+s2+$0x0] =	vst.idx.add.f32.msk vm10, v2  }
0x59: {  	v3 =	vld [tilespmem:s17+$0xFFFFFFF0];
	_ =	sdelay $0x1  }
0x5a: {  	v49 =	vld [tilespmem:s16+$0xFFFFFFF0];
	_ =	sdelay $0x2  }
0x5b: {  	v50 =	vsub.s32 v3, v0  }
0x5c: {  	vm11 =	vlt.u32 v50, $0x40  }
0x5d: {  	v4 =	vnsel vm11, $0x0, v49  }
0x5e: {  	v5 =	vshll.u32 v50, $0xA;
	v51 =	vshll.u32 v4, $0x3  }
0x5f: {  	v3 =	vshll.u32 v3, $0x7;
	v5 =	vand.u32 $0xFFFFE000, v5;
	v6 =	vand.u32 $0xFFFFFC00, v51  }
0x60: {  	v3 =	vand.u32 $0x380, v3;
	v5 =	vadd.s32 v5, v6  }
0x61: {  	v4 =	vand.u32 $0x7F, v4;
	v3 =	vor.u32 v3, v5  }
0x62: {  	v3 =	vor.u32 v4, v3;
	_ =	sdelay $0x4  }
0x63: {  	[tilespmem:v3+s2+$0x0] =	vst.idx.add.f32.msk vm11, v2  }
0x64: {  	v3 =	vld [tilespmem:s17+$0x0];
	_ =	sdelay $0x1  }
0x65: {  	v52 =	vld [tilespmem:s16+$0x0];
	_ =	sdelay $0x2  }
0x66: {  	v53 =	vsub.s32 v3, v0  }
0x67: {  	vm12 =	vlt.u32 v53, $0x40  }
0x68: {  	v4 =	vnsel vm12, $0x0, v52  }
0x69: {  	v5 =	vshll.u32 v53, $0xA;
	v54 =	vshll.u32 v4, $0x3  }
0x6a: {  	v3 =	vshll.u32 v3, $0x7;
	v5 =	vand.u32 $0xFFFFE000, v5;
	v6 =	vand.u32 $0xFFFFFC00, v54  }
0x6b: {  	v3 =	vand.u32 $0x380, v3;
	v5 =	vadd.s32 v5, v6  }
0x6c: {  	v4 =	vand.u32 $0x7F, v4;
	v3 =	vor.u32 v3, v5  }
0x6d: {  	v3 =	vor.u32 v4, v3;
	_ =	sdelay $0x4  }
0x6e: {  	[tilespmem:v3+s2+$0x0] =	vst.idx.add.f32.msk vm12, v2  }
0x6f: {  	v3 =	vld [tilespmem:s17+$0x10];
	_ =	sdelay $0x1  }
0x70: {  	v55 =	vld [tilespmem:s16+$0x10];
	_ =	sdelay $0x2  }
0x71: {  	v56 =	vsub.s32 v3, v0  }
0x72: {  	vm13 =	vlt.u32 v56, $0x40  }
0x73: {  	v4 =	vnsel vm13, $0x0, v55  }
0x74: {  	v5 =	vshll.u32 v56, $0xA;
	v57 =	vshll.u32 v4, $0x3  }
0x75: {  	v3 =	vshll.u32 v3, $0x7;
	v5 =	vand.u32 $0xFFFFE000, v5;
	v6 =	vand.u32 $0xFFFFFC00, v57  }
0x76: {  	v3 =	vand.u32 $0x380, v3;
	v5 =	vadd.s32 v5, v6  }
0x77: {  	v4 =	vand.u32 $0x7F, v4;
	v3 =	vor.u32 v3, v5  }
0x78: {  	v3 =	vor.u32 v4, v3;
	_ =	sdelay $0x4  }
0x79: {  	[tilespmem:v3+s2+$0x0] =	vst.idx.add.f32.msk vm13, v2  }
0x7a: {  	v3 =	vld [tilespmem:s17+$0x20];
	_ =	sdelay $0x1  }
0x7b: {  	v58 =	vld [tilespmem:s16+$0x20];
	_ =	sdelay $0x2  }
0x7c: {  	v59 =	vsub.s32 v3, v0  }
0x7d: {  	vm14 =	vlt.u32 v59, $0x40  }
0x7e: {  	v4 =	vnsel vm14, $0x0, v58  }
0x7f: {  	v5 =	vshll.u32 v59, $0xA;
	v60 =	vshll.u32 v4, $0x3  }
0x80: {  	v3 =	vshll.u32 v3, $0x7;
	v5 =	vand.u32 $0xFFFFE000, v5;
	v6 =	vand.u32 $0xFFFFFC00, v60  }
0x81: {  	v3 =	vand.u32 $0x380, v3;
	v5 =	vadd.s32 v5, v6  }
0x82: {  	v4 =	vand.u32 $0x7F, v4;
	v3 =	vor.u32 v3, v5  }
0x83: {  	v3 =	vor.u32 v4, v3;
	_ =	sdelay $0x4  }
0x84: {  	[tilespmem:v3+s2+$0x0] =	vst.idx.add.f32.msk vm14, v2  }
0x85: {  	v3 =	vld [tilespmem:s17+$0x30];
	_ =	sdelay $0x1  }
0x86: {  	v61 =	vld [tilespmem:s16+$0x30];
	_ =	sdelay $0x2  }
0x87: {  	v62 =	vsub.s32 v3, v0  }
0x88: {  	vm15 =	vlt.u32 v62, $0x40  }
0x89: {  	v4 =	vnsel vm15, $0x0, v61  }
0x8a: {  	v5 =	vshll.u32 v62, $0xA;
	v63 =	vshll.u32 v4, $0x3  }
0x8b: {  	v3 =	vshll.u32 v3, $0x7;
	v5 =	vand.u32 $0xFFFFE000, v5;
	v6 =	vand.u32 $0xFFFFFC00, v63  }
0x8c: {  	v3 =	vand.u32 $0x380, v3;
	v5 =	vadd.s32 v5, v6  }
0x8d: {  	s15 =	sadd.s32 $0x8, s15;
	v4 =	vand.u32 $0x7F, v4;
	v3 =	vor.u32 v3, v5  }
0x8e: {  	p0 =	slt.u32 s15, $0x3F8;
	v3 =	vor.u32 v4, v3  }
.Ltmp1:
0x8f: {  	_ = 	snop;
	(pc) =	sbr.rel @p0 .LBB2_4-.Ltmp1, $2  }
0x90: {  	_ =	sdelay $0x2  }
0x91: {  	s16 =	sadd.s32 $0x80, s16;
	s17 =	sadd.s32 $0x80, s17;
	[tilespmem:v3+s2+$0x0] =	vst.idx.add.f32.msk vm15, v2  }
0x92: {  	[tilespmem:s11], [sflag:$0x1] =	stream.strided.gather [hbm4b:s5+s9], $0x4000, s10, s9, $0x38;
	[tilespmem:$0x18000] =	vst v63  }
0x93: {  	_ =	swait.ge [sflag:s12], $0x4000  }
0x94: {  	[sflag:s12] =	ssyncset.done $0x0  }
0x95: {  	[sflag:s12] =	ssyncadd.s32 $0xFFFFC000  }
0x96: {  	[tilespmem:s13], [sflag:$0x1] =	stream.strided.gather [hbm4b:s6+s9], $0x4000, s10, s9, $0x38;
	[tilespmem:$0x18000] =	vst v63  }
0x97: {  	_ =	swait.ge [sflag:s12], $0x4000  }
0x98: {  	s15 =	simm.s32 $0xFFFFFFF8;
	[sflag:s12] =	ssyncset.done $0x0  }
0x99: {  	s16 =	simm.s32 $0x10040;
	s17 =	simm.s32 $0x14040;
	[sflag:s12] =	ssyncadd.s32 $0xFFFFC000  }
.LBB2_6:
0x9a: {  	v3 =	vld [tilespmem:s17+$0xFFFFFFC0];
	_ =	sdelay $0x1  }
0x9b: {  	v4 =	vld [tilespmem:s16+$0xFFFFFFC0];
	_ =	sdelay $0x2  }
0x9c: {  	v5 =	vsub.s32 v3, v0  }
0x9d: {  	vm0 =	vlt.u32 v5, $0x40  }
0x9e: {  	v4 =	vnsel vm0, $0x0, v4  }
0x9f: {  	v5 =	vshll.u32 v5, $0xA;
	v6 =	vshll.u32 v4, $0x3  }
0xa0: {  	v3 =	vshll.u32 v3, $0x7;
	v5 =	vand.u32 $0xFFFFE000, v5;
	v6 =	vand.u32 $0xFFFFFC00, v6  }
0xa1: {  	v3 =	vand.u32 $0x380, v3;
	v5 =	vadd.s32 v5, v6  }
0xa2: {  	v4 =	vand.u32 $0x7F, v4;
	v3 =	vor.u32 v3, v5  }
0xa3: {  	v3 =	vor.u32 v4, v3;
	_ =	sdelay $0x4  }
0xa4: {  	[tilespmem:v3+s2+$0x0] =	vst.idx.add.f32.msk vm0, v2  }
0xa5: {  	v3 =	vld [tilespmem:s17+$0xFFFFFFD0];
	_ =	sdelay $0x1  }
0xa6: {  	v43 =	vld [tilespmem:s16+$0xFFFFFFD0];
	_ =	sdelay $0x2  }
0xa7: {  	v44 =	vsub.s32 v3, v0  }
0xa8: {  	vm9 =	vlt.u32 v44, $0x40  }
0xa9: {  	v4 =	vnsel vm9, $0x0, v43  }
0xaa: {  	v5 =	vshll.u32 v44, $0xA;
	v45 =	vshll.u32 v4, $0x3  }
0xab: {  	v3 =	vshll.u32 v3, $0x7;
	v5 =	vand.u32 $0xFFFFE000, v5;
	v6 =	vand.u32 $0xFFFFFC00, v45  }
0xac: {  	v3 =	vand.u32 $0x380, v3;
	v5 =	vadd.s32 v5, v6  }
0xad: {  	v4 =	vand.u32 $0x7F, v4;
	v3 =	vor.u32 v3, v5  }
0xae: {  	v3 =	vor.u32 v4, v3;
	_ =	sdelay $0x4  }
0xaf: {  	[tilespmem:v3+s2+$0x0] =	vst.idx.add.f32.msk vm9, v2  }
0xb0: {  	v3 =	vld [tilespmem:s17+$0xFFFFFFE0];
	_ =	sdelay $0x1  }
0xb1: {  	v46 =	vld [tilespmem:s16+$0xFFFFFFE0];
	_ =	sdelay $0x2  }
0xb2: {  	v47 =	vsub.s32 v3, v0  }
0xb3: {  	vm10 =	vlt.u32 v47, $0x40  }
0xb4: {  	v4 =	vnsel vm10, $0x0, v46  }
0xb5: {  	v5 =	vshll.u32 v47, $0xA;
	v48 =	vshll.u32 v4, $0x3  }
0xb6: {  	v3 =	vshll.u32 v3, $0x7;
	v5 =	vand.u32 $0xFFFFE000, v5;
	v6 =	vand.u32 $0xFFFFFC00, v48  }
0xb7: {  	v3 =	vand.u32 $0x380, v3;
	v5 =	vadd.s32 v5, v6  }
0xb8: {  	v4 =	vand.u32 $0x7F, v4;
	v3 =	vor.u32 v3, v5  }
0xb9: {  	v3 =	vor.u32 v4, v3;
	_ =	sdelay $0x4  }
0xba: {  	[tilespmem:v3+s2+$0x0] =	vst.idx.add.f32.msk vm10, v2  }
0xbb: {  	v3 =	vld [tilespmem:s17+$0xFFFFFFF0];
	_ =	sdelay $0x1  }
0xbc: {  	v49 =	vld [tilespmem:s16+$0xFFFFFFF0];
	_ =	sdelay $0x2  }
0xbd: {  	v50 =	vsub.s32 v3, v0  }
0xbe: {  	vm11 =	vlt.u32 v50, $0x40  }
0xbf: {  	v4 =	vnsel vm11, $0x0, v49  }
0xc0: {  	v5 =	vshll.u32 v50, $0xA;
	v51 =	vshll.u32 v4, $0x3  }
0xc1: {  	v3 =	vshll.u32 v3, $0x7;
	v5 =	vand.u32 $0xFFFFE000, v5;
	v6 =	vand.u32 $0xFFFFFC00, v51  }
0xc2: {  	v3 =	vand.u32 $0x380, v3;
	v5 =	vadd.s32 v5, v6  }
0xc3: {  	v4 =	vand.u32 $0x7F, v4;
	v3 =	vor.u32 v3, v5  }
0xc4: {  	v3 =	vor.u32 v4, v3;
	_ =	sdelay $0x4  }
0xc5: {  	[tilespmem:v3+s2+$0x0] =	vst.idx.add.f32.msk vm11, v2  }
0xc6: {  	v3 =	vld [tilespmem:s17+$0x0];
	_ =	sdelay $0x1  }
0xc7: {  	v52 =	vld [tilespmem:s16+$0x0];
	_ =	sdelay $0x2  }
0xc8: {  	v53 =	vsub.s32 v3, v0  }
0xc9: {  	vm12 =	vlt.u32 v53, $0x40  }
0xca: {  	v4 =	vnsel vm12, $0x0, v52  }
0xcb: {  	v5 =	vshll.u32 v53, $0xA;
	v54 =	vshll.u32 v4, $0x3  }
0xcc: {  	v3 =	vshll.u32 v3, $0x7;
	v5 =	vand.u32 $0xFFFFE000, v5;
	v6 =	vand.u32 $0xFFFFFC00, v54  }
0xcd: {  	v3 =	vand.u32 $0x380, v3;
	v5 =	vadd.s32 v5, v6  }
0xce: {  	v4 =	vand.u32 $0x7F, v4;
	v3 =	vor.u32 v3, v5  }
0xcf: {  	v3 =	vor.u32 v4, v3;
	_ =	sdelay $0x4  }
0xd0: {  	[tilespmem:v3+s2+$0x0] =	vst.idx.add.f32.msk vm12, v2  }
0xd1: {  	v3 =	vld [tilespmem:s17+$0x10];
	_ =	sdelay $0x1  }
0xd2: {  	v55 =	vld [tilespmem:s16+$0x10];
	_ =	sdelay $0x2  }
0xd3: {  	v56 =	vsub.s32 v3, v0  }
0xd4: {  	vm13 =	vlt.u32 v56, $0x40  }
0xd5: {  	v4 =	vnsel vm13, $0x0, v55  }
0xd6: {  	v5 =	vshll.u32 v56, $0xA;
	v57 =	vshll.u32 v4, $0x3  }
0xd7: {  	v3 =	vshll.u32 v3, $0x7;
	v5 =	vand.u32 $0xFFFFE000, v5;
	v6 =	vand.u32 $0xFFFFFC00, v57  }
0xd8: {  	v3 =	vand.u32 $0x380, v3;
	v5 =	vadd.s32 v5, v6  }
0xd9: {  	v4 =	vand.u32 $0x7F, v4;
	v3 =	vor.u32 v3, v5  }
0xda: {  	v3 =	vor.u32 v4, v3;
	_ =	sdelay $0x4  }
0xdb: {  	[tilespmem:v3+s2+$0x0] =	vst.idx.add.f32.msk vm13, v2  }
0xdc: {  	v3 =	vld [tilespmem:s17+$0x20];
	_ =	sdelay $0x1  }
0xdd: {  	v58 =	vld [tilespmem:s16+$0x20];
	_ =	sdelay $0x2  }
0xde: {  	v59 =	vsub.s32 v3, v0  }
0xdf: {  	vm14 =	vlt.u32 v59, $0x40  }
0xe0: {  	v4 =	vnsel vm14, $0x0, v58  }
0xe1: {  	v5 =	vshll.u32 v59, $0xA;
	v60 =	vshll.u32 v4, $0x3  }
0xe2: {  	v3 =	vshll.u32 v3, $0x7;
	v5 =	vand.u32 $0xFFFFE000, v5;
	v6 =	vand.u32 $0xFFFFFC00, v60  }
0xe3: {  	v3 =	vand.u32 $0x380, v3;
	v5 =	vadd.s32 v5, v6  }
0xe4: {  	v4 =	vand.u32 $0x7F, v4;
	v3 =	vor.u32 v3, v5  }
0xe5: {  	v3 =	vor.u32 v4, v3;
	_ =	sdelay $0x4  }
0xe6: {  	[tilespmem:v3+s2+$0x0] =	vst.idx.add.f32.msk vm14, v2  }
0xe7: {  	v3 =	vld [tilespmem:s17+$0x30];
	_ =	sdelay $0x1  }
0xe8: {  	v61 =	vld [tilespmem:s16+$0x30];
	_ =	sdelay $0x2  }
0xe9: {  	v62 =	vsub.s32 v3, v0  }
0xea: {  	vm15 =	vlt.u32 v62, $0x40  }
0xeb: {  	v4 =	vnsel vm15, $0x0, v61  }
0xec: {  	v5 =	vshll.u32 v62, $0xA;
	v63 =	vshll.u32 v4, $0x3  }
0xed: {  	v3 =	vshll.u32 v3, $0x7;
	v5 =	vand.u32 $0xFFFFE000, v5;
	v6 =	vand.u32 $0xFFFFFC00, v63  }
0xee: {  	v3 =	vand.u32 $0x380, v3;
	v5 =	vadd.s32 v5, v6  }
0xef: {  	s15 =	sadd.s32 $0x8, s15;
	v4 =	vand.u32 $0x7F, v4;
	v3 =	vor.u32 v3, v5  }
0xf0: {  	p0 =	slt.u32 s15, $0x3F8;
	v3 =	vor.u32 v4, v3  }
.Ltmp2:
0xf1: {  	_ = 	snop;
	(pc) =	sbr.rel @p0 .LBB2_6-.Ltmp2, $2  }
0xf2: {  	_ =	sdelay $0x2  }
0xf3: {  	s16 =	sadd.s32 $0x80, s16;
	s17 =	sadd.s32 $0x80, s17;
	[tilespmem:v3+s2+$0x0] =	vst.idx.add.f32.msk vm15, v2  }
0xf4: {  	s14 =	sadd.s32 $0x1, s14  }
0xf5: {  	p0 =	sne.s32 s14, s8  }
.Ltmp3:
0xf6: {  	_ = 	snop;
	(pc) =	sbr.rel @p0 .LBB2_1-.Ltmp3, $4  }
0xf7: {  	[hbm4b:s7+s2] =	stream.linear.scatter [tilespmem:s2], [sflag:$0x1], $0x10000, $0x38;
	[tilespmem:$0x18000] =	vst v63  }
0xf8: {  	_ =	swait.ge [sflag:s12], $0x10000  }
0xf9: {  	[sflag:s12] =	ssyncset.done $0x0  }
0xfa: {  	[sflag:s12] =	ssyncadd.s32 $0xFFFF0000  }
0xfb: {  	_ =	sfence.sel $0x180000  }
0xfc: {  	[bflag:$0x0] =	sbarrier.arrive $0xFFFF  }
0xfd: {  	p0 =	sne.s32 s1, $0x0;
	_ =	strace $0x90000047  }
0xfe: {  	s0 =	sadd.s32 @!p0 $0x100000, s0;
	[bflag:$0x2] =	sbarrier.arrive $0xFFFF  }
0xff: {  	[sflag:s0] =	ssyncadd.tile.s32 @!p0 $0x1;
	_ =	shalt  }
.Lfunc_end2:
_tile_overlayer_lowered:
.L_overlay_start_2:
0x100: {  	(tag) =	ssettag $0x2  }
0x101: {  	s0 =	rddreg [dreg:$0x0];
	s2 =	stileid.u32  }
0x102: {  	s1 =	rddreg [dreg:$0x1];
	p0 =	sne.s32 s2, $0x0  }
0x103: {  	s3 =	rddreg [dreg:$0x2];
	[bflag:$0x3] =	sbarrier.arrive $0xFFFF;
	s2 =	simm.s32 @!p0 $0x1C01  }
0x104: {  	[timem:s3], [sflag:s2] =	dma.local @!p0 [hbm:s0], s1  }
0x105: {  	s0 =	simm.s32 @!p0 $0x1  }
0x106: {  	_ =	swait.ge @!p0 [sflag:s0], s1  }
0x107: {  	s1 =	ssub.s32 @!p0 $0x0, s1;
	[sflag:s0] =	ssyncset.done @!p0 $0x0  }
0x108: {  	[sflag:s0] =	ssyncadd.s32 @!p0 s1  }
0x109: {  	[bflag:$0x3] =	sbarrier.arrive $0xFFFF  }
0x10a: {  	_ =	shalt  }

</sc_bundles>
